<compile_context>
chip_gen: v7x
topology: tpu7x:2x2x1
jax: 0.10.2.dev20260603
libtpu: 0.0.44.dev20260713+nightly
codegen_flags: <defaults>
</compile_context>

<pallas_src>
import functools

import jax
import jax.numpy as jnp
import numpy as np
from jax import lax
from jax.experimental import pallas as pl
from jax.experimental.pallas import tpu as pltpu
from jax.experimental.pallas import tpu_sc as plsc

B = 4
S = 4096
D = 768
LANES = 16
G = D // (2 * LANES)
GU = 4

NC, NS = 2, 16
NW = NC * NS
POS_PER_W = S // NW
C = 16
NCH = POS_PER_W // C
ROWS = B * C


def _pe_np() -> np.ndarray:
    pos = np.arange(S, dtype=np.float32)[:, None]
    i = np.arange(0, D, 2, dtype=np.float32)
    div = np.power(10000.0, (i / np.float32(D)).astype(np.float32))
    pe = np.zeros((S, D), np.float32)
    pe[:, 0::2] = np.sin(pos / div)
    pe[:, 1::2] = np.cos(pos / div)
    return pe


def _pe_packed() -> np.ndarray:
    pe = _pe_np().reshape(S, G, 2, LANES)
    u = pe.view(np.uint32)
    bf = ((u + 0x7FFF + ((u >> 16) & 1)) >> 16).astype(np.uint32)
    words = bf[:, :, 0, :] | (bf[:, :, 1, :] << 16)
    return words.reshape(S * D // 2).view(np.int32)


_PE_PACKED = _pe_packed()

_MESH = plsc.VectorSubcoreMesh(core_axis_name="c", subcore_axis_name="s")


@functools.partial(
    pl.kernel,
    mesh=_MESH,
    out_type=jax.ShapeDtypeStruct((B, S, D), jnp.float32),
    scratch_types=[
        pltpu.VMEM((B, POS_PER_W), jnp.int32),
        pltpu.VMEM((ROWS, D), jnp.float32),
        pltpu.VMEM((ROWS, D), jnp.float32),
        pltpu.VMEM((C * D // 2,), jnp.int32),
        pltpu.VMEM((C * D // 2,), jnp.int32),
        pltpu.SemaphoreType.DMA,
        pltpu.SemaphoreType.DMA,
        pltpu.SemaphoreType.DMA,
        pltpu.SemaphoreType.DMA,
        pltpu.SemaphoreType.DMA,
        pltpu.SemaphoreType.DMA,
        pltpu.SemaphoreType.DMA,
    ],
)
def _emb_kernel(x_hbm, table_hbm, pe_hbm, out_hbm,
                xtmp, rows0, rows1, pe0, pe1,
                xsem, gsem0, gsem1, psem0, psem1, osem0, osem1):
    rows = (rows0, rows1)
    pes = (pe0, pe1)
    gsems = (gsem0, gsem1)
    psems = (psem0, psem1)
    osems = (osem0, osem1)

    wid = lax.axis_index("c") * NS + lax.axis_index("s")
    base = wid * POS_PER_W

    xhs = [
        pltpu.async_copy(x_hbm.at[b, pl.ds(base, POS_PER_W)], xtmp.at[b], xsem)
        for b in range(B)
    ]
    for h in xhs:
        h.wait()

    def start_chunk(j):
        buf = j % 2
        ghs = [
            pltpu.async_copy(
                table_hbm.at[xtmp.at[b, pl.ds(j * C, C)]],
                rows[buf].at[pl.ds(b * C, C)],
                gsems[buf],
            )
            for b in range(B)
        ]
        ph = pltpu.async_copy(
            pe_hbm.at[pl.ds((base + j * C) * (D // 2), C * D // 2)],
            pes[buf],
            psems[buf],
        )
        return ghs, ph

    out_hs = [None, None]
    pending = {0: start_chunk(0)}
    for j in range(NCH):
        cur = j % 2
        nxt = 1 - cur
        if j + 1 < NCH:
            if out_hs[nxt] is not None:
                for h in out_hs[nxt]:
                    h.wait()
                out_hs[nxt] = None
            pending[j + 1] = start_chunk(j + 1)
        ghs, ph = pending.pop(j)
        for h in ghs:
            h.wait()
        ph.wait()

        rbuf = rows[cur]
        pbuf = pes[cur]

        def _row_body(r, _):
            rd2 = r * (D // 2)

            @plsc.parallel_loop(0, G, 1, unroll=GU)
            def _col_body(g):
                off = g * (2 * LANES)
                w = pbuf[pl.ds(rd2 + g * LANES, LANES)]
                pa = lax.bitcast_convert_type(w << 16, jnp.float32)
                pb = lax.bitcast_convert_type(w & jnp.int32(-65536), jnp.float32)
                for b in range(B):
                    row = b * C + r
                    rbuf[row, pl.ds(off, LANES)] = (
                        rbuf[row, pl.ds(off, LANES)] + pa
                    )
                    rbuf[row, pl.ds(off + LANES, LANES)] = (
                        rbuf[row, pl.ds(off + LANES, LANES)] + pb
                    )

            return 0


        out_hs[cur] = [
            pltpu.async_copy(
                rbuf.at[pl.ds(b * C, C)],
                out_hbm.at[b, pl.ds(base + j * C, C)],
                osems[cur],
            )
            for b in range(B)
        ]
    for hs in out_hs:
        if hs is not None:
            for h in hs:
                h.wait()


def kernel(x, table):
    pe = jnp.asarray(_PE_PACKED)
    return _emb_kernel(x, table, pe)

# --- scband reference (transcript-rebuilt; emitter-appended) ---
"""Pipeline reference for scband-transformer-embedding-30185030156394 (READ-ONLY COPY).

The authoritative reference and input builder live on the scoring server;
editing this copy changes nothing except your own understanding.
"""

import jax, jax.numpy as jnp
import numpy as np

VOCAB = 100000
D_MODEL = 768
MAX_LEN = 8192
BATCH = 4
SEQ = 4096

def _sinusoid_pe(max_len, d_model):
    pos = jnp.arange(max_len, dtype=jnp.float32)[:, None]
    i = jnp.arange(0, d_model, 2, dtype=jnp.float32)
    div = jnp.power(10000.0, i / d_model)
    pe = jnp.zeros((max_len, d_model), dtype=jnp.float32)
    pe = pe.at[:, 0::2].set(jnp.sin(pos / div))
    pe = pe.at[:, 1::2].set(jnp.cos(pos / div))
    return pe

def setup_inputs(seed: int = 0) -> dict:
    key = jax.random.key(seed)
    k1, k2 = jax.random.split(key)
    x = jax.random.randint(k1, (BATCH, SEQ), 0, VOCAB, dtype=jnp.int64 if jax.config.jax_enable_x64 else jnp.int32)
    table = jax.random.normal(k2, (VOCAB, D_MODEL), dtype=jnp.float32)
    return {"x": x, "table": table}

def reference(x, table):
    # token embedding: gather rows from table
    token_emb = jnp.take(table, x, axis=0)  # [B, S, D]
    # sinusoidal positional encoding, sliced to current seq_len
    pe = _sinusoid_pe(MAX_LEN, D_MODEL)[: x.shape[1], :]  # [S, D]
    out = token_emb + pe[None, :, :]
    # dropout with p=0.0 (eval/identity)
    return out

if __name__ == "__main__":
    import jax
    _d = setup_inputs()
    print(jax.jit(kernel)(*tuple(_d.values())))

</pallas_src>

<mosaic_0001>
#map = affine_map<(d0, d1) -> (0, 0)>
#map1 = affine_map<(d0, d1) -> (0)>
#map2 = affine_map<(d0, d1) -> (0, 0, 0)>
module attributes {stable_mosaic.version = 14 : i64} {
  func.func @_emb_kernel(%arg0: i32, %arg1: i32, %arg2: memref<4x4096xi32, #tpu.memory_space<hbm>>, %arg3: memref<100000x768xf32, #tpu.memory_space<hbm>>, %arg4: memref<1572864xi32, #tpu.memory_space<hbm>>, %arg5: memref<4x4096x768xf32, #tpu.memory_space<hbm>>, %arg6: memref<4x128xi32, #tpu.memory_space<vmem>>, %arg7: memref<64x768xf32, #tpu.memory_space<vmem>>, %arg8: memref<64x768xf32, #tpu.memory_space<vmem>>, %arg9: memref<6144xi32, #tpu.memory_space<vmem>>, %arg10: memref<6144xi32, #tpu.memory_space<vmem>>, %arg11: memref<!tpu.dma_semaphore, #tpu.memory_space<semaphore_mem>>, %arg12: memref<!tpu.dma_semaphore, #tpu.memory_space<semaphore_mem>>, %arg13: memref<!tpu.dma_semaphore, #tpu.memory_space<semaphore_mem>>, %arg14: memref<!tpu.dma_semaphore, #tpu.memory_space<semaphore_mem>>, %arg15: memref<!tpu.dma_semaphore, #tpu.memory_space<semaphore_mem>>, %arg16: memref<!tpu.dma_semaphore, #tpu.memory_space<semaphore_mem>>, %arg17: memref<!tpu.dma_semaphore, #tpu.memory_space<semaphore_mem>>) attributes {dimension_semantics = [#tpu.dimension_semantics<core_parallel>, #tpu.dimension_semantics<subcore_parallel>], iteration_bounds = array<i64: 2, 16>, scalar_prefetch = 0 : i64, scratch_operands = 12 : i64, tpu.core_type = #tpu.core_type<sc_vector_subcore>, window_params = [{transform_indices = #map}, {transform_indices = #map}, {transform_indices = #map1}, {transform_indices = #map2}]} {
    %mul3A = arith.constant 16 : i32
    %mul3A_0 = arith.muli %arg0, %mul3A : i32
    %add3A = arith.addi %mul3A_0, %arg1 : i32
    %mul3A_1 = arith.constant 128 : i32
    %mul3A_2 = arith.muli %add3A, %mul3A_1 : i32
    %dma_start3A = arith.constant 0 : i32
    %dma_start3A_3 = arith.constant 0 : i32
    %dma_start3A_4 = arith.constant 0 : i32
    %dma_start3A_5 = tpu.memref_slice %arg6[%dma_start3A_3, %dma_start3A_4] : memref<4x128xi32, #tpu.memory_space<vmem>> -> memref<1x128xi32, #tpu.memory_space<vmem>>
    %dma_start3A_6 = tpu.memref_squeeze %dma_start3A_5 : memref<1x128xi32, #tpu.memory_space<vmem>> -> memref<128xi32, #tpu.memory_space<vmem>>
    %dma_start3A_7 = tpu.memref_slice %arg2[%dma_start3A, %mul3A_2] : memref<4x4096xi32, #tpu.memory_space<hbm>> -> memref<1x128xi32, #tpu.memory_space<hbm>>
    %dma_start3A_8 = tpu.memref_squeeze %dma_start3A_7 : memref<1x128xi32, #tpu.memory_space<hbm>> -> memref<128xi32, #tpu.memory_space<hbm>>
    %dma_start3A_9 = arith.constant 0 : i32
    %dma_start3A_10 = tpu.memref_slice %arg6[%dma_start3A_3, %dma_start3A_9] : memref<4x128xi32, #tpu.memory_space<vmem>> -> memref<1x128xi32, #tpu.memory_space<vmem>>
    %dma_start3A_11 = tpu.memref_squeeze %dma_start3A_10 : memref<1x128xi32, #tpu.memory_space<vmem>> -> memref<128xi32, #tpu.memory_space<vmem>>
    %dma_start3A_12 = tpu.memref_slice %arg2[%dma_start3A, %mul3A_2] : memref<4x4096xi32, #tpu.memory_space<hbm>> -> memref<1x128xi32, #tpu.memory_space<hbm>>
    %dma_start3A_13 = tpu.memref_squeeze %dma_start3A_12 : memref<1x128xi32, #tpu.memory_space<hbm>> -> memref<128xi32, #tpu.memory_space<hbm>>
    tpu.enqueue_dma source(%dma_start3A_13 : memref<128xi32, #tpu.memory_space<hbm>>) target(%dma_start3A_11 : memref<128xi32, #tpu.memory_space<vmem>>) target_semaphore(%arg11 : memref<!tpu.dma_semaphore, #tpu.memory_space<semaphore_mem>>)
    %dma_start3A_14 = arith.constant 1 : i32
    %dma_start3A_15 = arith.constant 1 : i32
    %dma_start3A_16 = arith.constant 0 : i32
    %dma_start3A_17 = tpu.memref_slice %arg6[%dma_start3A_15, %dma_start3A_16] : memref<4x128xi32, #tpu.memory_space<vmem>> -> memref<1x128xi32, #tpu.memory_space<vmem>>
    %dma_start3A_18 = tpu.memref_squeeze %dma_start3A_17 : memref<1x128xi32, #tpu.memory_space<vmem>> -> memref<128xi32, #tpu.memory_space<vmem>>
    %dma_start3A_19 = tpu.memref_slice %arg2[%dma_start3A_14, %mul3A_2] : memref<4x4096xi32, #tpu.memory_space<hbm>> -> memref<1x128xi32, #tpu.memory_space<hbm>>
    %dma_start3A_20 = tpu.memref_squeeze %dma_start3A_19 : memref<1x128xi32, #tpu.memory_space<hbm>> -> memref<128xi32, #tpu.memory_space<hbm>>
    %dma_start3A_21 = arith.constant 0 : i32
    %dma_start3A_22 = tpu.memref_slice %arg6[%dma_start3A_15, %dma_start3A_21] : memref<4x128xi32, #tpu.memory_space<vmem>> -> memref<1x128xi32, #tpu.memory_space<vmem>>
    %dma_start3A_23 = tpu.memref_squeeze %dma_start3A_22 : memref<1x128xi32, #tpu.memory_space<vmem>> -> memref<128xi32, #tpu.memory_space<vmem>>
    %dma_start3A_24 = tpu.memref_slice %arg2[%dma_start3A_14, %mul3A_2] : memref<4x4096xi32, #tpu.memory_space<hbm>> -> memref<1x128xi32, #tpu.memory_space<hbm>>
    %dma_start3A_25 = tpu.memref_squeeze %dma_start3A_24 : memref<1x128xi32, #tpu.memory_space<hbm>> -> memref<128xi32, #tpu.memory_space<hbm>>
    tpu.enqueue_dma source(%dma_start3A_25 : memref<128xi32, #tpu.memory_space<hbm>>) target(%dma_start3A_23 : memref<128xi32, #tpu.memory_space<vmem>>) target_semaphore(%arg11 : memref<!tpu.dma_semaphore, #tpu.memory_space<semaphore_mem>>)
    %dma_start3A_26 = arith.constant 2 : i32
    %dma_start3A_27 = arith.constant 2 : i32
    %dma_start3A_28 = arith.constant 0 : i32
    %dma_start3A_29 = tpu.memref_slice %arg6[%dma_start3A_27, %dma_start3A_28] : memref<4x128xi32, #tpu.memory_space<vmem>> -> memref<1x128xi32, #tpu.memory_space<vmem>>
    %dma_start3A_30 = tpu.memref_squeeze %dma_start3A_29 : memref<1x128xi32, #tpu.memory_space<vmem>> -> memref<128xi32, #tpu.memory_space<vmem>>
    %dma_start3A_31 = tpu.memref_slice %arg2[%dma_start3A_26, %mul3A_2] : memref<4x4096xi32, #tpu.memory_space<hbm>> -> memref<1x128xi32, #tpu.memory_space<hbm>>
    %dma_start3A_32 = tpu.memref_squeeze %dma_start3A_31 : memref<1x128xi32, #tpu.memory_space<hbm>> -> memref<128xi32, #tpu.memory_space<hbm>>
    %dma_start3A_33 = arith.constant 0 : i32
    %dma_start3A_34 = tpu.memref_slice %arg6[%dma_start3A_27, %dma_start3A_33] : memref<4x128xi32, #tpu.memory_space<vmem>> -> memref<1x128xi32, #tpu.memory_space<vmem>>
    %dma_start3A_35 = tpu.memref_squeeze %dma_start3A_34 : memref<1x128xi32, #tpu.memory_space<vmem>> -> memref<128xi32, #tpu.memory_space<vmem>>
    %dma_start3A_36 = tpu.memref_slice %arg2[%dma_start3A_26, %mul3A_2] : memref<4x4096xi32, #tpu.memory_space<hbm>> -> memref<1x128xi32, #tpu.memory_space<hbm>>
    %dma_start3A_37 = tpu.memref_squeeze %dma_start3A_36 : memref<1x128xi32, #tpu.memory_space<hbm>> -> memref<128xi32, #tpu.memory_space<hbm>>
    tpu.enqueue_dma source(%dma_start3A_37 : memref<128xi32, #tpu.memory_space<hbm>>) target(%dma_start3A_35 : memref<128xi32, #tpu.memory_space<vmem>>) target_semaphore(%arg11 : memref<!tpu.dma_semaphore, #tpu.memory_space<semaphore_mem>>)
    %dma_start3A_38 = arith.constant 3 : i32
    %dma_start3A_39 = arith.constant 3 : i32
    %dma_start3A_40 = arith.constant 0 : i32
    %dma_start3A_41 = tpu.memref_slice %arg6[%dma_start3A_39, %dma_start3A_40] : memref<4x128xi32, #tpu.memory_space<vmem>> -> memref<1x128xi32, #tpu.memory_space<vmem>>
    %dma_start3A_42 = tpu.memref_squeeze %dma_start3A_41 : memref<1x128xi32, #tpu.memory_space<vmem>> -> memref<128xi32, #tpu.memory_space<vmem>>
    %dma_start3A_43 = tpu.memref_slice %arg2[%dma_start3A_38, %mul3A_2] : memref<4x4096xi32, #tpu.memory_space<hbm>> -> memref<1x128xi32, #tpu.memory_space<hbm>>
    %dma_start3A_44 = tpu.memref_squeeze %dma_start3A_43 : memref<1x128xi32, #tpu.memory_space<hbm>> -> memref<128xi32, #tpu.memory_space<hbm>>
    %dma_start3A_45 = arith.constant 0 : i32
    %dma_start3A_46 = tpu.memref_slice %arg6[%dma_start3A_39, %dma_start3A_45] : memref<4x128xi32, #tpu.memory_space<vmem>> -> memref<1x128xi32, #tpu.memory_space<vmem>>
    %dma_start3A_47 = tpu.memref_squeeze %dma_start3A_46 : memref<1x128xi32, #tpu.memory_space<vmem>> -> memref<128xi32, #tpu.memory_space<vmem>>
    %dma_start3A_48 = tpu.memref_slice %arg2[%dma_start3A_38, %mul3A_2] : memref<4x4096xi32, #tpu.memory_space<hbm>> -> memref<1x128xi32, #tpu.memory_space<hbm>>
    %dma_start3A_49 = tpu.memref_squeeze %dma_start3A_48 : memref<1x128xi32, #tpu.memory_space<hbm>> -> memref<128xi32, #tpu.memory_space<hbm>>
    tpu.enqueue_dma source(%dma_start3A_49 : memref<128xi32, #tpu.memory_space<hbm>>) target(%dma_start3A_47 : memref<128xi32, #tpu.memory_space<vmem>>) target_semaphore(%arg11 : memref<!tpu.dma_semaphore, #tpu.memory_space<semaphore_mem>>)
    %dma_wait3A = arith.constant 0 : i32
    %dma_wait3A_50 = arith.constant 0 : i32
    %dma_wait3A_51 = arith.constant 0 : i32
    %dma_wait3A_52 = tpu.memref_slice %arg6[%dma_wait3A_50, %dma_wait3A_51] : memref<4x128xi32, #tpu.memory_space<vmem>> -> memref<1x128xi32, #tpu.memory_space<vmem>>
    %dma_wait3A_53 = tpu.memref_squeeze %dma_wait3A_52 : memref<1x128xi32, #tpu.memory_space<vmem>> -> memref<128xi32, #tpu.memory_space<vmem>>
    %dma_wait3A_54 = tpu.memref_slice %arg2[%dma_wait3A, %mul3A_2] : memref<4x4096xi32, #tpu.memory_space<hbm>> -> memref<1x128xi32, #tpu.memory_space<hbm>>
    %dma_wait3A_55 = tpu.memref_squeeze %dma_wait3A_54 : memref<1x128xi32, #tpu.memory_space<hbm>> -> memref<128xi32, #tpu.memory_space<hbm>>
    %dma_wait3A_56 = arith.constant 0 : i32
    %dma_wait3A_57 = tpu.memref_slice %arg6[%dma_wait3A_50, %dma_wait3A_56] : memref<4x128xi32, #tpu.memory_space<vmem>> -> memref<1x128xi32, #tpu.memory_space<vmem>>
    %dma_wait3A_58 = tpu.memref_squeeze %dma_wait3A_57 : memref<1x128xi32, #tpu.memory_space<vmem>> -> memref<128xi32, #tpu.memory_space<vmem>>
    %dma_wait3A_59 = tpu.memref_slice %arg2[%dma_wait3A, %mul3A_2] : memref<4x4096xi32, #tpu.memory_space<hbm>> -> memref<1x128xi32, #tpu.memory_space<hbm>>
    %dma_wait3A_60 = tpu.memref_squeeze %dma_wait3A_59 : memref<1x128xi32, #tpu.memory_space<hbm>> -> memref<128xi32, #tpu.memory_space<hbm>>
    tpu.wait_dma2 semaphore(%arg11 : memref<!tpu.dma_semaphore, #tpu.memory_space<semaphore_mem>>) src(%dma_wait3A_60 : memref<128xi32, #tpu.memory_space<hbm>>) dst(%dma_wait3A_58 : memref<128xi32, #tpu.memory_space<vmem>>)
    %dma_wait3A_61 = arith.constant 1 : i32
    %dma_wait3A_62 = arith.constant 1 : i32
    %dma_wait3A_63 = arith.constant 0 : i32
    %dma_wait3A_64 = tpu.memref_slice %arg6[%dma_wait3A_62, %dma_wait3A_63] : memref<4x128xi32, #tpu.memory_space<vmem>> -> memref<1x128xi32, #tpu.memory_space<vmem>>
    %dma_wait3A_65 = tpu.memref_squeeze %dma_wait3A_64 : memref<1x128xi32, #tpu.memory_space<vmem>> -> memref<128xi32, #tpu.memory_space<vmem>>
    %dma_wait3A_66 = tpu.memref_slice %arg2[%dma_wait3A_61, %mul3A_2] : memref<4x4096xi32, #tpu.memory_space<hbm>> -> memref<1x128xi32, #tpu.memory_space<hbm>>
    %dma_wait3A_67 = tpu.memref_squeeze %dma_wait3A_66 : memref<1x128xi32, #tpu.memory_space<hbm>> -> memref<128xi32, #tpu.memory_space<hbm>>
    %dma_wait3A_68 = arith.constant 0 : i32
    %dma_wait3A_69 = tpu.memref_slice %arg6[%dma_wait3A_62, %dma_wait3A_68] : memref<4x128xi32, #tpu.memory_space<vmem>> -> memref<1x128xi32, #tpu.memory_space<vmem>>
    %dma_wait3A_70 = tpu.memref_squeeze %dma_wait3A_69 : memref<1x128xi32, #tpu.memory_space<vmem>> -> memref<128xi32, #tpu.memory_space<vmem>>
    %dma_wait3A_71 = tpu.memref_slice %arg2[%dma_wait3A_61, %mul3A_2] : memref<4x4096xi32, #tpu.memory_space<hbm>> -> memref<1x128xi32, #tpu.memory_space<hbm>>
    %dma_wait3A_72 = tpu.memref_squeeze %dma_wait3A_71 : memref<1x128xi32, #tpu.memory_space<hbm>> -> memref<128xi32, #tpu.memory_space<hbm>>
    tpu.wait_dma2 semaphore(%arg11 : memref<!tpu.dma_semaphore, #tpu.memory_space<semaphore_mem>>) src(%dma_wait3A_72 : memref<128xi32, #tpu.memory_space<hbm>>) dst(%dma_wait3A_70 : memref<128xi32, #tpu.memory_space<vmem>>)
    %dma_wait3A_73 = arith.constant 2 : i32
    %dma_wait3A_74 = arith.constant 2 : i32
    %dma_wait3A_75 = arith.constant 0 : i32
    %dma_wait3A_76 = tpu.memref_slice %arg6[%dma_wait3A_74, %dma_wait3A_75] : memref<4x128xi32, #tpu.memory_space<vmem>> -> memref<1x128xi32, #tpu.memory_space<vmem>>
    %dma_wait3A_77 = tpu.memref_squeeze %dma_wait3A_76 : memref<1x128xi32, #tpu.memory_space<vmem>> -> memref<128xi32, #tpu.memory_space<vmem>>
    %dma_wait3A_78 = tpu.memref_slice %arg2[%dma_wait3A_73, %mul3A_2] : memref<4x4096xi32, #tpu.memory_space<hbm>> -> memref<1x128xi32, #tpu.memory_space<hbm>>
    %dma_wait3A_79 = tpu.memref_squeeze %dma_wait3A_78 : memref<1x128xi32, #tpu.memory_space<hbm>> -> memref<128xi32, #tpu.memory_space<hbm>>
    %dma_wait3A_80 = arith.constant 0 : i32
    %dma_wait3A_81 = tpu.memref_slice %arg6[%dma_wait3A_74, %dma_wait3A_80] : memref<4x128xi32, #tpu.memory_space<vmem>> -> memref<1x128xi32, #tpu.memory_space<vmem>>
    %dma_wait3A_82 = tpu.memref_squeeze %dma_wait3A_81 : memref<1x128xi32, #tpu.memory_space<vmem>> -> memref<128xi32, #tpu.memory_space<vmem>>
    %dma_wait3A_83 = tpu.memref_slice %arg2[%dma_wait3A_73, %mul3A_2] : memref<4x4096xi32, #tpu.memory_space<hbm>> -> memref<1x128xi32, #tpu.memory_space<hbm>>
    %dma_wait3A_84 = tpu.memref_squeeze %dma_wait3A_83 : memref<1x128xi32, #tpu.memory_space<hbm>> -> memref<128xi32, #tpu.memory_space<hbm>>
    tpu.wait_dma2 semaphore(%arg11 : memref<!tpu.dma_semaphore, #tpu.memory_space<semaphore_mem>>) src(%dma_wait3A_84 : memref<128xi32, #tpu.memory_space<hbm>>) dst(%dma_wait3A_82 : memref<128xi32, #tpu.memory_space<vmem>>)
    %dma_wait3A_85 = arith.constant 3 : i32
    %dma_wait3A_86 = arith.constant 3 : i32
    %dma_wait3A_87 = arith.constant 0 : i32
    %dma_wait3A_88 = tpu.memref_slice %arg6[%dma_wait3A_86, %dma_wait3A_87] : memref<4x128xi32, #tpu.memory_space<vmem>> -> memref<1x128xi32, #tpu.memory_space<vmem>>
    %dma_wait3A_89 = tpu.memref_squeeze %dma_wait3A_88 : memref<1x128xi32, #tpu.memory_space<vmem>> -> memref<128xi32, #tpu.memory_space<vmem>>
    %dma_wait3A_90 = tpu.memref_slice %arg2[%dma_wait3A_85, %mul3A_2] : memref<4x4096xi32, #tpu.memory_space<hbm>> -> memref<1x128xi32, #tpu.memory_space<hbm>>
    %dma_wait3A_91 = tpu.memref_squeeze %dma_wait3A_90 : memref<1x128xi32, #tpu.memory_space<hbm>> -> memref<128xi32, #tpu.memory_space<hbm>>
    %dma_wait3A_92 = arith.constant 0 : i32
    %dma_wait3A_93 = tpu.memref_slice %arg6[%dma_wait3A_86, %dma_wait3A_92] : memref<4x128xi32, #tpu.memory_space<vmem>> -> memref<1x128xi32, #tpu.memory_space<vmem>>
    %dma_wait3A_94 = tpu.memref_squeeze %dma_wait3A_93 : memref<1x128xi32, #tpu.memory_space<vmem>> -> memref<128xi32, #tpu.memory_space<vmem>>
    %dma_wait3A_95 = tpu.memref_slice %arg2[%dma_wait3A_85, %mul3A_2] : memref<4x4096xi32, #tpu.memory_space<hbm>> -> memref<1x128xi32, #tpu.memory_space<hbm>>
    %dma_wait3A_96 = tpu.memref_squeeze %dma_wait3A_95 : memref<1x128xi32, #tpu.memory_space<hbm>> -> memref<128xi32, #tpu.memory_space<hbm>>
    tpu.wait_dma2 semaphore(%arg11 : memref<!tpu.dma_semaphore, #tpu.memory_space<semaphore_mem>>) src(%dma_wait3A_96 : memref<128xi32, #tpu.memory_space<hbm>>) dst(%dma_wait3A_94 : memref<128xi32, #tpu.memory_space<vmem>>)
    %dma_start3A_97 = arith.constant 0 : i32
    %dma_start3A_98 = arith.constant 0 : i32
    %dma_start3A_99 = arith.constant 0 : i32
    %dma_start3A_100 = tpu.memref_slice %arg7[%dma_start3A_98, %dma_start3A_99] : memref<64x768xf32, #tpu.memory_space<vmem>> -> memref<16x768xf32, #tpu.memory_space<vmem>>
    %dma_start3A_101 = arith.constant 0 : i32
    %dma_start3A_102 = tpu.memref_slice %arg6[%dma_start3A_97, %dma_start3A_101] : memref<4x128xi32, #tpu.memory_space<vmem>> -> memref<1x16xi32, #tpu.memory_space<vmem>>
    %dma_start3A_103 = tpu.memref_squeeze %dma_start3A_102 : memref<1x16xi32, #tpu.memory_space<vmem>> -> memref<16xi32, #tpu.memory_space<vmem>>
    %dma_start3A_104 = arith.constant 0 : i32
    %dma_start3A_105 = arith.constant 0 : i32
    %dma_start3A_106 = tpu.memref_slice %arg3[%dma_start3A_104, %dma_start3A_105] : memref<100000x768xf32, #tpu.memory_space<hbm>> -> memref<100000x768xf32, #tpu.memory_space<hbm>>
    tpu.enqueue_indirect_dma source(%dma_start3A_106 : memref<100000x768xf32, #tpu.memory_space<hbm>>) target(%dma_start3A_100 : memref<16x768xf32, #tpu.memory_space<vmem>>) offsets(%dma_start3A_103 : memref<16xi32, #tpu.memory_space<vmem>>) semaphore(%arg12 : memref<!tpu.dma_semaphore, #tpu.memory_space<semaphore_mem>>)
    %dma_start3A_107 = arith.constant 1 : i32
    %dma_start3A_108 = arith.constant 16 : i32
    %dma_start3A_109 = arith.constant 0 : i32
    %dma_start3A_110 = tpu.memref_slice %arg7[%dma_start3A_108, %dma_start3A_109] : memref<64x768xf32, #tpu.memory_space<vmem>> -> memref<16x768xf32, #tpu.memory_space<vmem>>
    %dma_start3A_111 = arith.constant 0 : i32
    %dma_start3A_112 = tpu.memref_slice %arg6[%dma_start3A_107, %dma_start3A_111] : memref<4x128xi32, #tpu.memory_space<vmem>> -> memref<1x16xi32, #tpu.memory_space<vmem>>
    %dma_start3A_113 = tpu.memref_squeeze %dma_start3A_112 : memref<1x16xi32, #tpu.memory_space<vmem>> -> memref<16xi32, #tpu.memory_space<vmem>>
    %dma_start3A_114 = arith.constant 0 : i32
    %dma_start3A_115 = arith.constant 0 : i32
    %dma_start3A_116 = tpu.memref_slice %arg3[%dma_start3A_114, %dma_start3A_115] : memref<100000x768xf32, #tpu.memory_space<hbm>> -> memref<100000x768xf32, #tpu.memory_space<hbm>>
    tpu.enqueue_indirect_dma source(%dma_start3A_116 : memref<100000x768xf32, #tpu.memory_space<hbm>>) target(%dma_start3A_110 : memref<16x768xf32, #tpu.memory_space<vmem>>) offsets(%dma_start3A_113 : memref<16xi32, #tpu.memory_space<vmem>>) semaphore(%arg12 : memref<!tpu.dma_semaphore, #tpu.memory_space<semaphore_mem>>)
    %dma_start3A_117 = arith.constant 2 : i32
    %dma_start3A_118 = arith.constant 32 : i32
    %dma_start3A_119 = arith.constant 0 : i32
    %dma_start3A_120 = tpu.memref_slice %arg7[%dma_start3A_118, %dma_start3A_119] : memref<64x768xf32, #tpu.memory_space<vmem>> -> memref<16x768xf32, #tpu.memory_space<vmem>>
    %dma_start3A_121 = arith.constant 0 : i32
    %dma_start3A_122 = tpu.memref_slice %arg6[%dma_start3A_117, %dma_start3A_121] : memref<4x128xi32, #tpu.memory_space<vmem>> -> memref<1x16xi32, #tpu.memory_space<vmem>>
    %dma_start3A_123 = tpu.memref_squeeze %dma_start3A_122 : memref<1x16xi32, #tpu.memory_space<vmem>> -> memref<16xi32, #tpu.memory_space<vmem>>
    %dma_start3A_124 = arith.constant 0 : i32
    %dma_start3A_125 = arith.constant 0 : i32
    %dma_start3A_126 = tpu.memref_slice %arg3[%dma_start3A_124, %dma_start3A_125] : memref<100000x768xf32, #tpu.memory_space<hbm>> -> memref<100000x768xf32, #tpu.memory_space<hbm>>
    tpu.enqueue_indirect_dma source(%dma_start3A_126 : memref<100000x768xf32, #tpu.memory_space<hbm>>) target(%dma_start3A_120 : memref<16x768xf32, #tpu.memory_space<vmem>>) offsets(%dma_start3A_123 : memref<16xi32, #tpu.memory_space<vmem>>) semaphore(%arg12 : memref<!tpu.dma_semaphore, #tpu.memory_space<semaphore_mem>>)
    %dma_start3A_127 = arith.constant 3 : i32
    %dma_start3A_128 = arith.constant 48 : i32
    %dma_start3A_129 = arith.constant 0 : i32
    %dma_start3A_130 = tpu.memref_slice %arg7[%dma_start3A_128, %dma_start3A_129] : memref<64x768xf32, #tpu.memory_space<vmem>> -> memref<16x768xf32, #tpu.memory_space<vmem>>
    %dma_start3A_131 = arith.constant 0 : i32
    %dma_start3A_132 = tpu.memref_slice %arg6[%dma_start3A_127, %dma_start3A_131] : memref<4x128xi32, #tpu.memory_space<vmem>> -> memref<1x16xi32, #tpu.memory_space<vmem>>
    %dma_start3A_133 = tpu.memref_squeeze %dma_start3A_132 : memref<1x16xi32, #tpu.memory_space<vmem>> -> memref<16xi32, #tpu.memory_space<vmem>>
    %dma_start3A_134 = arith.constant 0 : i32
    %dma_start3A_135 = arith.constant 0 : i32
    %dma_start3A_136 = tpu.memref_slice %arg3[%dma_start3A_134, %dma_start3A_135] : memref<100000x768xf32, #tpu.memory_space<hbm>> -> memref<100000x768xf32, #tpu.memory_space<hbm>>
    tpu.enqueue_indirect_dma source(%dma_start3A_136 : memref<100000x768xf32, #tpu.memory_space<hbm>>) target(%dma_start3A_130 : memref<16x768xf32, #tpu.memory_space<vmem>>) offsets(%dma_start3A_133 : memref<16xi32, #tpu.memory_space<vmem>>) semaphore(%arg12 : memref<!tpu.dma_semaphore, #tpu.memory_space<semaphore_mem>>)
    %add3A_137 = arith.constant 0 : i32
    %add3A_138 = arith.addi %mul3A_2, %add3A_137 : i32
    %mul3A_139 = arith.constant 384 : i32
    %mul3A_140 = arith.muli %add3A_138, %mul3A_139 : i32
    %dma_start3A_141 = tpu.memref_slice %arg4[%mul3A_140] : memref<1572864xi32, #tpu.memory_space<hbm>> -> memref<6144xi32, #tpu.memory_space<hbm>>
    %dma_start3A_142 = tpu.memref_slice %arg4[%mul3A_140] : memref<1572864xi32, #tpu.memory_space<hbm>> -> memref<6144xi32, #tpu.memory_space<hbm>>
    tpu.enqueue_dma source(%dma_start3A_142 : memref<6144xi32, #tpu.memory_space<hbm>>) target(%arg9 : memref<6144xi32, #tpu.memory_space<vmem>>) target_semaphore(%arg14 : memref<!tpu.dma_semaphore, #tpu.memory_space<semaphore_mem>>)
    %dma_start3A_143 = arith.constant 0 : i32
    %dma_start3A_144 = arith.constant 0 : i32
    %dma_start3A_145 = arith.constant 0 : i32
    %dma_start3A_146 = tpu.memref_slice %arg8[%dma_start3A_144, %dma_start3A_145] : memref<64x768xf32, #tpu.memory_space<vmem>> -> memref<16x768xf32, #tpu.memory_space<vmem>>
    %dma_start3A_147 = arith.constant 16 : i32
    %dma_start3A_148 = tpu.memref_slice %arg6[%dma_start3A_143, %dma_start3A_147] : memref<4x128xi32, #tpu.memory_space<vmem>> -> memref<1x16xi32, #tpu.memory_space<vmem>>
    %dma_start3A_149 = tpu.memref_squeeze %dma_start3A_148 : memref<1x16xi32, #tpu.memory_space<vmem>> -> memref<16xi32, #tpu.memory_space<vmem>>
    %dma_start3A_150 = arith.constant 0 : i32
    %dma_start3A_151 = arith.constant 0 : i32
    %dma_start3A_152 = tpu.memref_slice %arg3[%dma_start3A_150, %dma_start3A_151] : memref<100000x768xf32, #tpu.memory_space<hbm>> -> memref<100000x768xf32, #tpu.memory_space<hbm>>
    tpu.enqueue_indirect_dma source(%dma_start3A_152 : memref<100000x768xf32, #tpu.memory_space<hbm>>) target(%dma_start3A_146 : memref<16x768xf32, #tpu.memory_space<vmem>>) offsets(%dma_start3A_149 : memref<16xi32, #tpu.memory_space<vmem>>) semaphore(%arg13 : memref<!tpu.dma_semaphore, #tpu.memory_space<semaphore_mem>>)
    %dma_start3A_153 = arith.constant 1 : i32
    %dma_start3A_154 = arith.constant 16 : i32
    %dma_start3A_155 = arith.constant 0 : i32
    %dma_start3A_156 = tpu.memref_slice %arg8[%dma_start3A_154, %dma_start3A_155] : memref<64x768xf32, #tpu.memory_space<vmem>> -> memref<16x768xf32, #tpu.memory_space<vmem>>
    %dma_start3A_157 = arith.constant 16 : i32
    %dma_start3A_158 = tpu.memref_slice %arg6[%dma_start3A_153, %dma_start3A_157] : memref<4x128xi32, #tpu.memory_space<vmem>> -> memref<1x16xi32, #tpu.memory_space<vmem>>
    %dma_start3A_159 = tpu.memref_squeeze %dma_start3A_158 : memref<1x16xi32, #tpu.memory_space<vmem>> -> memref<16xi32, #tpu.memory_space<vmem>>
    %dma_start3A_160 = arith.constant 0 : i32
    %dma_start3A_161 = arith.constant 0 : i32
    %dma_start3A_162 = tpu.memref_slice %arg3[%dma_start3A_160, %dma_start3A_161] : memref<100000x768xf32, #tpu.memory_space<hbm>> -> memref<100000x768xf32, #tpu.memory_space<hbm>>
    tpu.enqueue_indirect_dma source(%dma_start3A_162 : memref<100000x768xf32, #tpu.memory_space<hbm>>) target(%dma_start3A_156 : memref<16x768xf32, #tpu.memory_space<vmem>>) offsets(%dma_start3A_159 : memref<16xi32, #tpu.memory_space<vmem>>) semaphore(%arg13 : memref<!tpu.dma_semaphore, #tpu.memory_space<semaphore_mem>>)
    %dma_start3A_163 = arith.constant 2 : i32
    %dma_start3A_164 = arith.constant 32 : i32
    %dma_start3A_165 = arith.constant 0 : i32
    %dma_start3A_166 = tpu.memref_slice %arg8[%dma_start3A_164, %dma_start3A_165] : memref<64x768xf32, #tpu.memory_space<vmem>> -> memref<16x768xf32, #tpu.memory_space<vmem>>
    %dma_start3A_167 = arith.constant 16 : i32
    %dma_start3A_168 = tpu.memref_slice %arg6[%dma_start3A_163, %dma_start3A_167] : memref<4x128xi32, #tpu.memory_space<vmem>> -> memref<1x16xi32, #tpu.memory_space<vmem>>
    %dma_start3A_169 = tpu.memref_squeeze %dma_start3A_168 : memref<1x16xi32, #tpu.memory_space<vmem>> -> memref<16xi32, #tpu.memory_space<vmem>>
    %dma_start3A_170 = arith.constant 0 : i32
    %dma_start3A_171 = arith.constant 0 : i32
    %dma_start3A_172 = tpu.memref_slice %arg3[%dma_start3A_170, %dma_start3A_171] : memref<100000x768xf32, #tpu.memory_space<hbm>> -> memref<100000x768xf32, #tpu.memory_space<hbm>>
    tpu.enqueue_indirect_dma source(%dma_start3A_172 : memref<100000x768xf32, #tpu.memory_space<hbm>>) target(%dma_start3A_166 : memref<16x768xf32, #tpu.memory_space<vmem>>) offsets(%dma_start3A_169 : memref<16xi32, #tpu.memory_space<vmem>>) semaphore(%arg13 : memref<!tpu.dma_semaphore, #tpu.memory_space<semaphore_mem>>)
    %dma_start3A_173 = arith.constant 3 : i32
    %dma_start3A_174 = arith.constant 48 : i32
    %dma_start3A_175 = arith.constant 0 : i32
    %dma_start3A_176 = tpu.memref_slice %arg8[%dma_start3A_174, %dma_start3A_175] : memref<64x768xf32, #tpu.memory_space<vmem>> -> memref<16x768xf32, #tpu.memory_space<vmem>>
    %dma_start3A_177 = arith.constant 16 : i32
    %dma_start3A_178 = tpu.memref_slice %arg6[%dma_start3A_173, %dma_start3A_177] : memref<4x128xi32, #tpu.memory_space<vmem>> -> memref<1x16xi32, #tpu.memory_space<vmem>>
    %dma_start3A_179 = tpu.memref_squeeze %dma_start3A_178 : memref<1x16xi32, #tpu.memory_space<vmem>> -> memref<16xi32, #tpu.memory_space<vmem>>
    %dma_start3A_180 = arith.constant 0 : i32
    %dma_start3A_181 = arith.constant 0 : i32
    %dma_start3A_182 = tpu.memref_slice %arg3[%dma_start3A_180, %dma_start3A_181] : memref<100000x768xf32, #tpu.memory_space<hbm>> -> memref<100000x768xf32, #tpu.memory_space<hbm>>
    tpu.enqueue_indirect_dma source(%dma_start3A_182 : memref<100000x768xf32, #tpu.memory_space<hbm>>) target(%dma_start3A_176 : memref<16x768xf32, #tpu.memory_space<vmem>>) offsets(%dma_start3A_179 : memref<16xi32, #tpu.memory_space<vmem>>) semaphore(%arg13 : memref<!tpu.dma_semaphore, #tpu.memory_space<semaphore_mem>>)
    %add3A_183 = arith.constant 16 : i32
    %add3A_184 = arith.addi %mul3A_2, %add3A_183 : i32
    %mul3A_185 = arith.constant 384 : i32
    %mul3A_186 = arith.muli %add3A_184, %mul3A_185 : i32
    %dma_start3A_187 = tpu.memref_slice %arg4[%mul3A_186] : memref<1572864xi32, #tpu.memory_space<hbm>> -> memref<6144xi32, #tpu.memory_space<hbm>>
    %dma_start3A_188 = tpu.memref_slice %arg4[%mul3A_186] : memref<1572864xi32, #tpu.memory_space<hbm>> -> memref<6144xi32, #tpu.memory_space<hbm>>
    tpu.enqueue_dma source(%dma_start3A_188 : memref<6144xi32, #tpu.memory_space<hbm>>) target(%arg10 : memref<6144xi32, #tpu.memory_space<vmem>>) target_semaphore(%arg15 : memref<!tpu.dma_semaphore, #tpu.memory_space<semaphore_mem>>)
    %dma_wait3A_189 = arith.constant 0 : i32
    %dma_wait3A_190 = arith.constant 0 : i32
    %dma_wait3A_191 = arith.constant 0 : i32
    %dma_wait3A_192 = tpu.memref_slice %arg7[%dma_wait3A_190, %dma_wait3A_191] : memref<64x768xf32, #tpu.memory_space<vmem>> -> memref<16x768xf32, #tpu.memory_space<vmem>>
    %dma_wait3A_193 = arith.constant 0 : i32
    %dma_wait3A_194 = tpu.memref_slice %arg6[%dma_wait3A_189, %dma_wait3A_193] : memref<4x128xi32, #tpu.memory_space<vmem>> -> memref<1x16xi32, #tpu.memory_space<vmem>>
    %dma_wait3A_195 = tpu.memref_squeeze %dma_wait3A_194 : memref<1x16xi32, #tpu.memory_space<vmem>> -> memref<16xi32, #tpu.memory_space<vmem>>
    %dma_wait3A_196 = arith.constant 0 : i32
    %dma_wait3A_197 = arith.constant 0 : i32
    %dma_wait3A_198 = tpu.memref_slice %arg3[%dma_wait3A_196, %dma_wait3A_197] : memref<100000x768xf32, #tpu.memory_space<hbm>> -> memref<100000x768xf32, #tpu.memory_space<hbm>>
    tpu.wait_indirect_dma semaphore(%arg12 : memref<!tpu.dma_semaphore, #tpu.memory_space<semaphore_mem>>) src(%dma_wait3A_198 : memref<100000x768xf32, #tpu.memory_space<hbm>>) dst(%dma_wait3A_192 : memref<16x768xf32, #tpu.memory_space<vmem>>)
    %dma_wait3A_199 = arith.constant 1 : i32
    %dma_wait3A_200 = arith.constant 16 : i32
    %dma_wait3A_201 = arith.constant 0 : i32
    %dma_wait3A_202 = tpu.memref_slice %arg7[%dma_wait3A_200, %dma_wait3A_201] : memref<64x768xf32, #tpu.memory_space<vmem>> -> memref<16x768xf32, #tpu.memory_space<vmem>>
    %dma_wait3A_203 = arith.constant 0 : i32
    %dma_wait3A_204 = tpu.memref_slice %arg6[%dma_wait3A_199, %dma_wait3A_203] : memref<4x128xi32, #tpu.memory_space<vmem>> -> memref<1x16xi32, #tpu.memory_space<vmem>>
    %dma_wait3A_205 = tpu.memref_squeeze %dma_wait3A_204 : memref<1x16xi32, #tpu.memory_space<vmem>> -> memref<16xi32, #tpu.memory_space<vmem>>
    %dma_wait3A_206 = arith.constant 0 : i32
    %dma_wait3A_207 = arith.constant 0 : i32
    %dma_wait3A_208 = tpu.memref_slice %arg3[%dma_wait3A_206, %dma_wait3A_207] : memref<100000x768xf32, #tpu.memory_space<hbm>> -> memref<100000x768xf32, #tpu.memory_space<hbm>>
    tpu.wait_indirect_dma semaphore(%arg12 : memref<!tpu.dma_semaphore, #tpu.memory_space<semaphore_mem>>) src(%dma_wait3A_208 : memref<100000x768xf32, #tpu.memory_space<hbm>>) dst(%dma_wait3A_202 : memref<16x768xf32, #tpu.memory_space<vmem>>)
    %dma_wait3A_209 = arith.constant 2 : i32
    %dma_wait3A_210 = arith.constant 32 : i32
    %dma_wait3A_211 = arith.constant 0 : i32
    %dma_wait3A_212 = tpu.memref_slice %arg7[%dma_wait3A_210, %dma_wait3A_211] : memref<64x768xf32, #tpu.memory_space<vmem>> -> memref<16x768xf32, #tpu.memory_space<vmem>>
    %dma_wait3A_213 = arith.constant 0 : i32
    %dma_wait3A_214 = tpu.memref_slice %arg6[%dma_wait3A_209, %dma_wait3A_213] : memref<4x128xi32, #tpu.memory_space<vmem>> -> memref<1x16xi32, #tpu.memory_space<vmem>>
    %dma_wait3A_215 = tpu.memref_squeeze %dma_wait3A_214 : memref<1x16xi32, #tpu.memory_space<vmem>> -> memref<16xi32, #tpu.memory_space<vmem>>
    %dma_wait3A_216 = arith.constant 0 : i32
    %dma_wait3A_217 = arith.constant 0 : i32
    %dma_wait3A_218 = tpu.memref_slice %arg3[%dma_wait3A_216, %dma_wait3A_217] : memref<100000x768xf32, #tpu.memory_space<hbm>> -> memref<100000x768xf32, #tpu.memory_space<hbm>>
    tpu.wait_indirect_dma semaphore(%arg12 : memref<!tpu.dma_semaphore, #tpu.memory_space<semaphore_mem>>) src(%dma_wait3A_218 : memref<100000x768xf32, #tpu.memory_space<hbm>>) dst(%dma_wait3A_212 : memref<16x768xf32, #tpu.memory_space<vmem>>)
    %dma_wait3A_219 = arith.constant 3 : i32
    %dma_wait3A_220 = arith.constant 48 : i32
    %dma_wait3A_221 = arith.constant 0 : i32
    %dma_wait3A_222 = tpu.memref_slice %arg7[%dma_wait3A_220, %dma_wait3A_221] : memref<64x768xf32, #tpu.memory_space<vmem>> -> memref<16x768xf32, #tpu.memory_space<vmem>>
    %dma_wait3A_223 = arith.constant 0 : i32
    %dma_wait3A_224 = tpu.memref_slice %arg6[%dma_wait3A_219, %dma_wait3A_223] : memref<4x128xi32, #tpu.memory_space<vmem>> -> memref<1x16xi32, #tpu.memory_space<vmem>>
    %dma_wait3A_225 = tpu.memref_squeeze %dma_wait3A_224 : memref<1x16xi32, #tpu.memory_space<vmem>> -> memref<16xi32, #tpu.memory_space<vmem>>
    %dma_wait3A_226 = arith.constant 0 : i32
    %dma_wait3A_227 = arith.constant 0 : i32
    %dma_wait3A_228 = tpu.memref_slice %arg3[%dma_wait3A_226, %dma_wait3A_227] : memref<100000x768xf32, #tpu.memory_space<hbm>> -> memref<100000x768xf32, #tpu.memory_space<hbm>>
    tpu.wait_indirect_dma semaphore(%arg12 : memref<!tpu.dma_semaphore, #tpu.memory_space<semaphore_mem>>) src(%dma_wait3A_228 : memref<100000x768xf32, #tpu.memory_space<hbm>>) dst(%dma_wait3A_222 : memref<16x768xf32, #tpu.memory_space<vmem>>)
    %dma_wait3A_229 = tpu.memref_slice %arg4[%mul3A_140] : memref<1572864xi32, #tpu.memory_space<hbm>> -> memref<6144xi32, #tpu.memory_space<hbm>>
    %dma_wait3A_230 = tpu.memref_slice %arg4[%mul3A_140] : memref<1572864xi32, #tpu.memory_space<hbm>> -> memref<6144xi32, #tpu.memory_space<hbm>>
    tpu.wait_dma2 semaphore(%arg14 : memref<!tpu.dma_semaphore, #tpu.memory_space<semaphore_mem>>) src(%dma_wait3A_230 : memref<6144xi32, #tpu.memory_space<hbm>>) dst(%arg9 : memref<6144xi32, #tpu.memory_space<vmem>>)
    %add3A_231 = arith.constant 0 : i32
    %add3A_232 = arith.addi %mul3A_2, %add3A_231 : i32
    %dma_start3A_233 = arith.constant 0 : i32
    %dma_start3A_234 = arith.constant 0 : i32
    %dma_start3A_235 = arith.constant 0 : i32
    %dma_start3A_236 = tpu.memref_slice %arg7[%dma_start3A_234, %dma_start3A_235] : memref<64x768xf32, #tpu.memory_space<vmem>> -> memref<16x768xf32, #tpu.memory_space<vmem>>
    %dma_start3A_237 = arith.constant 0 : i32
    %dma_start3A_238 = tpu.memref_slice %arg5[%dma_start3A_233, %add3A_232, %dma_start3A_237] : memref<4x4096x768xf32, #tpu.memory_space<hbm>> -> memref<1x16x768xf32, #tpu.memory_space<hbm>>
    %dma_start3A_239 = tpu.memref_squeeze %dma_start3A_238 : memref<1x16x768xf32, #tpu.memory_space<hbm>> -> memref<16x768xf32, #tpu.memory_space<hbm>>
    %dma_start3A_240 = arith.constant 0 : i32
    %dma_start3A_241 = tpu.memref_slice %arg5[%dma_start3A_233, %add3A_232, %dma_start3A_240] : memref<4x4096x768xf32, #tpu.memory_space<hbm>> -> memref<1x16x768xf32, #tpu.memory_space<hbm>>
    %dma_start3A_242 = tpu.memref_squeeze %dma_start3A_241 : memref<1x16x768xf32, #tpu.memory_space<hbm>> -> memref<16x768xf32, #tpu.memory_space<hbm>>
    %dma_start3A_243 = arith.constant 0 : i32
    %dma_start3A_244 = arith.constant 0 : i32
    %dma_start3A_245 = tpu.memref_slice %arg7[%dma_start3A_243, %dma_start3A_244] : memref<64x768xf32, #tpu.memory_space<vmem>> -> memref<16x768xf32, #tpu.memory_space<vmem>>
    tpu.enqueue_dma source(%dma_start3A_245 : memref<16x768xf32, #tpu.memory_space<vmem>>) target(%dma_start3A_242 : memref<16x768xf32, #tpu.memory_space<hbm>>) target_semaphore(%arg16 : memref<!tpu.dma_semaphore, #tpu.memory_space<semaphore_mem>>)
    %add3A_246 = arith.constant 0 : i32
    %add3A_247 = arith.addi %mul3A_2, %add3A_246 : i32
    %dma_start3A_248 = arith.constant 1 : i32
    %dma_start3A_249 = arith.constant 16 : i32
    %dma_start3A_250 = arith.constant 0 : i32
    %dma_start3A_251 = tpu.memref_slice %arg7[%dma_start3A_249, %dma_start3A_250] : memref<64x768xf32, #tpu.memory_space<vmem>> -> memref<16x768xf32, #tpu.memory_space<vmem>>
    %dma_start3A_252 = arith.constant 0 : i32
    %dma_start3A_253 = tpu.memref_slice %arg5[%dma_start3A_248, %add3A_247, %dma_start3A_252] : memref<4x4096x768xf32, #tpu.memory_space<hbm>> -> memref<1x16x768xf32, #tpu.memory_space<hbm>>
    %dma_start3A_254 = tpu.memref_squeeze %dma_start3A_253 : memref<1x16x768xf32, #tpu.memory_space<hbm>> -> memref<16x768xf32, #tpu.memory_space<hbm>>
    %dma_start3A_255 = arith.constant 0 : i32
    %dma_start3A_256 = tpu.memref_slice %arg5[%dma_start3A_248, %add3A_247, %dma_start3A_255] : memref<4x4096x768xf32, #tpu.memory_space<hbm>> -> memref<1x16x768xf32, #tpu.memory_space<hbm>>
    %dma_start3A_257 = tpu.memref_squeeze %dma_start3A_256 : memref<1x16x768xf32, #tpu.memory_space<hbm>> -> memref<16x768xf32, #tpu.memory_space<hbm>>
    %dma_start3A_258 = arith.constant 16 : i32
    %dma_start3A_259 = arith.constant 0 : i32
    %dma_start3A_260 = tpu.memref_slice %arg7[%dma_start3A_258, %dma_start3A_259] : memref<64x768xf32, #tpu.memory_space<vmem>> -> memref<16x768xf32, #tpu.memory_space<vmem>>
    tpu.enqueue_dma source(%dma_start3A_260 : memref<16x768xf32, #tpu.memory_space<vmem>>) target(%dma_start3A_257 : memref<16x768xf32, #tpu.memory_space<hbm>>) target_semaphore(%arg16 : memref<!tpu.dma_semaphore, #tpu.memory_space<semaphore_mem>>)
    %add3A_261 = arith.constant 0 : i32
    %add3A_262 = arith.addi %mul3A_2, %add3A_261 : i32
    %dma_start3A_263 = arith.constant 2 : i32
    %dma_start3A_264 = arith.constant 32 : i32
    %dma_start3A_265 = arith.constant 0 : i32
    %dma_start3A_266 = tpu.memref_slice %arg7[%dma_start3A_264, %dma_start3A_265] : memref<64x768xf32, #tpu.memory_space<vmem>> -> memref<16x768xf32, #tpu.memory_space<vmem>>
    %dma_start3A_267 = arith.constant 0 : i32
    %dma_start3A_268 = tpu.memref_slice %arg5[%dma_start3A_263, %add3A_262, %dma_start3A_267] : memref<4x4096x768xf32, #tpu.memory_space<hbm>> -> memref<1x16x768xf32, #tpu.memory_space<hbm>>
    %dma_start3A_269 = tpu.memref_squeeze %dma_start3A_268 : memref<1x16x768xf32, #tpu.memory_space<hbm>> -> memref<16x768xf32, #tpu.memory_space<hbm>>
    %dma_start3A_270 = arith.constant 0 : i32
    %dma_start3A_271 = tpu.memref_slice %arg5[%dma_start3A_263, %add3A_262, %dma_start3A_270] : memref<4x4096x768xf32, #tpu.memory_space<hbm>> -> memref<1x16x768xf32, #tpu.memory_space<hbm>>
    %dma_start3A_272 = tpu.memref_squeeze %dma_start3A_271 : memref<1x16x768xf32, #tpu.memory_space<hbm>> -> memref<16x768xf32, #tpu.memory_space<hbm>>
    %dma_start3A_273 = arith.constant 32 : i32
    %dma_start3A_274 = arith.constant 0 : i32
    %dma_start3A_275 = tpu.memref_slice %arg7[%dma_start3A_273, %dma_start3A_274] : memref<64x768xf32, #tpu.memory_space<vmem>> -> memref<16x768xf32, #tpu.memory_space<vmem>>
    tpu.enqueue_dma source(%dma_start3A_275 : memref<16x768xf32, #tpu.memory_space<vmem>>) target(%dma_start3A_272 : memref<16x768xf32, #tpu.memory_space<hbm>>) target_semaphore(%arg16 : memref<!tpu.dma_semaphore, #tpu.memory_space<semaphore_mem>>)
    %add3A_276 = arith.constant 0 : i32
    %add3A_277 = arith.addi %mul3A_2, %add3A_276 : i32
    %dma_start3A_278 = arith.constant 3 : i32
    %dma_start3A_279 = arith.constant 48 : i32
    %dma_start3A_280 = arith.constant 0 : i32
    %dma_start3A_281 = tpu.memref_slice %arg7[%dma_start3A_279, %dma_start3A_280] : memref<64x768xf32, #tpu.memory_space<vmem>> -> memref<16x768xf32, #tpu.memory_space<vmem>>
    %dma_start3A_282 = arith.constant 0 : i32
    %dma_start3A_283 = tpu.memref_slice %arg5[%dma_start3A_278, %add3A_277, %dma_start3A_282] : memref<4x4096x768xf32, #tpu.memory_space<hbm>> -> memref<1x16x768xf32, #tpu.memory_space<hbm>>
    %dma_start3A_284 = tpu.memref_squeeze %dma_start3A_283 : memref<1x16x768xf32, #tpu.memory_space<hbm>> -> memref<16x768xf32, #tpu.memory_space<hbm>>
    %dma_start3A_285 = arith.constant 0 : i32
    %dma_start3A_286 = tpu.memref_slice %arg5[%dma_start3A_278, %add3A_277, %dma_start3A_285] : memref<4x4096x768xf32, #tpu.memory_space<hbm>> -> memref<1x16x768xf32, #tpu.memory_space<hbm>>
    %dma_start3A_287 = tpu.memref_squeeze %dma_start3A_286 : memref<1x16x768xf32, #tpu.memory_space<hbm>> -> memref<16x768xf32, #tpu.memory_space<hbm>>
    %dma_start3A_288 = arith.constant 48 : i32
    %dma_start3A_289 = arith.constant 0 : i32
    %dma_start3A_290 = tpu.memref_slice %arg7[%dma_start3A_288, %dma_start3A_289] : memref<64x768xf32, #tpu.memory_space<vmem>> -> memref<16x768xf32, #tpu.memory_space<vmem>>
    tpu.enqueue_dma source(%dma_start3A_290 : memref<16x768xf32, #tpu.memory_space<vmem>>) target(%dma_start3A_287 : memref<16x768xf32, #tpu.memory_space<hbm>>) target_semaphore(%arg16 : memref<!tpu.dma_semaphore, #tpu.memory_space<semaphore_mem>>)
    %dma_wait3A_291 = arith.constant 0 : i32
    %dma_wait3A_292 = arith.constant 0 : i32
    %dma_wait3A_293 = arith.constant 0 : i32
    %dma_wait3A_294 = tpu.memref_slice %arg7[%dma_wait3A_292, %dma_wait3A_293] : memref<64x768xf32, #tpu.memory_space<vmem>> -> memref<16x768xf32, #tpu.memory_space<vmem>>
    %dma_wait3A_295 = arith.constant 0 : i32
    %dma_wait3A_296 = tpu.memref_slice %arg5[%dma_wait3A_291, %add3A_232, %dma_wait3A_295] : memref<4x4096x768xf32, #tpu.memory_space<hbm>> -> memref<1x16x768xf32, #tpu.memory_space<hbm>>
    %dma_wait3A_297 = tpu.memref_squeeze %dma_wait3A_296 : memref<1x16x768xf32, #tpu.memory_space<hbm>> -> memref<16x768xf32, #tpu.memory_space<hbm>>
    %dma_wait3A_298 = arith.constant 0 : i32
    %dma_wait3A_299 = tpu.memref_slice %arg5[%dma_wait3A_291, %add3A_232, %dma_wait3A_298] : memref<4x4096x768xf32, #tpu.memory_space<hbm>> -> memref<1x16x768xf32, #tpu.memory_space<hbm>>
    %dma_wait3A_300 = tpu.memref_squeeze %dma_wait3A_299 : memref<1x16x768xf32, #tpu.memory_space<hbm>> -> memref<16x768xf32, #tpu.memory_space<hbm>>
    %dma_wait3A_301 = arith.constant 0 : i32
    %dma_wait3A_302 = arith.constant 0 : i32
    %dma_wait3A_303 = tpu.memref_slice %arg7[%dma_wait3A_301, %dma_wait3A_302] : memref<64x768xf32, #tpu.memory_space<vmem>> -> memref<16x768xf32, #tpu.memory_space<vmem>>
    tpu.wait_dma2 semaphore(%arg16 : memref<!tpu.dma_semaphore, #tpu.memory_space<semaphore_mem>>) src(%dma_wait3A_303 : memref<16x768xf32, #tpu.memory_space<vmem>>) dst(%dma_wait3A_300 : memref<16x768xf32, #tpu.memory_space<hbm>>)
    %dma_wait3A_304 = arith.constant 1 : i32
    %dma_wait3A_305 = arith.constant 16 : i32
    %dma_wait3A_306 = arith.constant 0 : i32
    %dma_wait3A_307 = tpu.memref_slice %arg7[%dma_wait3A_305, %dma_wait3A_306] : memref<64x768xf32, #tpu.memory_space<vmem>> -> memref<16x768xf32, #tpu.memory_space<vmem>>
    %dma_wait3A_308 = arith.constant 0 : i32
    %dma_wait3A_309 = tpu.memref_slice %arg5[%dma_wait3A_304, %add3A_247, %dma_wait3A_308] : memref<4x4096x768xf32, #tpu.memory_space<hbm>> -> memref<1x16x768xf32, #tpu.memory_space<hbm>>
    %dma_wait3A_310 = tpu.memref_squeeze %dma_wait3A_309 : memref<1x16x768xf32, #tpu.memory_space<hbm>> -> memref<16x768xf32, #tpu.memory_space<hbm>>
    %dma_wait3A_311 = arith.constant 0 : i32
    %dma_wait3A_312 = tpu.memref_slice %arg5[%dma_wait3A_304, %add3A_247, %dma_wait3A_311] : memref<4x4096x768xf32, #tpu.memory_space<hbm>> -> memref<1x16x768xf32, #tpu.memory_space<hbm>>
    %dma_wait3A_313 = tpu.memref_squeeze %dma_wait3A_312 : memref<1x16x768xf32, #tpu.memory_space<hbm>> -> memref<16x768xf32, #tpu.memory_space<hbm>>
    %dma_wait3A_314 = arith.constant 16 : i32
    %dma_wait3A_315 = arith.constant 0 : i32
    %dma_wait3A_316 = tpu.memref_slice %arg7[%dma_wait3A_314, %dma_wait3A_315] : memref<64x768xf32, #tpu.memory_space<vmem>> -> memref<16x768xf32, #tpu.memory_space<vmem>>
    tpu.wait_dma2 semaphore(%arg16 : memref<!tpu.dma_semaphore, #tpu.memory_space<semaphore_mem>>) src(%dma_wait3A_316 : memref<16x768xf32, #tpu.memory_space<vmem>>) dst(%dma_wait3A_313 : memref<16x768xf32, #tpu.memory_space<hbm>>)
    %dma_wait3A_317 = arith.constant 2 : i32
    %dma_wait3A_318 = arith.constant 32 : i32
    %dma_wait3A_319 = arith.constant 0 : i32
    %dma_wait3A_320 = tpu.memref_slice %arg7[%dma_wait3A_318, %dma_wait3A_319] : memref<64x768xf32, #tpu.memory_space<vmem>> -> memref<16x768xf32, #tpu.memory_space<vmem>>
    %dma_wait3A_321 = arith.constant 0 : i32
    %dma_wait3A_322 = tpu.memref_slice %arg5[%dma_wait3A_317, %add3A_262, %dma_wait3A_321] : memref<4x4096x768xf32, #tpu.memory_space<hbm>> -> memref<1x16x768xf32, #tpu.memory_space<hbm>>
    %dma_wait3A_323 = tpu.memref_squeeze %dma_wait3A_322 : memref<1x16x768xf32, #tpu.memory_space<hbm>> -> memref<16x768xf32, #tpu.memory_space<hbm>>
    %dma_wait3A_324 = arith.constant 0 : i32
    %dma_wait3A_325 = tpu.memref_slice %arg5[%dma_wait3A_317, %add3A_262, %dma_wait3A_324] : memref<4x4096x768xf32, #tpu.memory_space<hbm>> -> memref<1x16x768xf32, #tpu.memory_space<hbm>>
    %dma_wait3A_326 = tpu.memref_squeeze %dma_wait3A_325 : memref<1x16x768xf32, #tpu.memory_space<hbm>> -> memref<16x768xf32, #tpu.memory_space<hbm>>
    %dma_wait3A_327 = arith.constant 32 : i32
    %dma_wait3A_328 = arith.constant 0 : i32
    %dma_wait3A_329 = tpu.memref_slice %arg7[%dma_wait3A_327, %dma_wait3A_328] : memref<64x768xf32, #tpu.memory_space<vmem>> -> memref<16x768xf32, #tpu.memory_space<vmem>>
    tpu.wait_dma2 semaphore(%arg16 : memref<!tpu.dma_semaphore, #tpu.memory_space<semaphore_mem>>) src(%dma_wait3A_329 : memref<16x768xf32, #tpu.memory_space<vmem>>) dst(%dma_wait3A_326 : memref<16x768xf32, #tpu.memory_space<hbm>>)
    %dma_wait3A_330 = arith.constant 3 : i32
    %dma_wait3A_331 = arith.constant 48 : i32
    %dma_wait3A_332 = arith.constant 0 : i32
    %dma_wait3A_333 = tpu.memref_slice %arg7[%dma_wait3A_331, %dma_wait3A_332] : memref<64x768xf32, #tpu.memory_space<vmem>> -> memref<16x768xf32, #tpu.memory_space<vmem>>
    %dma_wait3A_334 = arith.constant 0 : i32
    %dma_wait3A_335 = tpu.memref_slice %arg5[%dma_wait3A_330, %add3A_277, %dma_wait3A_334] : memref<4x4096x768xf32, #tpu.memory_space<hbm>> -> memref<1x16x768xf32, #tpu.memory_space<hbm>>
    %dma_wait3A_336 = tpu.memref_squeeze %dma_wait3A_335 : memref<1x16x768xf32, #tpu.memory_space<hbm>> -> memref<16x768xf32, #tpu.memory_space<hbm>>
    %dma_wait3A_337 = arith.constant 0 : i32
    %dma_wait3A_338 = tpu.memref_slice %arg5[%dma_wait3A_330, %add3A_277, %dma_wait3A_337] : memref<4x4096x768xf32, #tpu.memory_space<hbm>> -> memref<1x16x768xf32, #tpu.memory_space<hbm>>
    %dma_wait3A_339 = tpu.memref_squeeze %dma_wait3A_338 : memref<1x16x768xf32, #tpu.memory_space<hbm>> -> memref<16x768xf32, #tpu.memory_space<hbm>>
    %dma_wait3A_340 = arith.constant 48 : i32
    %dma_wait3A_341 = arith.constant 0 : i32
    %dma_wait3A_342 = tpu.memref_slice %arg7[%dma_wait3A_340, %dma_wait3A_341] : memref<64x768xf32, #tpu.memory_space<vmem>> -> memref<16x768xf32, #tpu.memory_space<vmem>>
    tpu.wait_dma2 semaphore(%arg16 : memref<!tpu.dma_semaphore, #tpu.memory_space<semaphore_mem>>) src(%dma_wait3A_342 : memref<16x768xf32, #tpu.memory_space<vmem>>) dst(%dma_wait3A_339 : memref<16x768xf32, #tpu.memory_space<hbm>>)
    %dma_start3A_343 = arith.constant 0 : i32
    %dma_start3A_344 = arith.constant 0 : i32
    %dma_start3A_345 = arith.constant 0 : i32
    %dma_start3A_346 = tpu.memref_slice %arg7[%dma_start3A_344, %dma_start3A_345] : memref<64x768xf32, #tpu.memory_space<vmem>> -> memref<16x768xf32, #tpu.memory_space<vmem>>
    %dma_start3A_347 = arith.constant 32 : i32
    %dma_start3A_348 = tpu.memref_slice %arg6[%dma_start3A_343, %dma_start3A_347] : memref<4x128xi32, #tpu.memory_space<vmem>> -> memref<1x16xi32, #tpu.memory_space<vmem>>
    %dma_start3A_349 = tpu.memref_squeeze %dma_start3A_348 : memref<1x16xi32, #tpu.memory_space<vmem>> -> memref<16xi32, #tpu.memory_space<vmem>>
    %dma_start3A_350 = arith.constant 0 : i32
    %dma_start3A_351 = arith.constant 0 : i32
    %dma_start3A_352 = tpu.memref_slice %arg3[%dma_start3A_350, %dma_start3A_351] : memref<100000x768xf32, #tpu.memory_space<hbm>> -> memref<100000x768xf32, #tpu.memory_space<hbm>>
    tpu.enqueue_indirect_dma source(%dma_start3A_352 : memref<100000x768xf32, #tpu.memory_space<hbm>>) target(%dma_start3A_346 : memref<16x768xf32, #tpu.memory_space<vmem>>) offsets(%dma_start3A_349 : memref<16xi32, #tpu.memory_space<vmem>>) semaphore(%arg12 : memref<!tpu.dma_semaphore, #tpu.memory_space<semaphore_mem>>)
    %dma_start3A_353 = arith.constant 1 : i32
    %dma_start3A_354 = arith.constant 16 : i32
    %dma_start3A_355 = arith.constant 0 : i32
    %dma_start3A_356 = tpu.memref_slice %arg7[%dma_start3A_354, %dma_start3A_355] : memref<64x768xf32, #tpu.memory_space<vmem>> -> memref<16x768xf32, #tpu.memory_space<vmem>>
    %dma_start3A_357 = arith.constant 32 : i32
    %dma_start3A_358 = tpu.memref_slice %arg6[%dma_start3A_353, %dma_start3A_357] : memref<4x128xi32, #tpu.memory_space<vmem>> -> memref<1x16xi32, #tpu.memory_space<vmem>>
    %dma_start3A_359 = tpu.memref_squeeze %dma_start3A_358 : memref<1x16xi32, #tpu.memory_space<vmem>> -> memref<16xi32, #tpu.memory_space<vmem>>
    %dma_start3A_360 = arith.constant 0 : i32
    %dma_start3A_361 = arith.constant 0 : i32
    %dma_start3A_362 = tpu.memref_slice %arg3[%dma_start3A_360, %dma_start3A_361] : memref<100000x768xf32, #tpu.memory_space<hbm>> -> memref<100000x768xf32, #tpu.memory_space<hbm>>
    tpu.enqueue_indirect_dma source(%dma_start3A_362 : memref<100000x768xf32, #tpu.memory_space<hbm>>) target(%dma_start3A_356 : memref<16x768xf32, #tpu.memory_space<vmem>>) offsets(%dma_start3A_359 : memref<16xi32, #tpu.memory_space<vmem>>) semaphore(%arg12 : memref<!tpu.dma_semaphore, #tpu.memory_space<semaphore_mem>>)
    %dma_start3A_363 = arith.constant 2 : i32
    %dma_start3A_364 = arith.constant 32 : i32
    %dma_start3A_365 = arith.constant 0 : i32
    %dma_start3A_366 = tpu.memref_slice %arg7[%dma_start3A_364, %dma_start3A_365] : memref<64x768xf32, #tpu.memory_space<vmem>> -> memref<16x768xf32, #tpu.memory_space<vmem>>
    %dma_start3A_367 = arith.constant 32 : i32
    %dma_start3A_368 = tpu.memref_slice %arg6[%dma_start3A_363, %dma_start3A_367] : memref<4x128xi32, #tpu.memory_space<vmem>> -> memref<1x16xi32, #tpu.memory_space<vmem>>
    %dma_start3A_369 = tpu.memref_squeeze %dma_start3A_368 : memref<1x16xi32, #tpu.memory_space<vmem>> -> memref<16xi32, #tpu.memory_space<vmem>>
    %dma_start3A_370 = arith.constant 0 : i32
    %dma_start3A_371 = arith.constant 0 : i32
    %dma_start3A_372 = tpu.memref_slice %arg3[%dma_start3A_370, %dma_start3A_371] : memref<100000x768xf32, #tpu.memory_space<hbm>> -> memref<100000x768xf32, #tpu.memory_space<hbm>>
    tpu.enqueue_indirect_dma source(%dma_start3A_372 : memref<100000x768xf32, #tpu.memory_space<hbm>>) target(%dma_start3A_366 : memref<16x768xf32, #tpu.memory_space<vmem>>) offsets(%dma_start3A_369 : memref<16xi32, #tpu.memory_space<vmem>>) semaphore(%arg12 : memref<!tpu.dma_semaphore, #tpu.memory_space<semaphore_mem>>)
    %dma_start3A_373 = arith.constant 3 : i32
    %dma_start3A_374 = arith.constant 48 : i32
    %dma_start3A_375 = arith.constant 0 : i32
    %dma_start3A_376 = tpu.memref_slice %arg7[%dma_start3A_374, %dma_start3A_375] : memref<64x768xf32, #tpu.memory_space<vmem>> -> memref<16x768xf32, #tpu.memory_space<vmem>>
    %dma_start3A_377 = arith.constant 32 : i32
    %dma_start3A_378 = tpu.memref_slice %arg6[%dma_start3A_373, %dma_start3A_377] : memref<4x128xi32, #tpu.memory_space<vmem>> -> memref<1x16xi32, #tpu.memory_space<vmem>>
    %dma_start3A_379 = tpu.memref_squeeze %dma_start3A_378 : memref<1x16xi32, #tpu.memory_space<vmem>> -> memref<16xi32, #tpu.memory_space<vmem>>
    %dma_start3A_380 = arith.constant 0 : i32
    %dma_start3A_381 = arith.constant 0 : i32
    %dma_start3A_382 = tpu.memref_slice %arg3[%dma_start3A_380, %dma_start3A_381] : memref<100000x768xf32, #tpu.memory_space<hbm>> -> memref<100000x768xf32, #tpu.memory_space<hbm>>
    tpu.enqueue_indirect_dma source(%dma_start3A_382 : memref<100000x768xf32, #tpu.memory_space<hbm>>) target(%dma_start3A_376 : memref<16x768xf32, #tpu.memory_space<vmem>>) offsets(%dma_start3A_379 : memref<16xi32, #tpu.memory_space<vmem>>) semaphore(%arg12 : memref<!tpu.dma_semaphore, #tpu.memory_space<semaphore_mem>>)
    %add3A_383 = arith.constant 32 : i32
    %add3A_384 = arith.addi %mul3A_2, %add3A_383 : i32
    %mul3A_385 = arith.constant 384 : i32
    %mul3A_386 = arith.muli %add3A_384, %mul3A_385 : i32
    %dma_start3A_387 = tpu.memref_slice %arg4[%mul3A_386] : memref<1572864xi32, #tpu.memory_space<hbm>> -> memref<6144xi32, #tpu.memory_space<hbm>>
    %dma_start3A_388 = tpu.memref_slice %arg4[%mul3A_386] : memref<1572864xi32, #tpu.memory_space<hbm>> -> memref<6144xi32, #tpu.memory_space<hbm>>
    tpu.enqueue_dma source(%dma_start3A_388 : memref<6144xi32, #tpu.memory_space<hbm>>) target(%arg9 : memref<6144xi32, #tpu.memory_space<vmem>>) target_semaphore(%arg14 : memref<!tpu.dma_semaphore, #tpu.memory_space<semaphore_mem>>)
    %dma_wait3A_389 = arith.constant 0 : i32
    %dma_wait3A_390 = arith.constant 0 : i32
    %dma_wait3A_391 = arith.constant 0 : i32
    %dma_wait3A_392 = tpu.memref_slice %arg8[%dma_wait3A_390, %dma_wait3A_391] : memref<64x768xf32, #tpu.memory_space<vmem>> -> memref<16x768xf32, #tpu.memory_space<vmem>>
    %dma_wait3A_393 = arith.constant 16 : i32
    %dma_wait3A_394 = tpu.memref_slice %arg6[%dma_wait3A_389, %dma_wait3A_393] : memref<4x128xi32, #tpu.memory_space<vmem>> -> memref<1x16xi32, #tpu.memory_space<vmem>>
    %dma_wait3A_395 = tpu.memref_squeeze %dma_wait3A_394 : memref<1x16xi32, #tpu.memory_space<vmem>> -> memref<16xi32, #tpu.memory_space<vmem>>
    %dma_wait3A_396 = arith.constant 0 : i32
    %dma_wait3A_397 = arith.constant 0 : i32
    %dma_wait3A_398 = tpu.memref_slice %arg3[%dma_wait3A_396, %dma_wait3A_397] : memref<100000x768xf32, #tpu.memory_space<hbm>> -> memref<100000x768xf32, #tpu.memory_space<hbm>>
    tpu.wait_indirect_dma semaphore(%arg13 : memref<!tpu.dma_semaphore, #tpu.memory_space<semaphore_mem>>) src(%dma_wait3A_398 : memref<100000x768xf32, #tpu.memory_space<hbm>>) dst(%dma_wait3A_392 : memref<16x768xf32, #tpu.memory_space<vmem>>)
    %dma_wait3A_399 = arith.constant 1 : i32
    %dma_wait3A_400 = arith.constant 16 : i32
    %dma_wait3A_401 = arith.constant 0 : i32
    %dma_wait3A_402 = tpu.memref_slice %arg8[%dma_wait3A_400, %dma_wait3A_401] : memref<64x768xf32, #tpu.memory_space<vmem>> -> memref<16x768xf32, #tpu.memory_space<vmem>>
    %dma_wait3A_403 = arith.constant 16 : i32
    %dma_wait3A_404 = tpu.memref_slice %arg6[%dma_wait3A_399, %dma_wait3A_403] : memref<4x128xi32, #tpu.memory_space<vmem>> -> memref<1x16xi32, #tpu.memory_space<vmem>>
    %dma_wait3A_405 = tpu.memref_squeeze %dma_wait3A_404 : memref<1x16xi32, #tpu.memory_space<vmem>> -> memref<16xi32, #tpu.memory_space<vmem>>
    %dma_wait3A_406 = arith.constant 0 : i32
    %dma_wait3A_407 = arith.constant 0 : i32
    %dma_wait3A_408 = tpu.memref_slice %arg3[%dma_wait3A_406, %dma_wait3A_407] : memref<100000x768xf32, #tpu.memory_space<hbm>> -> memref<100000x768xf32, #tpu.memory_space<hbm>>
    tpu.wait_indirect_dma semaphore(%arg13 : memref<!tpu.dma_semaphore, #tpu.memory_space<semaphore_mem>>) src(%dma_wait3A_408 : memref<100000x768xf32, #tpu.memory_space<hbm>>) dst(%dma_wait3A_402 : memref<16x768xf32, #tpu.memory_space<vmem>>)
    %dma_wait3A_409 = arith.constant 2 : i32
    %dma_wait3A_410 = arith.constant 32 : i32
    %dma_wait3A_411 = arith.constant 0 : i32
    %dma_wait3A_412 = tpu.memref_slice %arg8[%dma_wait3A_410, %dma_wait3A_411] : memref<64x768xf32, #tpu.memory_space<vmem>> -> memref<16x768xf32, #tpu.memory_space<vmem>>
    %dma_wait3A_413 = arith.constant 16 : i32
    %dma_wait3A_414 = tpu.memref_slice %arg6[%dma_wait3A_409, %dma_wait3A_413] : memref<4x128xi32, #tpu.memory_space<vmem>> -> memref<1x16xi32, #tpu.memory_space<vmem>>
    %dma_wait3A_415 = tpu.memref_squeeze %dma_wait3A_414 : memref<1x16xi32, #tpu.memory_space<vmem>> -> memref<16xi32, #tpu.memory_space<vmem>>
    %dma_wait3A_416 = arith.constant 0 : i32
    %dma_wait3A_417 = arith.constant 0 : i32
    %dma_wait3A_418 = tpu.memref_slice %arg3[%dma_wait3A_416, %dma_wait3A_417] : memref<100000x768xf32, #tpu.memory_space<hbm>> -> memref<100000x768xf32, #tpu.memory_space<hbm>>
    tpu.wait_indirect_dma semaphore(%arg13 : memref<!tpu.dma_semaphore, #tpu.memory_space<semaphore_mem>>) src(%dma_wait3A_418 : memref<100000x768xf32, #tpu.memory_space<hbm>>) dst(%dma_wait3A_412 : memref<16x768xf32, #tpu.memory_space<vmem>>)
    %dma_wait3A_419 = arith.constant 3 : i32
    %dma_wait3A_420 = arith.constant 48 : i32
    %dma_wait3A_421 = arith.constant 0 : i32
    %dma_wait3A_422 = tpu.memref_slice %arg8[%dma_wait3A_420, %dma_wait3A_421] : memref<64x768xf32, #tpu.memory_space<vmem>> -> memref<16x768xf32, #tpu.memory_space<vmem>>
    %dma_wait3A_423 = arith.constant 16 : i32
    %dma_wait3A_424 = tpu.memref_slice %arg6[%dma_wait3A_419, %dma_wait3A_423] : memref<4x128xi32, #tpu.memory_space<vmem>> -> memref<1x16xi32, #tpu.memory_space<vmem>>
    %dma_wait3A_425 = tpu.memref_squeeze %dma_wait3A_424 : memref<1x16xi32, #tpu.memory_space<vmem>> -> memref<16xi32, #tpu.memory_space<vmem>>
    %dma_wait3A_426 = arith.constant 0 : i32
    %dma_wait3A_427 = arith.constant 0 : i32
    %dma_wait3A_428 = tpu.memref_slice %arg3[%dma_wait3A_426, %dma_wait3A_427] : memref<100000x768xf32, #tpu.memory_space<hbm>> -> memref<100000x768xf32, #tpu.memory_space<hbm>>
    tpu.wait_indirect_dma semaphore(%arg13 : memref<!tpu.dma_semaphore, #tpu.memory_space<semaphore_mem>>) src(%dma_wait3A_428 : memref<100000x768xf32, #tpu.memory_space<hbm>>) dst(%dma_wait3A_422 : memref<16x768xf32, #tpu.memory_space<vmem>>)
    %dma_wait3A_429 = tpu.memref_slice %arg4[%mul3A_186] : memref<1572864xi32, #tpu.memory_space<hbm>> -> memref<6144xi32, #tpu.memory_space<hbm>>
    %dma_wait3A_430 = tpu.memref_slice %arg4[%mul3A_186] : memref<1572864xi32, #tpu.memory_space<hbm>> -> memref<6144xi32, #tpu.memory_space<hbm>>
    tpu.wait_dma2 semaphore(%arg15 : memref<!tpu.dma_semaphore, #tpu.memory_space<semaphore_mem>>) src(%dma_wait3A_430 : memref<6144xi32, #tpu.memory_space<hbm>>) dst(%arg10 : memref<6144xi32, #tpu.memory_space<vmem>>)
    %add3A_431 = arith.constant 16 : i32
    %add3A_432 = arith.addi %mul3A_2, %add3A_431 : i32
    %dma_start3A_433 = arith.constant 0 : i32
    %dma_start3A_434 = arith.constant 0 : i32
    %dma_start3A_435 = arith.constant 0 : i32
    %dma_start3A_436 = tpu.memref_slice %arg8[%dma_start3A_434, %dma_start3A_435] : memref<64x768xf32, #tpu.memory_space<vmem>> -> memref<16x768xf32, #tpu.memory_space<vmem>>
    %dma_start3A_437 = arith.constant 0 : i32
    %dma_start3A_438 = tpu.memref_slice %arg5[%dma_start3A_433, %add3A_432, %dma_start3A_437] : memref<4x4096x768xf32, #tpu.memory_space<hbm>> -> memref<1x16x768xf32, #tpu.memory_space<hbm>>
    %dma_start3A_439 = tpu.memref_squeeze %dma_start3A_438 : memref<1x16x768xf32, #tpu.memory_space<hbm>> -> memref<16x768xf32, #tpu.memory_space<hbm>>
    %dma_start3A_440 = arith.constant 0 : i32
    %dma_start3A_441 = tpu.memref_slice %arg5[%dma_start3A_433, %add3A_432, %dma_start3A_440] : memref<4x4096x768xf32, #tpu.memory_space<hbm>> -> memref<1x16x768xf32, #tpu.memory_space<hbm>>
    %dma_start3A_442 = tpu.memref_squeeze %dma_start3A_441 : memref<1x16x768xf32, #tpu.memory_space<hbm>> -> memref<16x768xf32, #tpu.memory_space<hbm>>
    %dma_start3A_443 = arith.constant 0 : i32
    %dma_start3A_444 = arith.constant 0 : i32
    %dma_start3A_445 = tpu.memref_slice %arg8[%dma_start3A_443, %dma_start3A_444] : memref<64x768xf32, #tpu.memory_space<vmem>> -> memref<16x768xf32, #tpu.memory_space<vmem>>
    tpu.enqueue_dma source(%dma_start3A_445 : memref<16x768xf32, #tpu.memory_space<vmem>>) target(%dma_start3A_442 : memref<16x768xf32, #tpu.memory_space<hbm>>) target_semaphore(%arg17 : memref<!tpu.dma_semaphore, #tpu.memory_space<semaphore_mem>>)
    %add3A_446 = arith.constant 16 : i32
    %add3A_447 = arith.addi %mul3A_2, %add3A_446 : i32
    %dma_start3A_448 = arith.constant 1 : i32
    %dma_start3A_449 = arith.constant 16 : i32
    %dma_start3A_450 = arith.constant 0 : i32
    %dma_start3A_451 = tpu.memref_slice %arg8[%dma_start3A_449, %dma_start3A_450] : memref<64x768xf32, #tpu.memory_space<vmem>> -> memref<16x768xf32, #tpu.memory_space<vmem>>
    %dma_start3A_452 = arith.constant 0 : i32
    %dma_start3A_453 = tpu.memref_slice %arg5[%dma_start3A_448, %add3A_447, %dma_start3A_452] : memref<4x4096x768xf32, #tpu.memory_space<hbm>> -> memref<1x16x768xf32, #tpu.memory_space<hbm>>
    %dma_start3A_454 = tpu.memref_squeeze %dma_start3A_453 : memref<1x16x768xf32, #tpu.memory_space<hbm>> -> memref<16x768xf32, #tpu.memory_space<hbm>>
    %dma_start3A_455 = arith.constant 0 : i32
    %dma_start3A_456 = tpu.memref_slice %arg5[%dma_start3A_448, %add3A_447, %dma_start3A_455] : memref<4x4096x768xf32, #tpu.memory_space<hbm>> -> memref<1x16x768xf32, #tpu.memory_space<hbm>>
    %dma_start3A_457 = tpu.memref_squeeze %dma_start3A_456 : memref<1x16x768xf32, #tpu.memory_space<hbm>> -> memref<16x768xf32, #tpu.memory_space<hbm>>
    %dma_start3A_458 = arith.constant 16 : i32
    %dma_start3A_459 = arith.constant 0 : i32
    %dma_start3A_460 = tpu.memref_slice %arg8[%dma_start3A_458, %dma_start3A_459] : memref<64x768xf32, #tpu.memory_space<vmem>> -> memref<16x768xf32, #tpu.memory_space<vmem>>
    tpu.enqueue_dma source(%dma_start3A_460 : memref<16x768xf32, #tpu.memory_space<vmem>>) target(%dma_start3A_457 : memref<16x768xf32, #tpu.memory_space<hbm>>) target_semaphore(%arg17 : memref<!tpu.dma_semaphore, #tpu.memory_space<semaphore_mem>>)
    %add3A_461 = arith.constant 16 : i32
    %add3A_462 = arith.addi %mul3A_2, %add3A_461 : i32
    %dma_start3A_463 = arith.constant 2 : i32
    %dma_start3A_464 = arith.constant 32 : i32
    %dma_start3A_465 = arith.constant 0 : i32
    %dma_start3A_466 = tpu.memref_slice %arg8[%dma_start3A_464, %dma_start3A_465] : memref<64x768xf32, #tpu.memory_space<vmem>> -> memref<16x768xf32, #tpu.memory_space<vmem>>
    %dma_start3A_467 = arith.constant 0 : i32
    %dma_start3A_468 = tpu.memref_slice %arg5[%dma_start3A_463, %add3A_462, %dma_start3A_467] : memref<4x4096x768xf32, #tpu.memory_space<hbm>> -> memref<1x16x768xf32, #tpu.memory_space<hbm>>
    %dma_start3A_469 = tpu.memref_squeeze %dma_start3A_468 : memref<1x16x768xf32, #tpu.memory_space<hbm>> -> memref<16x768xf32, #tpu.memory_space<hbm>>
    %dma_start3A_470 = arith.constant 0 : i32
    %dma_start3A_471 = tpu.memref_slice %arg5[%dma_start3A_463, %add3A_462, %dma_start3A_470] : memref<4x4096x768xf32, #tpu.memory_space<hbm>> -> memref<1x16x768xf32, #tpu.memory_space<hbm>>
    %dma_start3A_472 = tpu.memref_squeeze %dma_start3A_471 : memref<1x16x768xf32, #tpu.memory_space<hbm>> -> memref<16x768xf32, #tpu.memory_space<hbm>>
    %dma_start3A_473 = arith.constant 32 : i32
    %dma_start3A_474 = arith.constant 0 : i32
    %dma_start3A_475 = tpu.memref_slice %arg8[%dma_start3A_473, %dma_start3A_474] : memref<64x768xf32, #tpu.memory_space<vmem>> -> memref<16x768xf32, #tpu.memory_space<vmem>>
    tpu.enqueue_dma source(%dma_start3A_475 : memref<16x768xf32, #tpu.memory_space<vmem>>) target(%dma_start3A_472 : memref<16x768xf32, #tpu.memory_space<hbm>>) target_semaphore(%arg17 : memref<!tpu.dma_semaphore, #tpu.memory_space<semaphore_mem>>)
    %add3A_476 = arith.constant 16 : i32
    %add3A_477 = arith.addi %mul3A_2, %add3A_476 : i32
    %dma_start3A_478 = arith.constant 3 : i32
    %dma_start3A_479 = arith.constant 48 : i32
    %dma_start3A_480 = arith.constant 0 : i32
    %dma_start3A_481 = tpu.memref_slice %arg8[%dma_start3A_479, %dma_start3A_480] : memref<64x768xf32, #tpu.memory_space<vmem>> -> memref<16x768xf32, #tpu.memory_space<vmem>>
    %dma_start3A_482 = arith.constant 0 : i32
    %dma_start3A_483 = tpu.memref_slice %arg5[%dma_start3A_478, %add3A_477, %dma_start3A_482] : memref<4x4096x768xf32, #tpu.memory_space<hbm>> -> memref<1x16x768xf32, #tpu.memory_space<hbm>>
    %dma_start3A_484 = tpu.memref_squeeze %dma_start3A_483 : memref<1x16x768xf32, #tpu.memory_space<hbm>> -> memref<16x768xf32, #tpu.memory_space<hbm>>
    %dma_start3A_485 = arith.constant 0 : i32
    %dma_start3A_486 = tpu.memref_slice %arg5[%dma_start3A_478, %add3A_477, %dma_start3A_485] : memref<4x4096x768xf32, #tpu.memory_space<hbm>> -> memref<1x16x768xf32, #tpu.memory_space<hbm>>
    %dma_start3A_487 = tpu.memref_squeeze %dma_start3A_486 : memref<1x16x768xf32, #tpu.memory_space<hbm>> -> memref<16x768xf32, #tpu.memory_space<hbm>>
    %dma_start3A_488 = arith.constant 48 : i32
    %dma_start3A_489 = arith.constant 0 : i32
    %dma_start3A_490 = tpu.memref_slice %arg8[%dma_start3A_488, %dma_start3A_489] : memref<64x768xf32, #tpu.memory_space<vmem>> -> memref<16x768xf32, #tpu.memory_space<vmem>>
    tpu.enqueue_dma source(%dma_start3A_490 : memref<16x768xf32, #tpu.memory_space<vmem>>) target(%dma_start3A_487 : memref<16x768xf32, #tpu.memory_space<hbm>>) target_semaphore(%arg17 : memref<!tpu.dma_semaphore, #tpu.memory_space<semaphore_mem>>)
    %dma_wait3A_491 = arith.constant 0 : i32
    %dma_wait3A_492 = arith.constant 0 : i32
    %dma_wait3A_493 = arith.constant 0 : i32
    %dma_wait3A_494 = tpu.memref_slice %arg8[%dma_wait3A_492, %dma_wait3A_493] : memref<64x768xf32, #tpu.memory_space<vmem>> -> memref<16x768xf32, #tpu.memory_space<vmem>>
    %dma_wait3A_495 = arith.constant 0 : i32
    %dma_wait3A_496 = tpu.memref_slice %arg5[%dma_wait3A_491, %add3A_432, %dma_wait3A_495] : memref<4x4096x768xf32, #tpu.memory_space<hbm>> -> memref<1x16x768xf32, #tpu.memory_space<hbm>>
    %dma_wait3A_497 = tpu.memref_squeeze %dma_wait3A_496 : memref<1x16x768xf32, #tpu.memory_space<hbm>> -> memref<16x768xf32, #tpu.memory_space<hbm>>
    %dma_wait3A_498 = arith.constant 0 : i32
    %dma_wait3A_499 = tpu.memref_slice %arg5[%dma_wait3A_491, %add3A_432, %dma_wait3A_498] : memref<4x4096x768xf32, #tpu.memory_space<hbm>> -> memref<1x16x768xf32, #tpu.memory_space<hbm>>
    %dma_wait3A_500 = tpu.memref_squeeze %dma_wait3A_499 : memref<1x16x768xf32, #tpu.memory_space<hbm>> -> memref<16x768xf32, #tpu.memory_space<hbm>>
    %dma_wait3A_501 = arith.constant 0 : i32
    %dma_wait3A_502 = arith.constant 0 : i32
    %dma_wait3A_503 = tpu.memref_slice %arg8[%dma_wait3A_501, %dma_wait3A_502] : memref<64x768xf32, #tpu.memory_space<vmem>> -> memref<16x768xf32, #tpu.memory_space<vmem>>
    tpu.wait_dma2 semaphore(%arg17 : memref<!tpu.dma_semaphore, #tpu.memory_space<semaphore_mem>>) src(%dma_wait3A_503 : memref<16x768xf32, #tpu.memory_space<vmem>>) dst(%dma_wait3A_500 : memref<16x768xf32, #tpu.memory_space<hbm>>)
    %dma_wait3A_504 = arith.constant 1 : i32
    %dma_wait3A_505 = arith.constant 16 : i32
    %dma_wait3A_506 = arith.constant 0 : i32
    %dma_wait3A_507 = tpu.memref_slice %arg8[%dma_wait3A_505, %dma_wait3A_506] : memref<64x768xf32, #tpu.memory_space<vmem>> -> memref<16x768xf32, #tpu.memory_space<vmem>>
    %dma_wait3A_508 = arith.constant 0 : i32
    %dma_wait3A_509 = tpu.memref_slice %arg5[%dma_wait3A_504, %add3A_447, %dma_wait3A_508] : memref<4x4096x768xf32, #tpu.memory_space<hbm>> -> memref<1x16x768xf32, #tpu.memory_space<hbm>>
    %dma_wait3A_510 = tpu.memref_squeeze %dma_wait3A_509 : memref<1x16x768xf32, #tpu.memory_space<hbm>> -> memref<16x768xf32, #tpu.memory_space<hbm>>
    %dma_wait3A_511 = arith.constant 0 : i32
    %dma_wait3A_512 = tpu.memref_slice %arg5[%dma_wait3A_504, %add3A_447, %dma_wait3A_511] : memref<4x4096x768xf32, #tpu.memory_space<hbm>> -> memref<1x16x768xf32, #tpu.memory_space<hbm>>
    %dma_wait3A_513 = tpu.memref_squeeze %dma_wait3A_512 : memref<1x16x768xf32, #tpu.memory_space<hbm>> -> memref<16x768xf32, #tpu.memory_space<hbm>>
    %dma_wait3A_514 = arith.constant 16 : i32
    %dma_wait3A_515 = arith.constant 0 : i32
    %dma_wait3A_516 = tpu.memref_slice %arg8[%dma_wait3A_514, %dma_wait3A_515] : memref<64x768xf32, #tpu.memory_space<vmem>> -> memref<16x768xf32, #tpu.memory_space<vmem>>
    tpu.wait_dma2 semaphore(%arg17 : memref<!tpu.dma_semaphore, #tpu.memory_space<semaphore_mem>>) src(%dma_wait3A_516 : memref<16x768xf32, #tpu.memory_space<vmem>>) dst(%dma_wait3A_513 : memref<16x768xf32, #tpu.memory_space<hbm>>)
    %dma_wait3A_517 = arith.constant 2 : i32
    %dma_wait3A_518 = arith.constant 32 : i32
    %dma_wait3A_519 = arith.constant 0 : i32
    %dma_wait3A_520 = tpu.memref_slice %arg8[%dma_wait3A_518, %dma_wait3A_519] : memref<64x768xf32, #tpu.memory_space<vmem>> -> memref<16x768xf32, #tpu.memory_space<vmem>>
    %dma_wait3A_521 = arith.constant 0 : i32
    %dma_wait3A_522 = tpu.memref_slice %arg5[%dma_wait3A_517, %add3A_462, %dma_wait3A_521] : memref<4x4096x768xf32, #tpu.memory_space<hbm>> -> memref<1x16x768xf32, #tpu.memory_space<hbm>>
    %dma_wait3A_523 = tpu.memref_squeeze %dma_wait3A_522 : memref<1x16x768xf32, #tpu.memory_space<hbm>> -> memref<16x768xf32, #tpu.memory_space<hbm>>
    %dma_wait3A_524 = arith.constant 0 : i32
    %dma_wait3A_525 = tpu.memref_slice %arg5[%dma_wait3A_517, %add3A_462, %dma_wait3A_524] : memref<4x4096x768xf32, #tpu.memory_space<hbm>> -> memref<1x16x768xf32, #tpu.memory_space<hbm>>
    %dma_wait3A_526 = tpu.memref_squeeze %dma_wait3A_525 : memref<1x16x768xf32, #tpu.memory_space<hbm>> -> memref<16x768xf32, #tpu.memory_space<hbm>>
    %dma_wait3A_527 = arith.constant 32 : i32
    %dma_wait3A_528 = arith.constant 0 : i32
    %dma_wait3A_529 = tpu.memref_slice %arg8[%dma_wait3A_527, %dma_wait3A_528] : memref<64x768xf32, #tpu.memory_space<vmem>> -> memref<16x768xf32, #tpu.memory_space<vmem>>
    tpu.wait_dma2 semaphore(%arg17 : memref<!tpu.dma_semaphore, #tpu.memory_space<semaphore_mem>>) src(%dma_wait3A_529 : memref<16x768xf32, #tpu.memory_space<vmem>>) dst(%dma_wait3A_526 : memref<16x768xf32, #tpu.memory_space<hbm>>)
    %dma_wait3A_530 = arith.constant 3 : i32
    %dma_wait3A_531 = arith.constant 48 : i32
    %dma_wait3A_532 = arith.constant 0 : i32
    %dma_wait3A_533 = tpu.memref_slice %arg8[%dma_wait3A_531, %dma_wait3A_532] : memref<64x768xf32, #tpu.memory_space<vmem>> -> memref<16x768xf32, #tpu.memory_space<vmem>>
    %dma_wait3A_534 = arith.constant 0 : i32
    %dma_wait3A_535 = tpu.memref_slice %arg5[%dma_wait3A_530, %add3A_477, %dma_wait3A_534] : memref<4x4096x768xf32, #tpu.memory_space<hbm>> -> memref<1x16x768xf32, #tpu.memory_space<hbm>>
    %dma_wait3A_536 = tpu.memref_squeeze %dma_wait3A_535 : memref<1x16x768xf32, #tpu.memory_space<hbm>> -> memref<16x768xf32, #tpu.memory_space<hbm>>
    %dma_wait3A_537 = arith.constant 0 : i32
    %dma_wait3A_538 = tpu.memref_slice %arg5[%dma_wait3A_530, %add3A_477, %dma_wait3A_537] : memref<4x4096x768xf32, #tpu.memory_space<hbm>> -> memref<1x16x768xf32, #tpu.memory_space<hbm>>
    %dma_wait3A_539 = tpu.memref_squeeze %dma_wait3A_538 : memref<1x16x768xf32, #tpu.memory_space<hbm>> -> memref<16x768xf32, #tpu.memory_space<hbm>>
    %dma_wait3A_540 = arith.constant 48 : i32
    %dma_wait3A_541 = arith.constant 0 : i32
    %dma_wait3A_542 = tpu.memref_slice %arg8[%dma_wait3A_540, %dma_wait3A_541] : memref<64x768xf32, #tpu.memory_space<vmem>> -> memref<16x768xf32, #tpu.memory_space<vmem>>
    tpu.wait_dma2 semaphore(%arg17 : memref<!tpu.dma_semaphore, #tpu.memory_space<semaphore_mem>>) src(%dma_wait3A_542 : memref<16x768xf32, #tpu.memory_space<vmem>>) dst(%dma_wait3A_539 : memref<16x768xf32, #tpu.memory_space<hbm>>)
    %dma_start3A_543 = arith.constant 0 : i32
    %dma_start3A_544 = arith.constant 0 : i32
    %dma_start3A_545 = arith.constant 0 : i32
    %dma_start3A_546 = tpu.memref_slice %arg8[%dma_start3A_544, %dma_start3A_545] : memref<64x768xf32, #tpu.memory_space<vmem>> -> memref<16x768xf32, #tpu.memory_space<vmem>>
    %dma_start3A_547 = arith.constant 48 : i32
    %dma_start3A_548 = tpu.memref_slice %arg6[%dma_start3A_543, %dma_start3A_547] : memref<4x128xi32, #tpu.memory_space<vmem>> -> memref<1x16xi32, #tpu.memory_space<vmem>>
    %dma_start3A_549 = tpu.memref_squeeze %dma_start3A_548 : memref<1x16xi32, #tpu.memory_space<vmem>> -> memref<16xi32, #tpu.memory_space<vmem>>
    %dma_start3A_550 = arith.constant 0 : i32
    %dma_start3A_551 = arith.constant 0 : i32
    %dma_start3A_552 = tpu.memref_slice %arg3[%dma_start3A_550, %dma_start3A_551] : memref<100000x768xf32, #tpu.memory_space<hbm>> -> memref<100000x768xf32, #tpu.memory_space<hbm>>
    tpu.enqueue_indirect_dma source(%dma_start3A_552 : memref<100000x768xf32, #tpu.memory_space<hbm>>) target(%dma_start3A_546 : memref<16x768xf32, #tpu.memory_space<vmem>>) offsets(%dma_start3A_549 : memref<16xi32, #tpu.memory_space<vmem>>) semaphore(%arg13 : memref<!tpu.dma_semaphore, #tpu.memory_space<semaphore_mem>>)
    %dma_start3A_553 = arith.constant 1 : i32
    %dma_start3A_554 = arith.constant 16 : i32
    %dma_start3A_555 = arith.constant 0 : i32
    %dma_start3A_556 = tpu.memref_slice %arg8[%dma_start3A_554, %dma_start3A_555] : memref<64x768xf32, #tpu.memory_space<vmem>> -> memref<16x768xf32, #tpu.memory_space<vmem>>
    %dma_start3A_557 = arith.constant 48 : i32
    %dma_start3A_558 = tpu.memref_slice %arg6[%dma_start3A_553, %dma_start3A_557] : memref<4x128xi32, #tpu.memory_space<vmem>> -> memref<1x16xi32, #tpu.memory_space<vmem>>
    %dma_start3A_559 = tpu.memref_squeeze %dma_start3A_558 : memref<1x16xi32, #tpu.memory_space<vmem>> -> memref<16xi32, #tpu.memory_space<vmem>>
    %dma_start3A_560 = arith.constant 0 : i32
    %dma_start3A_561 = arith.constant 0 : i32
    %dma_start3A_562 = tpu.memref_slice %arg3[%dma_start3A_560, %dma_start3A_561] : memref<100000x768xf32, #tpu.memory_space<hbm>> -> memref<100000x768xf32, #tpu.memory_space<hbm>>
    tpu.enqueue_indirect_dma source(%dma_start3A_562 : memref<100000x768xf32, #tpu.memory_space<hbm>>) target(%dma_start3A_556 : memref<16x768xf32, #tpu.memory_space<vmem>>) offsets(%dma_start3A_559 : memref<16xi32, #tpu.memory_space<vmem>>) semaphore(%arg13 : memref<!tpu.dma_semaphore, #tpu.memory_space<semaphore_mem>>)
    %dma_start3A_563 = arith.constant 2 : i32
    %dma_start3A_564 = arith.constant 32 : i32
    %dma_start3A_565 = arith.constant 0 : i32
    %dma_start3A_566 = tpu.memref_slice %arg8[%dma_start3A_564, %dma_start3A_565] : memref<64x768xf32, #tpu.memory_space<vmem>> -> memref<16x768xf32, #tpu.memory_space<vmem>>
    %dma_start3A_567 = arith.constant 48 : i32
    %dma_start3A_568 = tpu.memref_slice %arg6[%dma_start3A_563, %dma_start3A_567] : memref<4x128xi32, #tpu.memory_space<vmem>> -> memref<1x16xi32, #tpu.memory_space<vmem>>
    %dma_start3A_569 = tpu.memref_squeeze %dma_start3A_568 : memref<1x16xi32, #tpu.memory_space<vmem>> -> memref<16xi32, #tpu.memory_space<vmem>>
    %dma_start3A_570 = arith.constant 0 : i32
    %dma_start3A_571 = arith.constant 0 : i32
    %dma_start3A_572 = tpu.memref_slice %arg3[%dma_start3A_570, %dma_start3A_571] : memref<100000x768xf32, #tpu.memory_space<hbm>> -> memref<100000x768xf32, #tpu.memory_space<hbm>>
    tpu.enqueue_indirect_dma source(%dma_start3A_572 : memref<100000x768xf32, #tpu.memory_space<hbm>>) target(%dma_start3A_566 : memref<16x768xf32, #tpu.memory_space<vmem>>) offsets(%dma_start3A_569 : memref<16xi32, #tpu.memory_space<vmem>>) semaphore(%arg13 : memref<!tpu.dma_semaphore, #tpu.memory_space<semaphore_mem>>)
    %dma_start3A_573 = arith.constant 3 : i32
    %dma_start3A_574 = arith.constant 48 : i32
    %dma_start3A_575 = arith.constant 0 : i32
    %dma_start3A_576 = tpu.memref_slice %arg8[%dma_start3A_574, %dma_start3A_575] : memref<64x768xf32, #tpu.memory_space<vmem>> -> memref<16x768xf32, #tpu.memory_space<vmem>>
    %dma_start3A_577 = arith.constant 48 : i32
    %dma_start3A_578 = tpu.memref_slice %arg6[%dma_start3A_573, %dma_start3A_577] : memref<4x128xi32, #tpu.memory_space<vmem>> -> memref<1x16xi32, #tpu.memory_space<vmem>>
    %dma_start3A_579 = tpu.memref_squeeze %dma_start3A_578 : memref<1x16xi32, #tpu.memory_space<vmem>> -> memref<16xi32, #tpu.memory_space<vmem>>
    %dma_start3A_580 = arith.constant 0 : i32
    %dma_start3A_581 = arith.constant 0 : i32
    %dma_start3A_582 = tpu.memref_slice %arg3[%dma_start3A_580, %dma_start3A_581] : memref<100000x768xf32, #tpu.memory_space<hbm>> -> memref<100000x768xf32, #tpu.memory_space<hbm>>
    tpu.enqueue_indirect_dma source(%dma_start3A_582 : memref<100000x768xf32, #tpu.memory_space<hbm>>) target(%dma_start3A_576 : memref<16x768xf32, #tpu.memory_space<vmem>>) offsets(%dma_start3A_579 : memref<16xi32, #tpu.memory_space<vmem>>) semaphore(%arg13 : memref<!tpu.dma_semaphore, #tpu.memory_space<semaphore_mem>>)
    %add3A_583 = arith.constant 48 : i32
    %add3A_584 = arith.addi %mul3A_2, %add3A_583 : i32
    %mul3A_585 = arith.constant 384 : i32
    %mul3A_586 = arith.muli %add3A_584, %mul3A_585 : i32
    %dma_start3A_587 = tpu.memref_slice %arg4[%mul3A_586] : memref<1572864xi32, #tpu.memory_space<hbm>> -> memref<6144xi32, #tpu.memory_space<hbm>>
    %dma_start3A_588 = tpu.memref_slice %arg4[%mul3A_586] : memref<1572864xi32, #tpu.memory_space<hbm>> -> memref<6144xi32, #tpu.memory_space<hbm>>
    tpu.enqueue_dma source(%dma_start3A_588 : memref<6144xi32, #tpu.memory_space<hbm>>) target(%arg10 : memref<6144xi32, #tpu.memory_space<vmem>>) target_semaphore(%arg15 : memref<!tpu.dma_semaphore, #tpu.memory_space<semaphore_mem>>)
    %dma_wait3A_589 = arith.constant 0 : i32
    %dma_wait3A_590 = arith.constant 0 : i32
    %dma_wait3A_591 = arith.constant 0 : i32
    %dma_wait3A_592 = tpu.memref_slice %arg7[%dma_wait3A_590, %dma_wait3A_591] : memref<64x768xf32, #tpu.memory_space<vmem>> -> memref<16x768xf32, #tpu.memory_space<vmem>>
    %dma_wait3A_593 = arith.constant 32 : i32
    %dma_wait3A_594 = tpu.memref_slice %arg6[%dma_wait3A_589, %dma_wait3A_593] : memref<4x128xi32, #tpu.memory_space<vmem>> -> memref<1x16xi32, #tpu.memory_space<vmem>>
    %dma_wait3A_595 = tpu.memref_squeeze %dma_wait3A_594 : memref<1x16xi32, #tpu.memory_space<vmem>> -> memref<16xi32, #tpu.memory_space<vmem>>
    %dma_wait3A_596 = arith.constant 0 : i32
    %dma_wait3A_597 = arith.constant 0 : i32
    %dma_wait3A_598 = tpu.memref_slice %arg3[%dma_wait3A_596, %dma_wait3A_597] : memref<100000x768xf32, #tpu.memory_space<hbm>> -> memref<100000x768xf32, #tpu.memory_space<hbm>>
    tpu.wait_indirect_dma semaphore(%arg12 : memref<!tpu.dma_semaphore, #tpu.memory_space<semaphore_mem>>) src(%dma_wait3A_598 : memref<100000x768xf32, #tpu.memory_space<hbm>>) dst(%dma_wait3A_592 : memref<16x768xf32, #tpu.memory_space<vmem>>)
    %dma_wait3A_599 = arith.constant 1 : i32
    %dma_wait3A_600 = arith.constant 16 : i32
    %dma_wait3A_601 = arith.constant 0 : i32
    %dma_wait3A_602 = tpu.memref_slice %arg7[%dma_wait3A_600, %dma_wait3A_601] : memref<64x768xf32, #tpu.memory_space<vmem>> -> memref<16x768xf32, #tpu.memory_space<vmem>>
    %dma_wait3A_603 = arith.constant 32 : i32
    %dma_wait3A_604 = tpu.memref_slice %arg6[%dma_wait3A_599, %dma_wait3A_603] : memref<4x128xi32, #tpu.memory_space<vmem>> -> memref<1x16xi32, #tpu.memory_space<vmem>>
    %dma_wait3A_605 = tpu.memref_squeeze %dma_wait3A_604 : memref<1x16xi32, #tpu.memory_space<vmem>> -> memref<16xi32, #tpu.memory_space<vmem>>
    %dma_wait3A_606 = arith.constant 0 : i32
    %dma_wait3A_607 = arith.constant 0 : i32
    %dma_wait3A_608 = tpu.memref_slice %arg3[%dma_wait3A_606, %dma_wait3A_607] : memref<100000x768xf32, #tpu.memory_space<hbm>> -> memref<100000x768xf32, #tpu.memory_space<hbm>>
    tpu.wait_indirect_dma semaphore(%arg12 : memref<!tpu.dma_semaphore, #tpu.memory_space<semaphore_mem>>) src(%dma_wait3A_608 : memref<100000x768xf32, #tpu.memory_space<hbm>>) dst(%dma_wait3A_602 : memref<16x768xf32, #tpu.memory_space<vmem>>)
    %dma_wait3A_609 = arith.constant 2 : i32
    %dma_wait3A_610 = arith.constant 32 : i32
    %dma_wait3A_611 = arith.constant 0 : i32
    %dma_wait3A_612 = tpu.memref_slice %arg7[%dma_wait3A_610, %dma_wait3A_611] : memref<64x768xf32, #tpu.memory_space<vmem>> -> memref<16x768xf32, #tpu.memory_space<vmem>>
    %dma_wait3A_613 = arith.constant 32 : i32
    %dma_wait3A_614 = tpu.memref_slice %arg6[%dma_wait3A_609, %dma_wait3A_613] : memref<4x128xi32, #tpu.memory_space<vmem>> -> memref<1x16xi32, #tpu.memory_space<vmem>>
    %dma_wait3A_615 = tpu.memref_squeeze %dma_wait3A_614 : memref<1x16xi32, #tpu.memory_space<vmem>> -> memref<16xi32, #tpu.memory_space<vmem>>
    %dma_wait3A_616 = arith.constant 0 : i32
    %dma_wait3A_617 = arith.constant 0 : i32
    %dma_wait3A_618 = tpu.memref_slice %arg3[%dma_wait3A_616, %dma_wait3A_617] : memref<100000x768xf32, #tpu.memory_space<hbm>> -> memref<100000x768xf32, #tpu.memory_space<hbm>>
    tpu.wait_indirect_dma semaphore(%arg12 : memref<!tpu.dma_semaphore, #tpu.memory_space<semaphore_mem>>) src(%dma_wait3A_618 : memref<100000x768xf32, #tpu.memory_space<hbm>>) dst(%dma_wait3A_612 : memref<16x768xf32, #tpu.memory_space<vmem>>)
    %dma_wait3A_619 = arith.constant 3 : i32
    %dma_wait3A_620 = arith.constant 48 : i32
    %dma_wait3A_621 = arith.constant 0 : i32
    %dma_wait3A_622 = tpu.memref_slice %arg7[%dma_wait3A_620, %dma_wait3A_621] : memref<64x768xf32, #tpu.memory_space<vmem>> -> memref<16x768xf32, #tpu.memory_space<vmem>>
    %dma_wait3A_623 = arith.constant 32 : i32
    %dma_wait3A_624 = tpu.memref_slice %arg6[%dma_wait3A_619, %dma_wait3A_623] : memref<4x128xi32, #tpu.memory_space<vmem>> -> memref<1x16xi32, #tpu.memory_space<vmem>>
    %dma_wait3A_625 = tpu.memref_squeeze %dma_wait3A_624 : memref<1x16xi32, #tpu.memory_space<vmem>> -> memref<16xi32, #tpu.memory_space<vmem>>
    %dma_wait3A_626 = arith.constant 0 : i32
    %dma_wait3A_627 = arith.constant 0 : i32
    %dma_wait3A_628 = tpu.memref_slice %arg3[%dma_wait3A_626, %dma_wait3A_627] : memref<100000x768xf32, #tpu.memory_space<hbm>> -> memref<100000x768xf32, #tpu.memory_space<hbm>>
    tpu.wait_indirect_dma semaphore(%arg12 : memref<!tpu.dma_semaphore, #tpu.memory_space<semaphore_mem>>) src(%dma_wait3A_628 : memref<100000x768xf32, #tpu.memory_space<hbm>>) dst(%dma_wait3A_622 : memref<16x768xf32, #tpu.memory_space<vmem>>)
    %dma_wait3A_629 = tpu.memref_slice %arg4[%mul3A_386] : memref<1572864xi32, #tpu.memory_space<hbm>> -> memref<6144xi32, #tpu.memory_space<hbm>>
    %dma_wait3A_630 = tpu.memref_slice %arg4[%mul3A_386] : memref<1572864xi32, #tpu.memory_space<hbm>> -> memref<6144xi32, #tpu.memory_space<hbm>>
    tpu.wait_dma2 semaphore(%arg14 : memref<!tpu.dma_semaphore, #tpu.memory_space<semaphore_mem>>) src(%dma_wait3A_630 : memref<6144xi32, #tpu.memory_space<hbm>>) dst(%arg9 : memref<6144xi32, #tpu.memory_space<vmem>>)
    %add3A_631 = arith.constant 32 : i32
    %add3A_632 = arith.addi %mul3A_2, %add3A_631 : i32
    %dma_start3A_633 = arith.constant 0 : i32
    %dma_start3A_634 = arith.constant 0 : i32
    %dma_start3A_635 = arith.constant 0 : i32
    %dma_start3A_636 = tpu.memref_slice %arg7[%dma_start3A_634, %dma_start3A_635] : memref<64x768xf32, #tpu.memory_space<vmem>> -> memref<16x768xf32, #tpu.memory_space<vmem>>
    %dma_start3A_637 = arith.constant 0 : i32
    %dma_start3A_638 = tpu.memref_slice %arg5[%dma_start3A_633, %add3A_632, %dma_start3A_637] : memref<4x4096x768xf32, #tpu.memory_space<hbm>> -> memref<1x16x768xf32, #tpu.memory_space<hbm>>
    %dma_start3A_639 = tpu.memref_squeeze %dma_start3A_638 : memref<1x16x768xf32, #tpu.memory_space<hbm>> -> memref<16x768xf32, #tpu.memory_space<hbm>>
    %dma_start3A_640 = arith.constant 0 : i32
    %dma_start3A_641 = tpu.memref_slice %arg5[%dma_start3A_633, %add3A_632, %dma_start3A_640] : memref<4x4096x768xf32, #tpu.memory_space<hbm>> -> memref<1x16x768xf32, #tpu.memory_space<hbm>>
    %dma_start3A_642 = tpu.memref_squeeze %dma_start3A_641 : memref<1x16x768xf32, #tpu.memory_space<hbm>> -> memref<16x768xf32, #tpu.memory_space<hbm>>
    %dma_start3A_643 = arith.constant 0 : i32
    %dma_start3A_644 = arith.constant 0 : i32
    %dma_start3A_645 = tpu.memref_slice %arg7[%dma_start3A_643, %dma_start3A_644] : memref<64x768xf32, #tpu.memory_space<vmem>> -> memref<16x768xf32, #tpu.memory_space<vmem>>
    tpu.enqueue_dma source(%dma_start3A_645 : memref<16x768xf32, #tpu.memory_space<vmem>>) target(%dma_start3A_642 : memref<16x768xf32, #tpu.memory_space<hbm>>) target_semaphore(%arg16 : memref<!tpu.dma_semaphore, #tpu.memory_space<semaphore_mem>>)
    %add3A_646 = arith.constant 32 : i32
    %add3A_647 = arith.addi %mul3A_2, %add3A_646 : i32
    %dma_start3A_648 = arith.constant 1 : i32
    %dma_start3A_649 = arith.constant 16 : i32
    %dma_start3A_650 = arith.constant 0 : i32
    %dma_start3A_651 = tpu.memref_slice %arg7[%dma_start3A_649, %dma_start3A_650] : memref<64x768xf32, #tpu.memory_space<vmem>> -> memref<16x768xf32, #tpu.memory_space<vmem>>
    %dma_start3A_652 = arith.constant 0 : i32
    %dma_start3A_653 = tpu.memref_slice %arg5[%dma_start3A_648, %add3A_647, %dma_start3A_652] : memref<4x4096x768xf32, #tpu.memory_space<hbm>> -> memref<1x16x768xf32, #tpu.memory_space<hbm>>
    %dma_start3A_654 = tpu.memref_squeeze %dma_start3A_653 : memref<1x16x768xf32, #tpu.memory_space<hbm>> -> memref<16x768xf32, #tpu.memory_space<hbm>>
    %dma_start3A_655 = arith.constant 0 : i32
    %dma_start3A_656 = tpu.memref_slice %arg5[%dma_start3A_648, %add3A_647, %dma_start3A_655] : memref<4x4096x768xf32, #tpu.memory_space<hbm>> -> memref<1x16x768xf32, #tpu.memory_space<hbm>>
    %dma_start3A_657 = tpu.memref_squeeze %dma_start3A_656 : memref<1x16x768xf32, #tpu.memory_space<hbm>> -> memref<16x768xf32, #tpu.memory_space<hbm>>
    %dma_start3A_658 = arith.constant 16 : i32
    %dma_start3A_659 = arith.constant 0 : i32
    %dma_start3A_660 = tpu.memref_slice %arg7[%dma_start3A_658, %dma_start3A_659] : memref<64x768xf32, #tpu.memory_space<vmem>> -> memref<16x768xf32, #tpu.memory_space<vmem>>
    tpu.enqueue_dma source(%dma_start3A_660 : memref<16x768xf32, #tpu.memory_space<vmem>>) target(%dma_start3A_657 : memref<16x768xf32, #tpu.memory_space<hbm>>) target_semaphore(%arg16 : memref<!tpu.dma_semaphore, #tpu.memory_space<semaphore_mem>>)
    %add3A_661 = arith.constant 32 : i32
    %add3A_662 = arith.addi %mul3A_2, %add3A_661 : i32
    %dma_start3A_663 = arith.constant 2 : i32
    %dma_start3A_664 = arith.constant 32 : i32
    %dma_start3A_665 = arith.constant 0 : i32
    %dma_start3A_666 = tpu.memref_slice %arg7[%dma_start3A_664, %dma_start3A_665] : memref<64x768xf32, #tpu.memory_space<vmem>> -> memref<16x768xf32, #tpu.memory_space<vmem>>
    %dma_start3A_667 = arith.constant 0 : i32
    %dma_start3A_668 = tpu.memref_slice %arg5[%dma_start3A_663, %add3A_662, %dma_start3A_667] : memref<4x4096x768xf32, #tpu.memory_space<hbm>> -> memref<1x16x768xf32, #tpu.memory_space<hbm>>
    %dma_start3A_669 = tpu.memref_squeeze %dma_start3A_668 : memref<1x16x768xf32, #tpu.memory_space<hbm>> -> memref<16x768xf32, #tpu.memory_space<hbm>>
    %dma_start3A_670 = arith.constant 0 : i32
    %dma_start3A_671 = tpu.memref_slice %arg5[%dma_start3A_663, %add3A_662, %dma_start3A_670] : memref<4x4096x768xf32, #tpu.memory_space<hbm>> -> memref<1x16x768xf32, #tpu.memory_space<hbm>>
    %dma_start3A_672 = tpu.memref_squeeze %dma_start3A_671 : memref<1x16x768xf32, #tpu.memory_space<hbm>> -> memref<16x768xf32, #tpu.memory_space<hbm>>
    %dma_start3A_673 = arith.constant 32 : i32
    %dma_start3A_674 = arith.constant 0 : i32
    %dma_start3A_675 = tpu.memref_slice %arg7[%dma_start3A_673, %dma_start3A_674] : memref<64x768xf32, #tpu.memory_space<vmem>> -> memref<16x768xf32, #tpu.memory_space<vmem>>
    tpu.enqueue_dma source(%dma_start3A_675 : memref<16x768xf32, #tpu.memory_space<vmem>>) target(%dma_start3A_672 : memref<16x768xf32, #tpu.memory_space<hbm>>) target_semaphore(%arg16 : memref<!tpu.dma_semaphore, #tpu.memory_space<semaphore_mem>>)
    %add3A_676 = arith.constant 32 : i32
    %add3A_677 = arith.addi %mul3A_2, %add3A_676 : i32
    %dma_start3A_678 = arith.constant 3 : i32
    %dma_start3A_679 = arith.constant 48 : i32
    %dma_start3A_680 = arith.constant 0 : i32
    %dma_start3A_681 = tpu.memref_slice %arg7[%dma_start3A_679, %dma_start3A_680] : memref<64x768xf32, #tpu.memory_space<vmem>> -> memref<16x768xf32, #tpu.memory_space<vmem>>
    %dma_start3A_682 = arith.constant 0 : i32
    %dma_start3A_683 = tpu.memref_slice %arg5[%dma_start3A_678, %add3A_677, %dma_start3A_682] : memref<4x4096x768xf32, #tpu.memory_space<hbm>> -> memref<1x16x768xf32, #tpu.memory_space<hbm>>
    %dma_start3A_684 = tpu.memref_squeeze %dma_start3A_683 : memref<1x16x768xf32, #tpu.memory_space<hbm>> -> memref<16x768xf32, #tpu.memory_space<hbm>>
    %dma_start3A_685 = arith.constant 0 : i32
    %dma_start3A_686 = tpu.memref_slice %arg5[%dma_start3A_678, %add3A_677, %dma_start3A_685] : memref<4x4096x768xf32, #tpu.memory_space<hbm>> -> memref<1x16x768xf32, #tpu.memory_space<hbm>>
    %dma_start3A_687 = tpu.memref_squeeze %dma_start3A_686 : memref<1x16x768xf32, #tpu.memory_space<hbm>> -> memref<16x768xf32, #tpu.memory_space<hbm>>
    %dma_start3A_688 = arith.constant 48 : i32
    %dma_start3A_689 = arith.constant 0 : i32
    %dma_start3A_690 = tpu.memref_slice %arg7[%dma_start3A_688, %dma_start3A_689] : memref<64x768xf32, #tpu.memory_space<vmem>> -> memref<16x768xf32, #tpu.memory_space<vmem>>
    tpu.enqueue_dma source(%dma_start3A_690 : memref<16x768xf32, #tpu.memory_space<vmem>>) target(%dma_start3A_687 : memref<16x768xf32, #tpu.memory_space<hbm>>) target_semaphore(%arg16 : memref<!tpu.dma_semaphore, #tpu.memory_space<semaphore_mem>>)
    %dma_wait3A_691 = arith.constant 0 : i32
    %dma_wait3A_692 = arith.constant 0 : i32
    %dma_wait3A_693 = arith.constant 0 : i32
    %dma_wait3A_694 = tpu.memref_slice %arg7[%dma_wait3A_692, %dma_wait3A_693] : memref<64x768xf32, #tpu.memory_space<vmem>> -> memref<16x768xf32, #tpu.memory_space<vmem>>
    %dma_wait3A_695 = arith.constant 0 : i32
    %dma_wait3A_696 = tpu.memref_slice %arg5[%dma_wait3A_691, %add3A_632, %dma_wait3A_695] : memref<4x4096x768xf32, #tpu.memory_space<hbm>> -> memref<1x16x768xf32, #tpu.memory_space<hbm>>
    %dma_wait3A_697 = tpu.memref_squeeze %dma_wait3A_696 : memref<1x16x768xf32, #tpu.memory_space<hbm>> -> memref<16x768xf32, #tpu.memory_space<hbm>>
    %dma_wait3A_698 = arith.constant 0 : i32
    %dma_wait3A_699 = tpu.memref_slice %arg5[%dma_wait3A_691, %add3A_632, %dma_wait3A_698] : memref<4x4096x768xf32, #tpu.memory_space<hbm>> -> memref<1x16x768xf32, #tpu.memory_space<hbm>>
    %dma_wait3A_700 = tpu.memref_squeeze %dma_wait3A_699 : memref<1x16x768xf32, #tpu.memory_space<hbm>> -> memref<16x768xf32, #tpu.memory_space<hbm>>
    %dma_wait3A_701 = arith.constant 0 : i32
    %dma_wait3A_702 = arith.constant 0 : i32
    %dma_wait3A_703 = tpu.memref_slice %arg7[%dma_wait3A_701, %dma_wait3A_702] : memref<64x768xf32, #tpu.memory_space<vmem>> -> memref<16x768xf32, #tpu.memory_space<vmem>>
    tpu.wait_dma2 semaphore(%arg16 : memref<!tpu.dma_semaphore, #tpu.memory_space<semaphore_mem>>) src(%dma_wait3A_703 : memref<16x768xf32, #tpu.memory_space<vmem>>) dst(%dma_wait3A_700 : memref<16x768xf32, #tpu.memory_space<hbm>>)
    %dma_wait3A_704 = arith.constant 1 : i32
    %dma_wait3A_705 = arith.constant 16 : i32
    %dma_wait3A_706 = arith.constant 0 : i32
    %dma_wait3A_707 = tpu.memref_slice %arg7[%dma_wait3A_705, %dma_wait3A_706] : memref<64x768xf32, #tpu.memory_space<vmem>> -> memref<16x768xf32, #tpu.memory_space<vmem>>
    %dma_wait3A_708 = arith.constant 0 : i32
    %dma_wait3A_709 = tpu.memref_slice %arg5[%dma_wait3A_704, %add3A_647, %dma_wait3A_708] : memref<4x4096x768xf32, #tpu.memory_space<hbm>> -> memref<1x16x768xf32, #tpu.memory_space<hbm>>
    %dma_wait3A_710 = tpu.memref_squeeze %dma_wait3A_709 : memref<1x16x768xf32, #tpu.memory_space<hbm>> -> memref<16x768xf32, #tpu.memory_space<hbm>>
    %dma_wait3A_711 = arith.constant 0 : i32
    %dma_wait3A_712 = tpu.memref_slice %arg5[%dma_wait3A_704, %add3A_647, %dma_wait3A_711] : memref<4x4096x768xf32, #tpu.memory_space<hbm>> -> memref<1x16x768xf32, #tpu.memory_space<hbm>>
    %dma_wait3A_713 = tpu.memref_squeeze %dma_wait3A_712 : memref<1x16x768xf32, #tpu.memory_space<hbm>> -> memref<16x768xf32, #tpu.memory_space<hbm>>
    %dma_wait3A_714 = arith.constant 16 : i32
    %dma_wait3A_715 = arith.constant 0 : i32
    %dma_wait3A_716 = tpu.memref_slice %arg7[%dma_wait3A_714, %dma_wait3A_715] : memref<64x768xf32, #tpu.memory_space<vmem>> -> memref<16x768xf32, #tpu.memory_space<vmem>>
    tpu.wait_dma2 semaphore(%arg16 : memref<!tpu.dma_semaphore, #tpu.memory_space<semaphore_mem>>) src(%dma_wait3A_716 : memref<16x768xf32, #tpu.memory_space<vmem>>) dst(%dma_wait3A_713 : memref<16x768xf32, #tpu.memory_space<hbm>>)
    %dma_wait3A_717 = arith.constant 2 : i32
    %dma_wait3A_718 = arith.constant 32 : i32
    %dma_wait3A_719 = arith.constant 0 : i32
    %dma_wait3A_720 = tpu.memref_slice %arg7[%dma_wait3A_718, %dma_wait3A_719] : memref<64x768xf32, #tpu.memory_space<vmem>> -> memref<16x768xf32, #tpu.memory_space<vmem>>
    %dma_wait3A_721 = arith.constant 0 : i32
    %dma_wait3A_722 = tpu.memref_slice %arg5[%dma_wait3A_717, %add3A_662, %dma_wait3A_721] : memref<4x4096x768xf32, #tpu.memory_space<hbm>> -> memref<1x16x768xf32, #tpu.memory_space<hbm>>
    %dma_wait3A_723 = tpu.memref_squeeze %dma_wait3A_722 : memref<1x16x768xf32, #tpu.memory_space<hbm>> -> memref<16x768xf32, #tpu.memory_space<hbm>>
    %dma_wait3A_724 = arith.constant 0 : i32
    %dma_wait3A_725 = tpu.memref_slice %arg5[%dma_wait3A_717, %add3A_662, %dma_wait3A_724] : memref<4x4096x768xf32, #tpu.memory_space<hbm>> -> memref<1x16x768xf32, #tpu.memory_space<hbm>>
    %dma_wait3A_726 = tpu.memref_squeeze %dma_wait3A_725 : memref<1x16x768xf32, #tpu.memory_space<hbm>> -> memref<16x768xf32, #tpu.memory_space<hbm>>
    %dma_wait3A_727 = arith.constant 32 : i32
    %dma_wait3A_728 = arith.constant 0 : i32
    %dma_wait3A_729 = tpu.memref_slice %arg7[%dma_wait3A_727, %dma_wait3A_728] : memref<64x768xf32, #tpu.memory_space<vmem>> -> memref<16x768xf32, #tpu.memory_space<vmem>>
    tpu.wait_dma2 semaphore(%arg16 : memref<!tpu.dma_semaphore, #tpu.memory_space<semaphore_mem>>) src(%dma_wait3A_729 : memref<16x768xf32, #tpu.memory_space<vmem>>) dst(%dma_wait3A_726 : memref<16x768xf32, #tpu.memory_space<hbm>>)
    %dma_wait3A_730 = arith.constant 3 : i32
    %dma_wait3A_731 = arith.constant 48 : i32
    %dma_wait3A_732 = arith.constant 0 : i32
    %dma_wait3A_733 = tpu.memref_slice %arg7[%dma_wait3A_731, %dma_wait3A_732] : memref<64x768xf32, #tpu.memory_space<vmem>> -> memref<16x768xf32, #tpu.memory_space<vmem>>
    %dma_wait3A_734 = arith.constant 0 : i32
    %dma_wait3A_735 = tpu.memref_slice %arg5[%dma_wait3A_730, %add3A_677, %dma_wait3A_734] : memref<4x4096x768xf32, #tpu.memory_space<hbm>> -> memref<1x16x768xf32, #tpu.memory_space<hbm>>
    %dma_wait3A_736 = tpu.memref_squeeze %dma_wait3A_735 : memref<1x16x768xf32, #tpu.memory_space<hbm>> -> memref<16x768xf32, #tpu.memory_space<hbm>>
    %dma_wait3A_737 = arith.constant 0 : i32
    %dma_wait3A_738 = tpu.memref_slice %arg5[%dma_wait3A_730, %add3A_677, %dma_wait3A_737] : memref<4x4096x768xf32, #tpu.memory_space<hbm>> -> memref<1x16x768xf32, #tpu.memory_space<hbm>>
    %dma_wait3A_739 = tpu.memref_squeeze %dma_wait3A_738 : memref<1x16x768xf32, #tpu.memory_space<hbm>> -> memref<16x768xf32, #tpu.memory_space<hbm>>
    %dma_wait3A_740 = arith.constant 48 : i32
    %dma_wait3A_741 = arith.constant 0 : i32
    %dma_wait3A_742 = tpu.memref_slice %arg7[%dma_wait3A_740, %dma_wait3A_741] : memref<64x768xf32, #tpu.memory_space<vmem>> -> memref<16x768xf32, #tpu.memory_space<vmem>>
    tpu.wait_dma2 semaphore(%arg16 : memref<!tpu.dma_semaphore, #tpu.memory_space<semaphore_mem>>) src(%dma_wait3A_742 : memref<16x768xf32, #tpu.memory_space<vmem>>) dst(%dma_wait3A_739 : memref<16x768xf32, #tpu.memory_space<hbm>>)
    %dma_start3A_743 = arith.constant 0 : i32
    %dma_start3A_744 = arith.constant 0 : i32
    %dma_start3A_745 = arith.constant 0 : i32
    %dma_start3A_746 = tpu.memref_slice %arg7[%dma_start3A_744, %dma_start3A_745] : memref<64x768xf32, #tpu.memory_space<vmem>> -> memref<16x768xf32, #tpu.memory_space<vmem>>
    %dma_start3A_747 = arith.constant 64 : i32
    %dma_start3A_748 = tpu.memref_slice %arg6[%dma_start3A_743, %dma_start3A_747] : memref<4x128xi32, #tpu.memory_space<vmem>> -> memref<1x16xi32, #tpu.memory_space<vmem>>
    %dma_start3A_749 = tpu.memref_squeeze %dma_start3A_748 : memref<1x16xi32, #tpu.memory_space<vmem>> -> memref<16xi32, #tpu.memory_space<vmem>>
    %dma_start3A_750 = arith.constant 0 : i32
    %dma_start3A_751 = arith.constant 0 : i32
    %dma_start3A_752 = tpu.memref_slice %arg3[%dma_start3A_750, %dma_start3A_751] : memref<100000x768xf32, #tpu.memory_space<hbm>> -> memref<100000x768xf32, #tpu.memory_space<hbm>>
    tpu.enqueue_indirect_dma source(%dma_start3A_752 : memref<100000x768xf32, #tpu.memory_space<hbm>>) target(%dma_start3A_746 : memref<16x768xf32, #tpu.memory_space<vmem>>) offsets(%dma_start3A_749 : memref<16xi32, #tpu.memory_space<vmem>>) semaphore(%arg12 : memref<!tpu.dma_semaphore, #tpu.memory_space<semaphore_mem>>)
    %dma_start3A_753 = arith.constant 1 : i32
    %dma_start3A_754 = arith.constant 16 : i32
    %dma_start3A_755 = arith.constant 0 : i32
    %dma_start3A_756 = tpu.memref_slice %arg7[%dma_start3A_754, %dma_start3A_755] : memref<64x768xf32, #tpu.memory_space<vmem>> -> memref<16x768xf32, #tpu.memory_space<vmem>>
    %dma_start3A_757 = arith.constant 64 : i32
    %dma_start3A_758 = tpu.memref_slice %arg6[%dma_start3A_753, %dma_start3A_757] : memref<4x128xi32, #tpu.memory_space<vmem>> -> memref<1x16xi32, #tpu.memory_space<vmem>>
    %dma_start3A_759 = tpu.memref_squeeze %dma_start3A_758 : memref<1x16xi32, #tpu.memory_space<vmem>> -> memref<16xi32, #tpu.memory_space<vmem>>
    %dma_start3A_760 = arith.constant 0 : i32
    %dma_start3A_761 = arith.constant 0 : i32
    %dma_start3A_762 = tpu.memref_slice %arg3[%dma_start3A_760, %dma_start3A_761] : memref<100000x768xf32, #tpu.memory_space<hbm>> -> memref<100000x768xf32, #tpu.memory_space<hbm>>
    tpu.enqueue_indirect_dma source(%dma_start3A_762 : memref<100000x768xf32, #tpu.memory_space<hbm>>) target(%dma_start3A_756 : memref<16x768xf32, #tpu.memory_space<vmem>>) offsets(%dma_start3A_759 : memref<16xi32, #tpu.memory_space<vmem>>) semaphore(%arg12 : memref<!tpu.dma_semaphore, #tpu.memory_space<semaphore_mem>>)
    %dma_start3A_763 = arith.constant 2 : i32
    %dma_start3A_764 = arith.constant 32 : i32
    %dma_start3A_765 = arith.constant 0 : i32
    %dma_start3A_766 = tpu.memref_slice %arg7[%dma_start3A_764, %dma_start3A_765] : memref<64x768xf32, #tpu.memory_space<vmem>> -> memref<16x768xf32, #tpu.memory_space<vmem>>
    %dma_start3A_767 = arith.constant 64 : i32
    %dma_start3A_768 = tpu.memref_slice %arg6[%dma_start3A_763, %dma_start3A_767] : memref<4x128xi32, #tpu.memory_space<vmem>> -> memref<1x16xi32, #tpu.memory_space<vmem>>
    %dma_start3A_769 = tpu.memref_squeeze %dma_start3A_768 : memref<1x16xi32, #tpu.memory_space<vmem>> -> memref<16xi32, #tpu.memory_space<vmem>>
    %dma_start3A_770 = arith.constant 0 : i32
    %dma_start3A_771 = arith.constant 0 : i32
    %dma_start3A_772 = tpu.memref_slice %arg3[%dma_start3A_770, %dma_start3A_771] : memref<100000x768xf32, #tpu.memory_space<hbm>> -> memref<100000x768xf32, #tpu.memory_space<hbm>>
    tpu.enqueue_indirect_dma source(%dma_start3A_772 : memref<100000x768xf32, #tpu.memory_space<hbm>>) target(%dma_start3A_766 : memref<16x768xf32, #tpu.memory_space<vmem>>) offsets(%dma_start3A_769 : memref<16xi32, #tpu.memory_space<vmem>>) semaphore(%arg12 : memref<!tpu.dma_semaphore, #tpu.memory_space<semaphore_mem>>)
    %dma_start3A_773 = arith.constant 3 : i32
    %dma_start3A_774 = arith.constant 48 : i32
    %dma_start3A_775 = arith.constant 0 : i32
    %dma_start3A_776 = tpu.memref_slice %arg7[%dma_start3A_774, %dma_start3A_775] : memref<64x768xf32, #tpu.memory_space<vmem>> -> memref<16x768xf32, #tpu.memory_space<vmem>>
    %dma_start3A_777 = arith.constant 64 : i32
    %dma_start3A_778 = tpu.memref_slice %arg6[%dma_start3A_773, %dma_start3A_777] : memref<4x128xi32, #tpu.memory_space<vmem>> -> memref<1x16xi32, #tpu.memory_space<vmem>>
    %dma_start3A_779 = tpu.memref_squeeze %dma_start3A_778 : memref<1x16xi32, #tpu.memory_space<vmem>> -> memref<16xi32, #tpu.memory_space<vmem>>
    %dma_start3A_780 = arith.constant 0 : i32
    %dma_start3A_781 = arith.constant 0 : i32
    %dma_start3A_782 = tpu.memref_slice %arg3[%dma_start3A_780, %dma_start3A_781] : memref<100000x768xf32, #tpu.memory_space<hbm>> -> memref<100000x768xf32, #tpu.memory_space<hbm>>
    tpu.enqueue_indirect_dma source(%dma_start3A_782 : memref<100000x768xf32, #tpu.memory_space<hbm>>) target(%dma_start3A_776 : memref<16x768xf32, #tpu.memory_space<vmem>>) offsets(%dma_start3A_779 : memref<16xi32, #tpu.memory_space<vmem>>) semaphore(%arg12 : memref<!tpu.dma_semaphore, #tpu.memory_space<semaphore_mem>>)
    %add3A_783 = arith.constant 64 : i32
    %add3A_784 = arith.addi %mul3A_2, %add3A_783 : i32
    %mul3A_785 = arith.constant 384 : i32
    %mul3A_786 = arith.muli %add3A_784, %mul3A_785 : i32
    %dma_start3A_787 = tpu.memref_slice %arg4[%mul3A_786] : memref<1572864xi32, #tpu.memory_space<hbm>> -> memref<6144xi32, #tpu.memory_space<hbm>>
    %dma_start3A_788 = tpu.memref_slice %arg4[%mul3A_786] : memref<1572864xi32, #tpu.memory_space<hbm>> -> memref<6144xi32, #tpu.memory_space<hbm>>
    tpu.enqueue_dma source(%dma_start3A_788 : memref<6144xi32, #tpu.memory_space<hbm>>) target(%arg9 : memref<6144xi32, #tpu.memory_space<vmem>>) target_semaphore(%arg14 : memref<!tpu.dma_semaphore, #tpu.memory_space<semaphore_mem>>)
    %dma_wait3A_789 = arith.constant 0 : i32
    %dma_wait3A_790 = arith.constant 0 : i32
    %dma_wait3A_791 = arith.constant 0 : i32
    %dma_wait3A_792 = tpu.memref_slice %arg8[%dma_wait3A_790, %dma_wait3A_791] : memref<64x768xf32, #tpu.memory_space<vmem>> -> memref<16x768xf32, #tpu.memory_space<vmem>>
    %dma_wait3A_793 = arith.constant 48 : i32
    %dma_wait3A_794 = tpu.memref_slice %arg6[%dma_wait3A_789, %dma_wait3A_793] : memref<4x128xi32, #tpu.memory_space<vmem>> -> memref<1x16xi32, #tpu.memory_space<vmem>>
    %dma_wait3A_795 = tpu.memref_squeeze %dma_wait3A_794 : memref<1x16xi32, #tpu.memory_space<vmem>> -> memref<16xi32, #tpu.memory_space<vmem>>
    %dma_wait3A_796 = arith.constant 0 : i32
    %dma_wait3A_797 = arith.constant 0 : i32
    %dma_wait3A_798 = tpu.memref_slice %arg3[%dma_wait3A_796, %dma_wait3A_797] : memref<100000x768xf32, #tpu.memory_space<hbm>> -> memref<100000x768xf32, #tpu.memory_space<hbm>>
    tpu.wait_indirect_dma semaphore(%arg13 : memref<!tpu.dma_semaphore, #tpu.memory_space<semaphore_mem>>) src(%dma_wait3A_798 : memref<100000x768xf32, #tpu.memory_space<hbm>>) dst(%dma_wait3A_792 : memref<16x768xf32, #tpu.memory_space<vmem>>)
    %dma_wait3A_799 = arith.constant 1 : i32
    %dma_wait3A_800 = arith.constant 16 : i32
    %dma_wait3A_801 = arith.constant 0 : i32
    %dma_wait3A_802 = tpu.memref_slice %arg8[%dma_wait3A_800, %dma_wait3A_801] : memref<64x768xf32, #tpu.memory_space<vmem>> -> memref<16x768xf32, #tpu.memory_space<vmem>>
    %dma_wait3A_803 = arith.constant 48 : i32
    %dma_wait3A_804 = tpu.memref_slice %arg6[%dma_wait3A_799, %dma_wait3A_803] : memref<4x128xi32, #tpu.memory_space<vmem>> -> memref<1x16xi32, #tpu.memory_space<vmem>>
    %dma_wait3A_805 = tpu.memref_squeeze %dma_wait3A_804 : memref<1x16xi32, #tpu.memory_space<vmem>> -> memref<16xi32, #tpu.memory_space<vmem>>
    %dma_wait3A_806 = arith.constant 0 : i32
    %dma_wait3A_807 = arith.constant 0 : i32
    %dma_wait3A_808 = tpu.memref_slice %arg3[%dma_wait3A_806, %dma_wait3A_807] : memref<100000x768xf32, #tpu.memory_space<hbm>> -> memref<100000x768xf32, #tpu.memory_space<hbm>>
    tpu.wait_indirect_dma semaphore(%arg13 : memref<!tpu.dma_semaphore, #tpu.memory_space<semaphore_mem>>) src(%dma_wait3A_808 : memref<100000x768xf32, #tpu.memory_space<hbm>>) dst(%dma_wait3A_802 : memref<16x768xf32, #tpu.memory_space<vmem>>)
    %dma_wait3A_809 = arith.constant 2 : i32
    %dma_wait3A_810 = arith.constant 32 : i32
    %dma_wait3A_811 = arith.constant 0 : i32
    %dma_wait3A_812 = tpu.memref_slice %arg8[%dma_wait3A_810, %dma_wait3A_811] : memref<64x768xf32, #tpu.memory_space<vmem>> -> memref<16x768xf32, #tpu.memory_space<vmem>>
    %dma_wait3A_813 = arith.constant 48 : i32
    %dma_wait3A_814 = tpu.memref_slice %arg6[%dma_wait3A_809, %dma_wait3A_813] : memref<4x128xi32, #tpu.memory_space<vmem>> -> memref<1x16xi32, #tpu.memory_space<vmem>>
    %dma_wait3A_815 = tpu.memref_squeeze %dma_wait3A_814 : memref<1x16xi32, #tpu.memory_space<vmem>> -> memref<16xi32, #tpu.memory_space<vmem>>
    %dma_wait3A_816 = arith.constant 0 : i32
    %dma_wait3A_817 = arith.constant 0 : i32
    %dma_wait3A_818 = tpu.memref_slice %arg3[%dma_wait3A_816, %dma_wait3A_817] : memref<100000x768xf32, #tpu.memory_space<hbm>> -> memref<100000x768xf32, #tpu.memory_space<hbm>>
    tpu.wait_indirect_dma semaphore(%arg13 : memref<!tpu.dma_semaphore, #tpu.memory_space<semaphore_mem>>) src(%dma_wait3A_818 : memref<100000x768xf32, #tpu.memory_space<hbm>>) dst(%dma_wait3A_812 : memref<16x768xf32, #tpu.memory_space<vmem>>)
    %dma_wait3A_819 = arith.constant 3 : i32
    %dma_wait3A_820 = arith.constant 48 : i32
    %dma_wait3A_821 = arith.constant 0 : i32
    %dma_wait3A_822 = tpu.memref_slice %arg8[%dma_wait3A_820, %dma_wait3A_821] : memref<64x768xf32, #tpu.memory_space<vmem>> -> memref<16x768xf32, #tpu.memory_space<vmem>>
    %dma_wait3A_823 = arith.constant 48 : i32
    %dma_wait3A_824 = tpu.memref_slice %arg6[%dma_wait3A_819, %dma_wait3A_823] : memref<4x128xi32, #tpu.memory_space<vmem>> -> memref<1x16xi32, #tpu.memory_space<vmem>>
    %dma_wait3A_825 = tpu.memref_squeeze %dma_wait3A_824 : memref<1x16xi32, #tpu.memory_space<vmem>> -> memref<16xi32, #tpu.memory_space<vmem>>
    %dma_wait3A_826 = arith.constant 0 : i32
    %dma_wait3A_827 = arith.constant 0 : i32
    %dma_wait3A_828 = tpu.memref_slice %arg3[%dma_wait3A_826, %dma_wait3A_827] : memref<100000x768xf32, #tpu.memory_space<hbm>> -> memref<100000x768xf32, #tpu.memory_space<hbm>>
    tpu.wait_indirect_dma semaphore(%arg13 : memref<!tpu.dma_semaphore, #tpu.memory_space<semaphore_mem>>) src(%dma_wait3A_828 : memref<100000x768xf32, #tpu.memory_space<hbm>>) dst(%dma_wait3A_822 : memref<16x768xf32, #tpu.memory_space<vmem>>)
    %dma_wait3A_829 = tpu.memref_slice %arg4[%mul3A_586] : memref<1572864xi32, #tpu.memory_space<hbm>> -> memref<6144xi32, #tpu.memory_space<hbm>>
    %dma_wait3A_830 = tpu.memref_slice %arg4[%mul3A_586] : memref<1572864xi32, #tpu.memory_space<hbm>> -> memref<6144xi32, #tpu.memory_space<hbm>>
    tpu.wait_dma2 semaphore(%arg15 : memref<!tpu.dma_semaphore, #tpu.memory_space<semaphore_mem>>) src(%dma_wait3A_830 : memref<6144xi32, #tpu.memory_space<hbm>>) dst(%arg10 : memref<6144xi32, #tpu.memory_space<vmem>>)
    %add3A_831 = arith.constant 48 : i32
    %add3A_832 = arith.addi %mul3A_2, %add3A_831 : i32
    %dma_start3A_833 = arith.constant 0 : i32
    %dma_start3A_834 = arith.constant 0 : i32
    %dma_start3A_835 = arith.constant 0 : i32
    %dma_start3A_836 = tpu.memref_slice %arg8[%dma_start3A_834, %dma_start3A_835] : memref<64x768xf32, #tpu.memory_space<vmem>> -> memref<16x768xf32, #tpu.memory_space<vmem>>
    %dma_start3A_837 = arith.constant 0 : i32
    %dma_start3A_838 = tpu.memref_slice %arg5[%dma_start3A_833, %add3A_832, %dma_start3A_837] : memref<4x4096x768xf32, #tpu.memory_space<hbm>> -> memref<1x16x768xf32, #tpu.memory_space<hbm>>
    %dma_start3A_839 = tpu.memref_squeeze %dma_start3A_838 : memref<1x16x768xf32, #tpu.memory_space<hbm>> -> memref<16x768xf32, #tpu.memory_space<hbm>>
    %dma_start3A_840 = arith.constant 0 : i32
    %dma_start3A_841 = tpu.memref_slice %arg5[%dma_start3A_833, %add3A_832, %dma_start3A_840] : memref<4x4096x768xf32, #tpu.memory_space<hbm>> -> memref<1x16x768xf32, #tpu.memory_space<hbm>>
    %dma_start3A_842 = tpu.memref_squeeze %dma_start3A_841 : memref<1x16x768xf32, #tpu.memory_space<hbm>> -> memref<16x768xf32, #tpu.memory_space<hbm>>
    %dma_start3A_843 = arith.constant 0 : i32
    %dma_start3A_844 = arith.constant 0 : i32
    %dma_start3A_845 = tpu.memref_slice %arg8[%dma_start3A_843, %dma_start3A_844] : memref<64x768xf32, #tpu.memory_space<vmem>> -> memref<16x768xf32, #tpu.memory_space<vmem>>
    tpu.enqueue_dma source(%dma_start3A_845 : memref<16x768xf32, #tpu.memory_space<vmem>>) target(%dma_start3A_842 : memref<16x768xf32, #tpu.memory_space<hbm>>) target_semaphore(%arg17 : memref<!tpu.dma_semaphore, #tpu.memory_space<semaphore_mem>>)
    %add3A_846 = arith.constant 48 : i32
    %add3A_847 = arith.addi %mul3A_2, %add3A_846 : i32
    %dma_start3A_848 = arith.constant 1 : i32
    %dma_start3A_849 = arith.constant 16 : i32
    %dma_start3A_850 = arith.constant 0 : i32
    %dma_start3A_851 = tpu.memref_slice %arg8[%dma_start3A_849, %dma_start3A_850] : memref<64x768xf32, #tpu.memory_space<vmem>> -> memref<16x768xf32, #tpu.memory_space<vmem>>
    %dma_start3A_852 = arith.constant 0 : i32
    %dma_start3A_853 = tpu.memref_slice %arg5[%dma_start3A_848, %add3A_847, %dma_start3A_852] : memref<4x4096x768xf32, #tpu.memory_space<hbm>> -> memref<1x16x768xf32, #tpu.memory_space<hbm>>
    %dma_start3A_854 = tpu.memref_squeeze %dma_start3A_853 : memref<1x16x768xf32, #tpu.memory_space<hbm>> -> memref<16x768xf32, #tpu.memory_space<hbm>>
    %dma_start3A_855 = arith.constant 0 : i32
    %dma_start3A_856 = tpu.memref_slice %arg5[%dma_start3A_848, %add3A_847, %dma_start3A_855] : memref<4x4096x768xf32, #tpu.memory_space<hbm>> -> memref<1x16x768xf32, #tpu.memory_space<hbm>>
    %dma_start3A_857 = tpu.memref_squeeze %dma_start3A_856 : memref<1x16x768xf32, #tpu.memory_space<hbm>> -> memref<16x768xf32, #tpu.memory_space<hbm>>
    %dma_start3A_858 = arith.constant 16 : i32
    %dma_start3A_859 = arith.constant 0 : i32
    %dma_start3A_860 = tpu.memref_slice %arg8[%dma_start3A_858, %dma_start3A_859] : memref<64x768xf32, #tpu.memory_space<vmem>> -> memref<16x768xf32, #tpu.memory_space<vmem>>
    tpu.enqueue_dma source(%dma_start3A_860 : memref<16x768xf32, #tpu.memory_space<vmem>>) target(%dma_start3A_857 : memref<16x768xf32, #tpu.memory_space<hbm>>) target_semaphore(%arg17 : memref<!tpu.dma_semaphore, #tpu.memory_space<semaphore_mem>>)
    %add3A_861 = arith.constant 48 : i32
    %add3A_862 = arith.addi %mul3A_2, %add3A_861 : i32
    %dma_start3A_863 = arith.constant 2 : i32
    %dma_start3A_864 = arith.constant 32 : i32
    %dma_start3A_865 = arith.constant 0 : i32
    %dma_start3A_866 = tpu.memref_slice %arg8[%dma_start3A_864, %dma_start3A_865] : memref<64x768xf32, #tpu.memory_space<vmem>> -> memref<16x768xf32, #tpu.memory_space<vmem>>
    %dma_start3A_867 = arith.constant 0 : i32
    %dma_start3A_868 = tpu.memref_slice %arg5[%dma_start3A_863, %add3A_862, %dma_start3A_867] : memref<4x4096x768xf32, #tpu.memory_space<hbm>> -> memref<1x16x768xf32, #tpu.memory_space<hbm>>
    %dma_start3A_869 = tpu.memref_squeeze %dma_start3A_868 : memref<1x16x768xf32, #tpu.memory_space<hbm>> -> memref<16x768xf32, #tpu.memory_space<hbm>>
    %dma_start3A_870 = arith.constant 0 : i32
    %dma_start3A_871 = tpu.memref_slice %arg5[%dma_start3A_863, %add3A_862, %dma_start3A_870] : memref<4x4096x768xf32, #tpu.memory_space<hbm>> -> memref<1x16x768xf32, #tpu.memory_space<hbm>>
    %dma_start3A_872 = tpu.memref_squeeze %dma_start3A_871 : memref<1x16x768xf32, #tpu.memory_space<hbm>> -> memref<16x768xf32, #tpu.memory_space<hbm>>
    %dma_start3A_873 = arith.constant 32 : i32
    %dma_start3A_874 = arith.constant 0 : i32
    %dma_start3A_875 = tpu.memref_slice %arg8[%dma_start3A_873, %dma_start3A_874] : memref<64x768xf32, #tpu.memory_space<vmem>> -> memref<16x768xf32, #tpu.memory_space<vmem>>
    tpu.enqueue_dma source(%dma_start3A_875 : memref<16x768xf32, #tpu.memory_space<vmem>>) target(%dma_start3A_872 : memref<16x768xf32, #tpu.memory_space<hbm>>) target_semaphore(%arg17 : memref<!tpu.dma_semaphore, #tpu.memory_space<semaphore_mem>>)
    %add3A_876 = arith.constant 48 : i32
    %add3A_877 = arith.addi %mul3A_2, %add3A_876 : i32
    %dma_start3A_878 = arith.constant 3 : i32
    %dma_start3A_879 = arith.constant 48 : i32
    %dma_start3A_880 = arith.constant 0 : i32
    %dma_start3A_881 = tpu.memref_slice %arg8[%dma_start3A_879, %dma_start3A_880] : memref<64x768xf32, #tpu.memory_space<vmem>> -> memref<16x768xf32, #tpu.memory_space<vmem>>
    %dma_start3A_882 = arith.constant 0 : i32
    %dma_start3A_883 = tpu.memref_slice %arg5[%dma_start3A_878, %add3A_877, %dma_start3A_882] : memref<4x4096x768xf32, #tpu.memory_space<hbm>> -> memref<1x16x768xf32, #tpu.memory_space<hbm>>
    %dma_start3A_884 = tpu.memref_squeeze %dma_start3A_883 : memref<1x16x768xf32, #tpu.memory_space<hbm>> -> memref<16x768xf32, #tpu.memory_space<hbm>>
    %dma_start3A_885 = arith.constant 0 : i32
    %dma_start3A_886 = tpu.memref_slice %arg5[%dma_start3A_878, %add3A_877, %dma_start3A_885] : memref<4x4096x768xf32, #tpu.memory_space<hbm>> -> memref<1x16x768xf32, #tpu.memory_space<hbm>>
    %dma_start3A_887 = tpu.memref_squeeze %dma_start3A_886 : memref<1x16x768xf32, #tpu.memory_space<hbm>> -> memref<16x768xf32, #tpu.memory_space<hbm>>
    %dma_start3A_888 = arith.constant 48 : i32
    %dma_start3A_889 = arith.constant 0 : i32
    %dma_start3A_890 = tpu.memref_slice %arg8[%dma_start3A_888, %dma_start3A_889] : memref<64x768xf32, #tpu.memory_space<vmem>> -> memref<16x768xf32, #tpu.memory_space<vmem>>
    tpu.enqueue_dma source(%dma_start3A_890 : memref<16x768xf32, #tpu.memory_space<vmem>>) target(%dma_start3A_887 : memref<16x768xf32, #tpu.memory_space<hbm>>) target_semaphore(%arg17 : memref<!tpu.dma_semaphore, #tpu.memory_space<semaphore_mem>>)
    %dma_wait3A_891 = arith.constant 0 : i32
    %dma_wait3A_892 = arith.constant 0 : i32
    %dma_wait3A_893 = arith.constant 0 : i32
    %dma_wait3A_894 = tpu.memref_slice %arg8[%dma_wait3A_892, %dma_wait3A_893] : memref<64x768xf32, #tpu.memory_space<vmem>> -> memref<16x768xf32, #tpu.memory_space<vmem>>
    %dma_wait3A_895 = arith.constant 0 : i32
    %dma_wait3A_896 = tpu.memref_slice %arg5[%dma_wait3A_891, %add3A_832, %dma_wait3A_895] : memref<4x4096x768xf32, #tpu.memory_space<hbm>> -> memref<1x16x768xf32, #tpu.memory_space<hbm>>
    %dma_wait3A_897 = tpu.memref_squeeze %dma_wait3A_896 : memref<1x16x768xf32, #tpu.memory_space<hbm>> -> memref<16x768xf32, #tpu.memory_space<hbm>>
    %dma_wait3A_898 = arith.constant 0 : i32
    %dma_wait3A_899 = tpu.memref_slice %arg5[%dma_wait3A_891, %add3A_832, %dma_wait3A_898] : memref<4x4096x768xf32, #tpu.memory_space<hbm>> -> memref<1x16x768xf32, #tpu.memory_space<hbm>>
    %dma_wait3A_900 = tpu.memref_squeeze %dma_wait3A_899 : memref<1x16x768xf32, #tpu.memory_space<hbm>> -> memref<16x768xf32, #tpu.memory_space<hbm>>
    %dma_wait3A_901 = arith.constant 0 : i32
    %dma_wait3A_902 = arith.constant 0 : i32
    %dma_wait3A_903 = tpu.memref_slice %arg8[%dma_wait3A_901, %dma_wait3A_902] : memref<64x768xf32, #tpu.memory_space<vmem>> -> memref<16x768xf32, #tpu.memory_space<vmem>>
    tpu.wait_dma2 semaphore(%arg17 : memref<!tpu.dma_semaphore, #tpu.memory_space<semaphore_mem>>) src(%dma_wait3A_903 : memref<16x768xf32, #tpu.memory_space<vmem>>) dst(%dma_wait3A_900 : memref<16x768xf32, #tpu.memory_space<hbm>>)
    %dma_wait3A_904 = arith.constant 1 : i32
    %dma_wait3A_905 = arith.constant 16 : i32
    %dma_wait3A_906 = arith.constant 0 : i32
    %dma_wait3A_907 = tpu.memref_slice %arg8[%dma_wait3A_905, %dma_wait3A_906] : memref<64x768xf32, #tpu.memory_space<vmem>> -> memref<16x768xf32, #tpu.memory_space<vmem>>
    %dma_wait3A_908 = arith.constant 0 : i32
    %dma_wait3A_909 = tpu.memref_slice %arg5[%dma_wait3A_904, %add3A_847, %dma_wait3A_908] : memref<4x4096x768xf32, #tpu.memory_space<hbm>> -> memref<1x16x768xf32, #tpu.memory_space<hbm>>
    %dma_wait3A_910 = tpu.memref_squeeze %dma_wait3A_909 : memref<1x16x768xf32, #tpu.memory_space<hbm>> -> memref<16x768xf32, #tpu.memory_space<hbm>>
    %dma_wait3A_911 = arith.constant 0 : i32
    %dma_wait3A_912 = tpu.memref_slice %arg5[%dma_wait3A_904, %add3A_847, %dma_wait3A_911] : memref<4x4096x768xf32, #tpu.memory_space<hbm>> -> memref<1x16x768xf32, #tpu.memory_space<hbm>>
    %dma_wait3A_913 = tpu.memref_squeeze %dma_wait3A_912 : memref<1x16x768xf32, #tpu.memory_space<hbm>> -> memref<16x768xf32, #tpu.memory_space<hbm>>
    %dma_wait3A_914 = arith.constant 16 : i32
    %dma_wait3A_915 = arith.constant 0 : i32
    %dma_wait3A_916 = tpu.memref_slice %arg8[%dma_wait3A_914, %dma_wait3A_915] : memref<64x768xf32, #tpu.memory_space<vmem>> -> memref<16x768xf32, #tpu.memory_space<vmem>>
    tpu.wait_dma2 semaphore(%arg17 : memref<!tpu.dma_semaphore, #tpu.memory_space<semaphore_mem>>) src(%dma_wait3A_916 : memref<16x768xf32, #tpu.memory_space<vmem>>) dst(%dma_wait3A_913 : memref<16x768xf32, #tpu.memory_space<hbm>>)
    %dma_wait3A_917 = arith.constant 2 : i32
    %dma_wait3A_918 = arith.constant 32 : i32
    %dma_wait3A_919 = arith.constant 0 : i32
    %dma_wait3A_920 = tpu.memref_slice %arg8[%dma_wait3A_918, %dma_wait3A_919] : memref<64x768xf32, #tpu.memory_space<vmem>> -> memref<16x768xf32, #tpu.memory_space<vmem>>
    %dma_wait3A_921 = arith.constant 0 : i32
    %dma_wait3A_922 = tpu.memref_slice %arg5[%dma_wait3A_917, %add3A_862, %dma_wait3A_921] : memref<4x4096x768xf32, #tpu.memory_space<hbm>> -> memref<1x16x768xf32, #tpu.memory_space<hbm>>
    %dma_wait3A_923 = tpu.memref_squeeze %dma_wait3A_922 : memref<1x16x768xf32, #tpu.memory_space<hbm>> -> memref<16x768xf32, #tpu.memory_space<hbm>>
    %dma_wait3A_924 = arith.constant 0 : i32
    %dma_wait3A_925 = tpu.memref_slice %arg5[%dma_wait3A_917, %add3A_862, %dma_wait3A_924] : memref<4x4096x768xf32, #tpu.memory_space<hbm>> -> memref<1x16x768xf32, #tpu.memory_space<hbm>>
    %dma_wait3A_926 = tpu.memref_squeeze %dma_wait3A_925 : memref<1x16x768xf32, #tpu.memory_space<hbm>> -> memref<16x768xf32, #tpu.memory_space<hbm>>
    %dma_wait3A_927 = arith.constant 32 : i32
    %dma_wait3A_928 = arith.constant 0 : i32
    %dma_wait3A_929 = tpu.memref_slice %arg8[%dma_wait3A_927, %dma_wait3A_928] : memref<64x768xf32, #tpu.memory_space<vmem>> -> memref<16x768xf32, #tpu.memory_space<vmem>>
    tpu.wait_dma2 semaphore(%arg17 : memref<!tpu.dma_semaphore, #tpu.memory_space<semaphore_mem>>) src(%dma_wait3A_929 : memref<16x768xf32, #tpu.memory_space<vmem>>) dst(%dma_wait3A_926 : memref<16x768xf32, #tpu.memory_space<hbm>>)
    %dma_wait3A_930 = arith.constant 3 : i32
    %dma_wait3A_931 = arith.constant 48 : i32
    %dma_wait3A_932 = arith.constant 0 : i32
    %dma_wait3A_933 = tpu.memref_slice %arg8[%dma_wait3A_931, %dma_wait3A_932] : memref<64x768xf32, #tpu.memory_space<vmem>> -> memref<16x768xf32, #tpu.memory_space<vmem>>
    %dma_wait3A_934 = arith.constant 0 : i32
    %dma_wait3A_935 = tpu.memref_slice %arg5[%dma_wait3A_930, %add3A_877, %dma_wait3A_934] : memref<4x4096x768xf32, #tpu.memory_space<hbm>> -> memref<1x16x768xf32, #tpu.memory_space<hbm>>
    %dma_wait3A_936 = tpu.memref_squeeze %dma_wait3A_935 : memref<1x16x768xf32, #tpu.memory_space<hbm>> -> memref<16x768xf32, #tpu.memory_space<hbm>>
    %dma_wait3A_937 = arith.constant 0 : i32
    %dma_wait3A_938 = tpu.memref_slice %arg5[%dma_wait3A_930, %add3A_877, %dma_wait3A_937] : memref<4x4096x768xf32, #tpu.memory_space<hbm>> -> memref<1x16x768xf32, #tpu.memory_space<hbm>>
    %dma_wait3A_939 = tpu.memref_squeeze %dma_wait3A_938 : memref<1x16x768xf32, #tpu.memory_space<hbm>> -> memref<16x768xf32, #tpu.memory_space<hbm>>
    %dma_wait3A_940 = arith.constant 48 : i32
    %dma_wait3A_941 = arith.constant 0 : i32
    %dma_wait3A_942 = tpu.memref_slice %arg8[%dma_wait3A_940, %dma_wait3A_941] : memref<64x768xf32, #tpu.memory_space<vmem>> -> memref<16x768xf32, #tpu.memory_space<vmem>>
    tpu.wait_dma2 semaphore(%arg17 : memref<!tpu.dma_semaphore, #tpu.memory_space<semaphore_mem>>) src(%dma_wait3A_942 : memref<16x768xf32, #tpu.memory_space<vmem>>) dst(%dma_wait3A_939 : memref<16x768xf32, #tpu.memory_space<hbm>>)
    %dma_start3A_943 = arith.constant 0 : i32
    %dma_start3A_944 = arith.constant 0 : i32
    %dma_start3A_945 = arith.constant 0 : i32
    %dma_start3A_946 = tpu.memref_slice %arg8[%dma_start3A_944, %dma_start3A_945] : memref<64x768xf32, #tpu.memory_space<vmem>> -> memref<16x768xf32, #tpu.memory_space<vmem>>
    %dma_start3A_947 = arith.constant 80 : i32
    %dma_start3A_948 = tpu.memref_slice %arg6[%dma_start3A_943, %dma_start3A_947] : memref<4x128xi32, #tpu.memory_space<vmem>> -> memref<1x16xi32, #tpu.memory_space<vmem>>
    %dma_start3A_949 = tpu.memref_squeeze %dma_start3A_948 : memref<1x16xi32, #tpu.memory_space<vmem>> -> memref<16xi32, #tpu.memory_space<vmem>>
    %dma_start3A_950 = arith.constant 0 : i32
    %dma_start3A_951 = arith.constant 0 : i32
    %dma_start3A_952 = tpu.memref_slice %arg3[%dma_start3A_950, %dma_start3A_951] : memref<100000x768xf32, #tpu.memory_space<hbm>> -> memref<100000x768xf32, #tpu.memory_space<hbm>>
    tpu.enqueue_indirect_dma source(%dma_start3A_952 : memref<100000x768xf32, #tpu.memory_space<hbm>>) target(%dma_start3A_946 : memref<16x768xf32, #tpu.memory_space<vmem>>) offsets(%dma_start3A_949 : memref<16xi32, #tpu.memory_space<vmem>>) semaphore(%arg13 : memref<!tpu.dma_semaphore, #tpu.memory_space<semaphore_mem>>)
    %dma_start3A_953 = arith.constant 1 : i32
    %dma_start3A_954 = arith.constant 16 : i32
    %dma_start3A_955 = arith.constant 0 : i32
    %dma_start3A_956 = tpu.memref_slice %arg8[%dma_start3A_954, %dma_start3A_955] : memref<64x768xf32, #tpu.memory_space<vmem>> -> memref<16x768xf32, #tpu.memory_space<vmem>>
    %dma_start3A_957 = arith.constant 80 : i32
    %dma_start3A_958 = tpu.memref_slice %arg6[%dma_start3A_953, %dma_start3A_957] : memref<4x128xi32, #tpu.memory_space<vmem>> -> memref<1x16xi32, #tpu.memory_space<vmem>>
    %dma_start3A_959 = tpu.memref_squeeze %dma_start3A_958 : memref<1x16xi32, #tpu.memory_space<vmem>> -> memref<16xi32, #tpu.memory_space<vmem>>
    %dma_start3A_960 = arith.constant 0 : i32
    %dma_start3A_961 = arith.constant 0 : i32
    %dma_start3A_962 = tpu.memref_slice %arg3[%dma_start3A_960, %dma_start3A_961] : memref<100000x768xf32, #tpu.memory_space<hbm>> -> memref<100000x768xf32, #tpu.memory_space<hbm>>
    tpu.enqueue_indirect_dma source(%dma_start3A_962 : memref<100000x768xf32, #tpu.memory_space<hbm>>) target(%dma_start3A_956 : memref<16x768xf32, #tpu.memory_space<vmem>>) offsets(%dma_start3A_959 : memref<16xi32, #tpu.memory_space<vmem>>) semaphore(%arg13 : memref<!tpu.dma_semaphore, #tpu.memory_space<semaphore_mem>>)
    %dma_start3A_963 = arith.constant 2 : i32
    %dma_start3A_964 = arith.constant 32 : i32
    %dma_start3A_965 = arith.constant 0 : i32
    %dma_start3A_966 = tpu.memref_slice %arg8[%dma_start3A_964, %dma_start3A_965] : memref<64x768xf32, #tpu.memory_space<vmem>> -> memref<16x768xf32, #tpu.memory_space<vmem>>
    %dma_start3A_967 = arith.constant 80 : i32
    %dma_start3A_968 = tpu.memref_slice %arg6[%dma_start3A_963, %dma_start3A_967] : memref<4x128xi32, #tpu.memory_space<vmem>> -> memref<1x16xi32, #tpu.memory_space<vmem>>
    %dma_start3A_969 = tpu.memref_squeeze %dma_start3A_968 : memref<1x16xi32, #tpu.memory_space<vmem>> -> memref<16xi32, #tpu.memory_space<vmem>>
    %dma_start3A_970 = arith.constant 0 : i32
    %dma_start3A_971 = arith.constant 0 : i32
    %dma_start3A_972 = tpu.memref_slice %arg3[%dma_start3A_970, %dma_start3A_971] : memref<100000x768xf32, #tpu.memory_space<hbm>> -> memref<100000x768xf32, #tpu.memory_space<hbm>>
    tpu.enqueue_indirect_dma source(%dma_start3A_972 : memref<100000x768xf32, #tpu.memory_space<hbm>>) target(%dma_start3A_966 : memref<16x768xf32, #tpu.memory_space<vmem>>) offsets(%dma_start3A_969 : memref<16xi32, #tpu.memory_space<vmem>>) semaphore(%arg13 : memref<!tpu.dma_semaphore, #tpu.memory_space<semaphore_mem>>)
    %dma_start3A_973 = arith.constant 3 : i32
    %dma_start3A_974 = arith.constant 48 : i32
    %dma_start3A_975 = arith.constant 0 : i32
    %dma_start3A_976 = tpu.memref_slice %arg8[%dma_start3A_974, %dma_start3A_975] : memref<64x768xf32, #tpu.memory_space<vmem>> -> memref<16x768xf32, #tpu.memory_space<vmem>>
    %dma_start3A_977 = arith.constant 80 : i32
    %dma_start3A_978 = tpu.memref_slice %arg6[%dma_start3A_973, %dma_start3A_977] : memref<4x128xi32, #tpu.memory_space<vmem>> -> memref<1x16xi32, #tpu.memory_space<vmem>>
    %dma_start3A_979 = tpu.memref_squeeze %dma_start3A_978 : memref<1x16xi32, #tpu.memory_space<vmem>> -> memref<16xi32, #tpu.memory_space<vmem>>
    %dma_start3A_980 = arith.constant 0 : i32
    %dma_start3A_981 = arith.constant 0 : i32
    %dma_start3A_982 = tpu.memref_slice %arg3[%dma_start3A_980, %dma_start3A_981] : memref<100000x768xf32, #tpu.memory_space<hbm>> -> memref<100000x768xf32, #tpu.memory_space<hbm>>
    tpu.enqueue_indirect_dma source(%dma_start3A_982 : memref<100000x768xf32, #tpu.memory_space<hbm>>) target(%dma_start3A_976 : memref<16x768xf32, #tpu.memory_space<vmem>>) offsets(%dma_start3A_979 : memref<16xi32, #tpu.memory_space<vmem>>) semaphore(%arg13 : memref<!tpu.dma_semaphore, #tpu.memory_space<semaphore_mem>>)
    %add3A_983 = arith.constant 80 : i32
    %add3A_984 = arith.addi %mul3A_2, %add3A_983 : i32
    %mul3A_985 = arith.constant 384 : i32
    %mul3A_986 = arith.muli %add3A_984, %mul3A_985 : i32
    %dma_start3A_987 = tpu.memref_slice %arg4[%mul3A_986] : memref<1572864xi32, #tpu.memory_space<hbm>> -> memref<6144xi32, #tpu.memory_space<hbm>>
    %dma_start3A_988 = tpu.memref_slice %arg4[%mul3A_986] : memref<1572864xi32, #tpu.memory_space<hbm>> -> memref<6144xi32, #tpu.memory_space<hbm>>
    tpu.enqueue_dma source(%dma_start3A_988 : memref<6144xi32, #tpu.memory_space<hbm>>) target(%arg10 : memref<6144xi32, #tpu.memory_space<vmem>>) target_semaphore(%arg15 : memref<!tpu.dma_semaphore, #tpu.memory_space<semaphore_mem>>)
    %dma_wait3A_989 = arith.constant 0 : i32
    %dma_wait3A_990 = arith.constant 0 : i32
    %dma_wait3A_991 = arith.constant 0 : i32
    %dma_wait3A_992 = tpu.memref_slice %arg7[%dma_wait3A_990, %dma_wait3A_991] : memref<64x768xf32, #tpu.memory_space<vmem>> -> memref<16x768xf32, #tpu.memory_space<vmem>>
    %dma_wait3A_993 = arith.constant 64 : i32
    %dma_wait3A_994 = tpu.memref_slice %arg6[%dma_wait3A_989, %dma_wait3A_993] : memref<4x128xi32, #tpu.memory_space<vmem>> -> memref<1x16xi32, #tpu.memory_space<vmem>>
    %dma_wait3A_995 = tpu.memref_squeeze %dma_wait3A_994 : memref<1x16xi32, #tpu.memory_space<vmem>> -> memref<16xi32, #tpu.memory_space<vmem>>
    %dma_wait3A_996 = arith.constant 0 : i32
    %dma_wait3A_997 = arith.constant 0 : i32
    %dma_wait3A_998 = tpu.memref_slice %arg3[%dma_wait3A_996, %dma_wait3A_997] : memref<100000x768xf32, #tpu.memory_space<hbm>> -> memref<100000x768xf32, #tpu.memory_space<hbm>>
    tpu.wait_indirect_dma semaphore(%arg12 : memref<!tpu.dma_semaphore, #tpu.memory_space<semaphore_mem>>) src(%dma_wait3A_998 : memref<100000x768xf32, #tpu.memory_space<hbm>>) dst(%dma_wait3A_992 : memref<16x768xf32, #tpu.memory_space<vmem>>)
    %dma_wait3A_999 = arith.constant 1 : i32
    %dma_wait3A_1000 = arith.constant 16 : i32
    %dma_wait3A_1001 = arith.constant 0 : i32
    %dma_wait3A_1002 = tpu.memref_slice %arg7[%dma_wait3A_1000, %dma_wait3A_1001] : memref<64x768xf32, #tpu.memory_space<vmem>> -> memref<16x768xf32, #tpu.memory_space<vmem>>
    %dma_wait3A_1003 = arith.constant 64 : i32
    %dma_wait3A_1004 = tpu.memref_slice %arg6[%dma_wait3A_999, %dma_wait3A_1003] : memref<4x128xi32, #tpu.memory_space<vmem>> -> memref<1x16xi32, #tpu.memory_space<vmem>>
    %dma_wait3A_1005 = tpu.memref_squeeze %dma_wait3A_1004 : memref<1x16xi32, #tpu.memory_space<vmem>> -> memref<16xi32, #tpu.memory_space<vmem>>
    %dma_wait3A_1006 = arith.constant 0 : i32
    %dma_wait3A_1007 = arith.constant 0 : i32
    %dma_wait3A_1008 = tpu.memref_slice %arg3[%dma_wait3A_1006, %dma_wait3A_1007] : memref<100000x768xf32, #tpu.memory_space<hbm>> -> memref<100000x768xf32, #tpu.memory_space<hbm>>
    tpu.wait_indirect_dma semaphore(%arg12 : memref<!tpu.dma_semaphore, #tpu.memory_space<semaphore_mem>>) src(%dma_wait3A_1008 : memref<100000x768xf32, #tpu.memory_space<hbm>>) dst(%dma_wait3A_1002 : memref<16x768xf32, #tpu.memory_space<vmem>>)
    %dma_wait3A_1009 = arith.constant 2 : i32
    %dma_wait3A_1010 = arith.constant 32 : i32
    %dma_wait3A_1011 = arith.constant 0 : i32
    %dma_wait3A_1012 = tpu.memref_slice %arg7[%dma_wait3A_1010, %dma_wait3A_1011] : memref<64x768xf32, #tpu.memory_space<vmem>> -> memref<16x768xf32, #tpu.memory_space<vmem>>
    %dma_wait3A_1013 = arith.constant 64 : i32
    %dma_wait3A_1014 = tpu.memref_slice %arg6[%dma_wait3A_1009, %dma_wait3A_1013] : memref<4x128xi32, #tpu.memory_space<vmem>> -> memref<1x16xi32, #tpu.memory_space<vmem>>
    %dma_wait3A_1015 = tpu.memref_squeeze %dma_wait3A_1014 : memref<1x16xi32, #tpu.memory_space<vmem>> -> memref<16xi32, #tpu.memory_space<vmem>>
    %dma_wait3A_1016 = arith.constant 0 : i32
    %dma_wait3A_1017 = arith.constant 0 : i32
    %dma_wait3A_1018 = tpu.memref_slice %arg3[%dma_wait3A_1016, %dma_wait3A_1017] : memref<100000x768xf32, #tpu.memory_space<hbm>> -> memref<100000x768xf32, #tpu.memory_space<hbm>>
    tpu.wait_indirect_dma semaphore(%arg12 : memref<!tpu.dma_semaphore, #tpu.memory_space<semaphore_mem>>) src(%dma_wait3A_1018 : memref<100000x768xf32, #tpu.memory_space<hbm>>) dst(%dma_wait3A_1012 : memref<16x768xf32, #tpu.memory_space<vmem>>)
    %dma_wait3A_1019 = arith.constant 3 : i32
    %dma_wait3A_1020 = arith.constant 48 : i32
    %dma_wait3A_1021 = arith.constant 0 : i32
    %dma_wait3A_1022 = tpu.memref_slice %arg7[%dma_wait3A_1020, %dma_wait3A_1021] : memref<64x768xf32, #tpu.memory_space<vmem>> -> memref<16x768xf32, #tpu.memory_space<vmem>>
    %dma_wait3A_1023 = arith.constant 64 : i32
    %dma_wait3A_1024 = tpu.memref_slice %arg6[%dma_wait3A_1019, %dma_wait3A_1023] : memref<4x128xi32, #tpu.memory_space<vmem>> -> memref<1x16xi32, #tpu.memory_space<vmem>>
    %dma_wait3A_1025 = tpu.memref_squeeze %dma_wait3A_1024 : memref<1x16xi32, #tpu.memory_space<vmem>> -> memref<16xi32, #tpu.memory_space<vmem>>
    %dma_wait3A_1026 = arith.constant 0 : i32
    %dma_wait3A_1027 = arith.constant 0 : i32
    %dma_wait3A_1028 = tpu.memref_slice %arg3[%dma_wait3A_1026, %dma_wait3A_1027] : memref<100000x768xf32, #tpu.memory_space<hbm>> -> memref<100000x768xf32, #tpu.memory_space<hbm>>
    tpu.wait_indirect_dma semaphore(%arg12 : memref<!tpu.dma_semaphore, #tpu.memory_space<semaphore_mem>>) src(%dma_wait3A_1028 : memref<100000x768xf32, #tpu.memory_space<hbm>>) dst(%dma_wait3A_1022 : memref<16x768xf32, #tpu.memory_space<vmem>>)
    %dma_wait3A_1029 = tpu.memref_slice %arg4[%mul3A_786] : memref<1572864xi32, #tpu.memory_space<hbm>> -> memref<6144xi32, #tpu.memory_space<hbm>>
    %dma_wait3A_1030 = tpu.memref_slice %arg4[%mul3A_786] : memref<1572864xi32, #tpu.memory_space<hbm>> -> memref<6144xi32, #tpu.memory_space<hbm>>
    tpu.wait_dma2 semaphore(%arg14 : memref<!tpu.dma_semaphore, #tpu.memory_space<semaphore_mem>>) src(%dma_wait3A_1030 : memref<6144xi32, #tpu.memory_space<hbm>>) dst(%arg9 : memref<6144xi32, #tpu.memory_space<vmem>>)
    %add3A_1031 = arith.constant 64 : i32
    %add3A_1032 = arith.addi %mul3A_2, %add3A_1031 : i32
    %dma_start3A_1033 = arith.constant 0 : i32
    %dma_start3A_1034 = arith.constant 0 : i32
    %dma_start3A_1035 = arith.constant 0 : i32
    %dma_start3A_1036 = tpu.memref_slice %arg7[%dma_start3A_1034, %dma_start3A_1035] : memref<64x768xf32, #tpu.memory_space<vmem>> -> memref<16x768xf32, #tpu.memory_space<vmem>>
    %dma_start3A_1037 = arith.constant 0 : i32
    %dma_start3A_1038 = tpu.memref_slice %arg5[%dma_start3A_1033, %add3A_1032, %dma_start3A_1037] : memref<4x4096x768xf32, #tpu.memory_space<hbm>> -> memref<1x16x768xf32, #tpu.memory_space<hbm>>
    %dma_start3A_1039 = tpu.memref_squeeze %dma_start3A_1038 : memref<1x16x768xf32, #tpu.memory_space<hbm>> -> memref<16x768xf32, #tpu.memory_space<hbm>>
    %dma_start3A_1040 = arith.constant 0 : i32
    %dma_start3A_1041 = tpu.memref_slice %arg5[%dma_start3A_1033, %add3A_1032, %dma_start3A_1040] : memref<4x4096x768xf32, #tpu.memory_space<hbm>> -> memref<1x16x768xf32, #tpu.memory_space<hbm>>
    %dma_start3A_1042 = tpu.memref_squeeze %dma_start3A_1041 : memref<1x16x768xf32, #tpu.memory_space<hbm>> -> memref<16x768xf32, #tpu.memory_space<hbm>>
    %dma_start3A_1043 = arith.constant 0 : i32
    %dma_start3A_1044 = arith.constant 0 : i32
    %dma_start3A_1045 = tpu.memref_slice %arg7[%dma_start3A_1043, %dma_start3A_1044] : memref<64x768xf32, #tpu.memory_space<vmem>> -> memref<16x768xf32, #tpu.memory_space<vmem>>
    tpu.enqueue_dma source(%dma_start3A_1045 : memref<16x768xf32, #tpu.memory_space<vmem>>) target(%dma_start3A_1042 : memref<16x768xf32, #tpu.memory_space<hbm>>) target_semaphore(%arg16 : memref<!tpu.dma_semaphore, #tpu.memory_space<semaphore_mem>>)
    %add3A_1046 = arith.constant 64 : i32
    %add3A_1047 = arith.addi %mul3A_2, %add3A_1046 : i32
    %dma_start3A_1048 = arith.constant 1 : i32
    %dma_start3A_1049 = arith.constant 16 : i32
    %dma_start3A_1050 = arith.constant 0 : i32
    %dma_start3A_1051 = tpu.memref_slice %arg7[%dma_start3A_1049, %dma_start3A_1050] : memref<64x768xf32, #tpu.memory_space<vmem>> -> memref<16x768xf32, #tpu.memory_space<vmem>>
    %dma_start3A_1052 = arith.constant 0 : i32
    %dma_start3A_1053 = tpu.memref_slice %arg5[%dma_start3A_1048, %add3A_1047, %dma_start3A_1052] : memref<4x4096x768xf32, #tpu.memory_space<hbm>> -> memref<1x16x768xf32, #tpu.memory_space<hbm>>
    %dma_start3A_1054 = tpu.memref_squeeze %dma_start3A_1053 : memref<1x16x768xf32, #tpu.memory_space<hbm>> -> memref<16x768xf32, #tpu.memory_space<hbm>>
    %dma_start3A_1055 = arith.constant 0 : i32
    %dma_start3A_1056 = tpu.memref_slice %arg5[%dma_start3A_1048, %add3A_1047, %dma_start3A_1055] : memref<4x4096x768xf32, #tpu.memory_space<hbm>> -> memref<1x16x768xf32, #tpu.memory_space<hbm>>
    %dma_start3A_1057 = tpu.memref_squeeze %dma_start3A_1056 : memref<1x16x768xf32, #tpu.memory_space<hbm>> -> memref<16x768xf32, #tpu.memory_space<hbm>>
    %dma_start3A_1058 = arith.constant 16 : i32
    %dma_start3A_1059 = arith.constant 0 : i32
    %dma_start3A_1060 = tpu.memref_slice %arg7[%dma_start3A_1058, %dma_start3A_1059] : memref<64x768xf32, #tpu.memory_space<vmem>> -> memref<16x768xf32, #tpu.memory_space<vmem>>
    tpu.enqueue_dma source(%dma_start3A_1060 : memref<16x768xf32, #tpu.memory_space<vmem>>) target(%dma_start3A_1057 : memref<16x768xf32, #tpu.memory_space<hbm>>) target_semaphore(%arg16 : memref<!tpu.dma_semaphore, #tpu.memory_space<semaphore_mem>>)
    %add3A_1061 = arith.constant 64 : i32
    %add3A_1062 = arith.addi %mul3A_2, %add3A_1061 : i32
    %dma_start3A_1063 = arith.constant 2 : i32
    %dma_start3A_1064 = arith.constant 32 : i32
    %dma_start3A_1065 = arith.constant 0 : i32
    %dma_start3A_1066 = tpu.memref_slice %arg7[%dma_start3A_1064, %dma_start3A_1065] : memref<64x768xf32, #tpu.memory_space<vmem>> -> memref<16x768xf32, #tpu.memory_space<vmem>>
    %dma_start3A_1067 = arith.constant 0 : i32
    %dma_start3A_1068 = tpu.memref_slice %arg5[%dma_start3A_1063, %add3A_1062, %dma_start3A_1067] : memref<4x4096x768xf32, #tpu.memory_space<hbm>> -> memref<1x16x768xf32, #tpu.memory_space<hbm>>
    %dma_start3A_1069 = tpu.memref_squeeze %dma_start3A_1068 : memref<1x16x768xf32, #tpu.memory_space<hbm>> -> memref<16x768xf32, #tpu.memory_space<hbm>>
    %dma_start3A_1070 = arith.constant 0 : i32
    %dma_start3A_1071 = tpu.memref_slice %arg5[%dma_start3A_1063, %add3A_1062, %dma_start3A_1070] : memref<4x4096x768xf32, #tpu.memory_space<hbm>> -> memref<1x16x768xf32, #tpu.memory_space<hbm>>
    %dma_start3A_1072 = tpu.memref_squeeze %dma_start3A_1071 : memref<1x16x768xf32, #tpu.memory_space<hbm>> -> memref<16x768xf32, #tpu.memory_space<hbm>>
    %dma_start3A_1073 = arith.constant 32 : i32
    %dma_start3A_1074 = arith.constant 0 : i32
    %dma_start3A_1075 = tpu.memref_slice %arg7[%dma_start3A_1073, %dma_start3A_1074] : memref<64x768xf32, #tpu.memory_space<vmem>> -> memref<16x768xf32, #tpu.memory_space<vmem>>
    tpu.enqueue_dma source(%dma_start3A_1075 : memref<16x768xf32, #tpu.memory_space<vmem>>) target(%dma_start3A_1072 : memref<16x768xf32, #tpu.memory_space<hbm>>) target_semaphore(%arg16 : memref<!tpu.dma_semaphore, #tpu.memory_space<semaphore_mem>>)
    %add3A_1076 = arith.constant 64 : i32
    %add3A_1077 = arith.addi %mul3A_2, %add3A_1076 : i32
    %dma_start3A_1078 = arith.constant 3 : i32
    %dma_start3A_1079 = arith.constant 48 : i32
    %dma_start3A_1080 = arith.constant 0 : i32
    %dma_start3A_1081 = tpu.memref_slice %arg7[%dma_start3A_1079, %dma_start3A_1080] : memref<64x768xf32, #tpu.memory_space<vmem>> -> memref<16x768xf32, #tpu.memory_space<vmem>>
    %dma_start3A_1082 = arith.constant 0 : i32
    %dma_start3A_1083 = tpu.memref_slice %arg5[%dma_start3A_1078, %add3A_1077, %dma_start3A_1082] : memref<4x4096x768xf32, #tpu.memory_space<hbm>> -> memref<1x16x768xf32, #tpu.memory_space<hbm>>
    %dma_start3A_1084 = tpu.memref_squeeze %dma_start3A_1083 : memref<1x16x768xf32, #tpu.memory_space<hbm>> -> memref<16x768xf32, #tpu.memory_space<hbm>>
    %dma_start3A_1085 = arith.constant 0 : i32
    %dma_start3A_1086 = tpu.memref_slice %arg5[%dma_start3A_1078, %add3A_1077, %dma_start3A_1085] : memref<4x4096x768xf32, #tpu.memory_space<hbm>> -> memref<1x16x768xf32, #tpu.memory_space<hbm>>
    %dma_start3A_1087 = tpu.memref_squeeze %dma_start3A_1086 : memref<1x16x768xf32, #tpu.memory_space<hbm>> -> memref<16x768xf32, #tpu.memory_space<hbm>>
    %dma_start3A_1088 = arith.constant 48 : i32
    %dma_start3A_1089 = arith.constant 0 : i32
    %dma_start3A_1090 = tpu.memref_slice %arg7[%dma_start3A_1088, %dma_start3A_1089] : memref<64x768xf32, #tpu.memory_space<vmem>> -> memref<16x768xf32, #tpu.memory_space<vmem>>
    tpu.enqueue_dma source(%dma_start3A_1090 : memref<16x768xf32, #tpu.memory_space<vmem>>) target(%dma_start3A_1087 : memref<16x768xf32, #tpu.memory_space<hbm>>) target_semaphore(%arg16 : memref<!tpu.dma_semaphore, #tpu.memory_space<semaphore_mem>>)
    %dma_wait3A_1091 = arith.constant 0 : i32
    %dma_wait3A_1092 = arith.constant 0 : i32
    %dma_wait3A_1093 = arith.constant 0 : i32
    %dma_wait3A_1094 = tpu.memref_slice %arg7[%dma_wait3A_1092, %dma_wait3A_1093] : memref<64x768xf32, #tpu.memory_space<vmem>> -> memref<16x768xf32, #tpu.memory_space<vmem>>
    %dma_wait3A_1095 = arith.constant 0 : i32
    %dma_wait3A_1096 = tpu.memref_slice %arg5[%dma_wait3A_1091, %add3A_1032, %dma_wait3A_1095] : memref<4x4096x768xf32, #tpu.memory_space<hbm>> -> memref<1x16x768xf32, #tpu.memory_space<hbm>>
    %dma_wait3A_1097 = tpu.memref_squeeze %dma_wait3A_1096 : memref<1x16x768xf32, #tpu.memory_space<hbm>> -> memref<16x768xf32, #tpu.memory_space<hbm>>
    %dma_wait3A_1098 = arith.constant 0 : i32
    %dma_wait3A_1099 = tpu.memref_slice %arg5[%dma_wait3A_1091, %add3A_1032, %dma_wait3A_1098] : memref<4x4096x768xf32, #tpu.memory_space<hbm>> -> memref<1x16x768xf32, #tpu.memory_space<hbm>>
    %dma_wait3A_1100 = tpu.memref_squeeze %dma_wait3A_1099 : memref<1x16x768xf32, #tpu.memory_space<hbm>> -> memref<16x768xf32, #tpu.memory_space<hbm>>
    %dma_wait3A_1101 = arith.constant 0 : i32
    %dma_wait3A_1102 = arith.constant 0 : i32
    %dma_wait3A_1103 = tpu.memref_slice %arg7[%dma_wait3A_1101, %dma_wait3A_1102] : memref<64x768xf32, #tpu.memory_space<vmem>> -> memref<16x768xf32, #tpu.memory_space<vmem>>
    tpu.wait_dma2 semaphore(%arg16 : memref<!tpu.dma_semaphore, #tpu.memory_space<semaphore_mem>>) src(%dma_wait3A_1103 : memref<16x768xf32, #tpu.memory_space<vmem>>) dst(%dma_wait3A_1100 : memref<16x768xf32, #tpu.memory_space<hbm>>)
    %dma_wait3A_1104 = arith.constant 1 : i32
    %dma_wait3A_1105 = arith.constant 16 : i32
    %dma_wait3A_1106 = arith.constant 0 : i32
    %dma_wait3A_1107 = tpu.memref_slice %arg7[%dma_wait3A_1105, %dma_wait3A_1106] : memref<64x768xf32, #tpu.memory_space<vmem>> -> memref<16x768xf32, #tpu.memory_space<vmem>>
    %dma_wait3A_1108 = arith.constant 0 : i32
    %dma_wait3A_1109 = tpu.memref_slice %arg5[%dma_wait3A_1104, %add3A_1047, %dma_wait3A_1108] : memref<4x4096x768xf32, #tpu.memory_space<hbm>> -> memref<1x16x768xf32, #tpu.memory_space<hbm>>
    %dma_wait3A_1110 = tpu.memref_squeeze %dma_wait3A_1109 : memref<1x16x768xf32, #tpu.memory_space<hbm>> -> memref<16x768xf32, #tpu.memory_space<hbm>>
    %dma_wait3A_1111 = arith.constant 0 : i32
    %dma_wait3A_1112 = tpu.memref_slice %arg5[%dma_wait3A_1104, %add3A_1047, %dma_wait3A_1111] : memref<4x4096x768xf32, #tpu.memory_space<hbm>> -> memref<1x16x768xf32, #tpu.memory_space<hbm>>
    %dma_wait3A_1113 = tpu.memref_squeeze %dma_wait3A_1112 : memref<1x16x768xf32, #tpu.memory_space<hbm>> -> memref<16x768xf32, #tpu.memory_space<hbm>>
    %dma_wait3A_1114 = arith.constant 16 : i32
    %dma_wait3A_1115 = arith.constant 0 : i32
    %dma_wait3A_1116 = tpu.memref_slice %arg7[%dma_wait3A_1114, %dma_wait3A_1115] : memref<64x768xf32, #tpu.memory_space<vmem>> -> memref<16x768xf32, #tpu.memory_space<vmem>>
    tpu.wait_dma2 semaphore(%arg16 : memref<!tpu.dma_semaphore, #tpu.memory_space<semaphore_mem>>) src(%dma_wait3A_1116 : memref<16x768xf32, #tpu.memory_space<vmem>>) dst(%dma_wait3A_1113 : memref<16x768xf32, #tpu.memory_space<hbm>>)
    %dma_wait3A_1117 = arith.constant 2 : i32
    %dma_wait3A_1118 = arith.constant 32 : i32
    %dma_wait3A_1119 = arith.constant 0 : i32
    %dma_wait3A_1120 = tpu.memref_slice %arg7[%dma_wait3A_1118, %dma_wait3A_1119] : memref<64x768xf32, #tpu.memory_space<vmem>> -> memref<16x768xf32, #tpu.memory_space<vmem>>
    %dma_wait3A_1121 = arith.constant 0 : i32
    %dma_wait3A_1122 = tpu.memref_slice %arg5[%dma_wait3A_1117, %add3A_1062, %dma_wait3A_1121] : memref<4x4096x768xf32, #tpu.memory_space<hbm>> -> memref<1x16x768xf32, #tpu.memory_space<hbm>>
    %dma_wait3A_1123 = tpu.memref_squeeze %dma_wait3A_1122 : memref<1x16x768xf32, #tpu.memory_space<hbm>> -> memref<16x768xf32, #tpu.memory_space<hbm>>
    %dma_wait3A_1124 = arith.constant 0 : i32
    %dma_wait3A_1125 = tpu.memref_slice %arg5[%dma_wait3A_1117, %add3A_1062, %dma_wait3A_1124] : memref<4x4096x768xf32, #tpu.memory_space<hbm>> -> memref<1x16x768xf32, #tpu.memory_space<hbm>>
    %dma_wait3A_1126 = tpu.memref_squeeze %dma_wait3A_1125 : memref<1x16x768xf32, #tpu.memory_space<hbm>> -> memref<16x768xf32, #tpu.memory_space<hbm>>
    %dma_wait3A_1127 = arith.constant 32 : i32
    %dma_wait3A_1128 = arith.constant 0 : i32
    %dma_wait3A_1129 = tpu.memref_slice %arg7[%dma_wait3A_1127, %dma_wait3A_1128] : memref<64x768xf32, #tpu.memory_space<vmem>> -> memref<16x768xf32, #tpu.memory_space<vmem>>
    tpu.wait_dma2 semaphore(%arg16 : memref<!tpu.dma_semaphore, #tpu.memory_space<semaphore_mem>>) src(%dma_wait3A_1129 : memref<16x768xf32, #tpu.memory_space<vmem>>) dst(%dma_wait3A_1126 : memref<16x768xf32, #tpu.memory_space<hbm>>)
    %dma_wait3A_1130 = arith.constant 3 : i32
    %dma_wait3A_1131 = arith.constant 48 : i32
    %dma_wait3A_1132 = arith.constant 0 : i32
    %dma_wait3A_1133 = tpu.memref_slice %arg7[%dma_wait3A_1131, %dma_wait3A_1132] : memref<64x768xf32, #tpu.memory_space<vmem>> -> memref<16x768xf32, #tpu.memory_space<vmem>>
    %dma_wait3A_1134 = arith.constant 0 : i32
    %dma_wait3A_1135 = tpu.memref_slice %arg5[%dma_wait3A_1130, %add3A_1077, %dma_wait3A_1134] : memref<4x4096x768xf32, #tpu.memory_space<hbm>> -> memref<1x16x768xf32, #tpu.memory_space<hbm>>
    %dma_wait3A_1136 = tpu.memref_squeeze %dma_wait3A_1135 : memref<1x16x768xf32, #tpu.memory_space<hbm>> -> memref<16x768xf32, #tpu.memory_space<hbm>>
    %dma_wait3A_1137 = arith.constant 0 : i32
    %dma_wait3A_1138 = tpu.memref_slice %arg5[%dma_wait3A_1130, %add3A_1077, %dma_wait3A_1137] : memref<4x4096x768xf32, #tpu.memory_space<hbm>> -> memref<1x16x768xf32, #tpu.memory_space<hbm>>
    %dma_wait3A_1139 = tpu.memref_squeeze %dma_wait3A_1138 : memref<1x16x768xf32, #tpu.memory_space<hbm>> -> memref<16x768xf32, #tpu.memory_space<hbm>>
    %dma_wait3A_1140 = arith.constant 48 : i32
    %dma_wait3A_1141 = arith.constant 0 : i32
    %dma_wait3A_1142 = tpu.memref_slice %arg7[%dma_wait3A_1140, %dma_wait3A_1141] : memref<64x768xf32, #tpu.memory_space<vmem>> -> memref<16x768xf32, #tpu.memory_space<vmem>>
    tpu.wait_dma2 semaphore(%arg16 : memref<!tpu.dma_semaphore, #tpu.memory_space<semaphore_mem>>) src(%dma_wait3A_1142 : memref<16x768xf32, #tpu.memory_space<vmem>>) dst(%dma_wait3A_1139 : memref<16x768xf32, #tpu.memory_space<hbm>>)
    %dma_start3A_1143 = arith.constant 0 : i32
    %dma_start3A_1144 = arith.constant 0 : i32
    %dma_start3A_1145 = arith.constant 0 : i32
    %dma_start3A_1146 = tpu.memref_slice %arg7[%dma_start3A_1144, %dma_start3A_1145] : memref<64x768xf32, #tpu.memory_space<vmem>> -> memref<16x768xf32, #tpu.memory_space<vmem>>
    %dma_start3A_1147 = arith.constant 96 : i32
    %dma_start3A_1148 = tpu.memref_slice %arg6[%dma_start3A_1143, %dma_start3A_1147] : memref<4x128xi32, #tpu.memory_space<vmem>> -> memref<1x16xi32, #tpu.memory_space<vmem>>
    %dma_start3A_1149 = tpu.memref_squeeze %dma_start3A_1148 : memref<1x16xi32, #tpu.memory_space<vmem>> -> memref<16xi32, #tpu.memory_space<vmem>>
    %dma_start3A_1150 = arith.constant 0 : i32
    %dma_start3A_1151 = arith.constant 0 : i32
    %dma_start3A_1152 = tpu.memref_slice %arg3[%dma_start3A_1150, %dma_start3A_1151] : memref<100000x768xf32, #tpu.memory_space<hbm>> -> memref<100000x768xf32, #tpu.memory_space<hbm>>
    tpu.enqueue_indirect_dma source(%dma_start3A_1152 : memref<100000x768xf32, #tpu.memory_space<hbm>>) target(%dma_start3A_1146 : memref<16x768xf32, #tpu.memory_space<vmem>>) offsets(%dma_start3A_1149 : memref<16xi32, #tpu.memory_space<vmem>>) semaphore(%arg12 : memref<!tpu.dma_semaphore, #tpu.memory_space<semaphore_mem>>)
    %dma_start3A_1153 = arith.constant 1 : i32
    %dma_start3A_1154 = arith.constant 16 : i32
    %dma_start3A_1155 = arith.constant 0 : i32
    %dma_start3A_1156 = tpu.memref_slice %arg7[%dma_start3A_1154, %dma_start3A_1155] : memref<64x768xf32, #tpu.memory_space<vmem>> -> memref<16x768xf32, #tpu.memory_space<vmem>>
    %dma_start3A_1157 = arith.constant 96 : i32
    %dma_start3A_1158 = tpu.memref_slice %arg6[%dma_start3A_1153, %dma_start3A_1157] : memref<4x128xi32, #tpu.memory_space<vmem>> -> memref<1x16xi32, #tpu.memory_space<vmem>>
    %dma_start3A_1159 = tpu.memref_squeeze %dma_start3A_1158 : memref<1x16xi32, #tpu.memory_space<vmem>> -> memref<16xi32, #tpu.memory_space<vmem>>
    %dma_start3A_1160 = arith.constant 0 : i32
    %dma_start3A_1161 = arith.constant 0 : i32
    %dma_start3A_1162 = tpu.memref_slice %arg3[%dma_start3A_1160, %dma_start3A_1161] : memref<100000x768xf32, #tpu.memory_space<hbm>> -> memref<100000x768xf32, #tpu.memory_space<hbm>>
    tpu.enqueue_indirect_dma source(%dma_start3A_1162 : memref<100000x768xf32, #tpu.memory_space<hbm>>) target(%dma_start3A_1156 : memref<16x768xf32, #tpu.memory_space<vmem>>) offsets(%dma_start3A_1159 : memref<16xi32, #tpu.memory_space<vmem>>) semaphore(%arg12 : memref<!tpu.dma_semaphore, #tpu.memory_space<semaphore_mem>>)
    %dma_start3A_1163 = arith.constant 2 : i32
    %dma_start3A_1164 = arith.constant 32 : i32
    %dma_start3A_1165 = arith.constant 0 : i32
    %dma_start3A_1166 = tpu.memref_slice %arg7[%dma_start3A_1164, %dma_start3A_1165] : memref<64x768xf32, #tpu.memory_space<vmem>> -> memref<16x768xf32, #tpu.memory_space<vmem>>
    %dma_start3A_1167 = arith.constant 96 : i32
    %dma_start3A_1168 = tpu.memref_slice %arg6[%dma_start3A_1163, %dma_start3A_1167] : memref<4x128xi32, #tpu.memory_space<vmem>> -> memref<1x16xi32, #tpu.memory_space<vmem>>
    %dma_start3A_1169 = tpu.memref_squeeze %dma_start3A_1168 : memref<1x16xi32, #tpu.memory_space<vmem>> -> memref<16xi32, #tpu.memory_space<vmem>>
    %dma_start3A_1170 = arith.constant 0 : i32
    %dma_start3A_1171 = arith.constant 0 : i32
    %dma_start3A_1172 = tpu.memref_slice %arg3[%dma_start3A_1170, %dma_start3A_1171] : memref<100000x768xf32, #tpu.memory_space<hbm>> -> memref<100000x768xf32, #tpu.memory_space<hbm>>
    tpu.enqueue_indirect_dma source(%dma_start3A_1172 : memref<100000x768xf32, #tpu.memory_space<hbm>>) target(%dma_start3A_1166 : memref<16x768xf32, #tpu.memory_space<vmem>>) offsets(%dma_start3A_1169 : memref<16xi32, #tpu.memory_space<vmem>>) semaphore(%arg12 : memref<!tpu.dma_semaphore, #tpu.memory_space<semaphore_mem>>)
    %dma_start3A_1173 = arith.constant 3 : i32
    %dma_start3A_1174 = arith.constant 48 : i32
    %dma_start3A_1175 = arith.constant 0 : i32
    %dma_start3A_1176 = tpu.memref_slice %arg7[%dma_start3A_1174, %dma_start3A_1175] : memref<64x768xf32, #tpu.memory_space<vmem>> -> memref<16x768xf32, #tpu.memory_space<vmem>>
    %dma_start3A_1177 = arith.constant 96 : i32
    %dma_start3A_1178 = tpu.memref_slice %arg6[%dma_start3A_1173, %dma_start3A_1177] : memref<4x128xi32, #tpu.memory_space<vmem>> -> memref<1x16xi32, #tpu.memory_space<vmem>>
    %dma_start3A_1179 = tpu.memref_squeeze %dma_start3A_1178 : memref<1x16xi32, #tpu.memory_space<vmem>> -> memref<16xi32, #tpu.memory_space<vmem>>
    %dma_start3A_1180 = arith.constant 0 : i32
    %dma_start3A_1181 = arith.constant 0 : i32
    %dma_start3A_1182 = tpu.memref_slice %arg3[%dma_start3A_1180, %dma_start3A_1181] : memref<100000x768xf32, #tpu.memory_space<hbm>> -> memref<100000x768xf32, #tpu.memory_space<hbm>>
    tpu.enqueue_indirect_dma source(%dma_start3A_1182 : memref<100000x768xf32, #tpu.memory_space<hbm>>) target(%dma_start3A_1176 : memref<16x768xf32, #tpu.memory_space<vmem>>) offsets(%dma_start3A_1179 : memref<16xi32, #tpu.memory_space<vmem>>) semaphore(%arg12 : memref<!tpu.dma_semaphore, #tpu.memory_space<semaphore_mem>>)
    %add3A_1183 = arith.constant 96 : i32
    %add3A_1184 = arith.addi %mul3A_2, %add3A_1183 : i32
    %mul3A_1185 = arith.constant 384 : i32
    %mul3A_1186 = arith.muli %add3A_1184, %mul3A_1185 : i32
    %dma_start3A_1187 = tpu.memref_slice %arg4[%mul3A_1186] : memref<1572864xi32, #tpu.memory_space<hbm>> -> memref<6144xi32, #tpu.memory_space<hbm>>
    %dma_start3A_1188 = tpu.memref_slice %arg4[%mul3A_1186] : memref<1572864xi32, #tpu.memory_space<hbm>> -> memref<6144xi32, #tpu.memory_space<hbm>>
    tpu.enqueue_dma source(%dma_start3A_1188 : memref<6144xi32, #tpu.memory_space<hbm>>) target(%arg9 : memref<6144xi32, #tpu.memory_space<vmem>>) target_semaphore(%arg14 : memref<!tpu.dma_semaphore, #tpu.memory_space<semaphore_mem>>)
    %dma_wait3A_1189 = arith.constant 0 : i32
    %dma_wait3A_1190 = arith.constant 0 : i32
    %dma_wait3A_1191 = arith.constant 0 : i32
    %dma_wait3A_1192 = tpu.memref_slice %arg8[%dma_wait3A_1190, %dma_wait3A_1191] : memref<64x768xf32, #tpu.memory_space<vmem>> -> memref<16x768xf32, #tpu.memory_space<vmem>>
    %dma_wait3A_1193 = arith.constant 80 : i32
    %dma_wait3A_1194 = tpu.memref_slice %arg6[%dma_wait3A_1189, %dma_wait3A_1193] : memref<4x128xi32, #tpu.memory_space<vmem>> -> memref<1x16xi32, #tpu.memory_space<vmem>>
    %dma_wait3A_1195 = tpu.memref_squeeze %dma_wait3A_1194 : memref<1x16xi32, #tpu.memory_space<vmem>> -> memref<16xi32, #tpu.memory_space<vmem>>
    %dma_wait3A_1196 = arith.constant 0 : i32
    %dma_wait3A_1197 = arith.constant 0 : i32
    %dma_wait3A_1198 = tpu.memref_slice %arg3[%dma_wait3A_1196, %dma_wait3A_1197] : memref<100000x768xf32, #tpu.memory_space<hbm>> -> memref<100000x768xf32, #tpu.memory_space<hbm>>
    tpu.wait_indirect_dma semaphore(%arg13 : memref<!tpu.dma_semaphore, #tpu.memory_space<semaphore_mem>>) src(%dma_wait3A_1198 : memref<100000x768xf32, #tpu.memory_space<hbm>>) dst(%dma_wait3A_1192 : memref<16x768xf32, #tpu.memory_space<vmem>>)
    %dma_wait3A_1199 = arith.constant 1 : i32
    %dma_wait3A_1200 = arith.constant 16 : i32
    %dma_wait3A_1201 = arith.constant 0 : i32
    %dma_wait3A_1202 = tpu.memref_slice %arg8[%dma_wait3A_1200, %dma_wait3A_1201] : memref<64x768xf32, #tpu.memory_space<vmem>> -> memref<16x768xf32, #tpu.memory_space<vmem>>
    %dma_wait3A_1203 = arith.constant 80 : i32
    %dma_wait3A_1204 = tpu.memref_slice %arg6[%dma_wait3A_1199, %dma_wait3A_1203] : memref<4x128xi32, #tpu.memory_space<vmem>> -> memref<1x16xi32, #tpu.memory_space<vmem>>
    %dma_wait3A_1205 = tpu.memref_squeeze %dma_wait3A_1204 : memref<1x16xi32, #tpu.memory_space<vmem>> -> memref<16xi32, #tpu.memory_space<vmem>>
    %dma_wait3A_1206 = arith.constant 0 : i32
    %dma_wait3A_1207 = arith.constant 0 : i32
    %dma_wait3A_1208 = tpu.memref_slice %arg3[%dma_wait3A_1206, %dma_wait3A_1207] : memref<100000x768xf32, #tpu.memory_space<hbm>> -> memref<100000x768xf32, #tpu.memory_space<hbm>>
    tpu.wait_indirect_dma semaphore(%arg13 : memref<!tpu.dma_semaphore, #tpu.memory_space<semaphore_mem>>) src(%dma_wait3A_1208 : memref<100000x768xf32, #tpu.memory_space<hbm>>) dst(%dma_wait3A_1202 : memref<16x768xf32, #tpu.memory_space<vmem>>)
    %dma_wait3A_1209 = arith.constant 2 : i32
    %dma_wait3A_1210 = arith.constant 32 : i32
    %dma_wait3A_1211 = arith.constant 0 : i32
    %dma_wait3A_1212 = tpu.memref_slice %arg8[%dma_wait3A_1210, %dma_wait3A_1211] : memref<64x768xf32, #tpu.memory_space<vmem>> -> memref<16x768xf32, #tpu.memory_space<vmem>>
    %dma_wait3A_1213 = arith.constant 80 : i32
    %dma_wait3A_1214 = tpu.memref_slice %arg6[%dma_wait3A_1209, %dma_wait3A_1213] : memref<4x128xi32, #tpu.memory_space<vmem>> -> memref<1x16xi32, #tpu.memory_space<vmem>>
    %dma_wait3A_1215 = tpu.memref_squeeze %dma_wait3A_1214 : memref<1x16xi32, #tpu.memory_space<vmem>> -> memref<16xi32, #tpu.memory_space<vmem>>
    %dma_wait3A_1216 = arith.constant 0 : i32
    %dma_wait3A_1217 = arith.constant 0 : i32
    %dma_wait3A_1218 = tpu.memref_slice %arg3[%dma_wait3A_1216, %dma_wait3A_1217] : memref<100000x768xf32, #tpu.memory_space<hbm>> -> memref<100000x768xf32, #tpu.memory_space<hbm>>
    tpu.wait_indirect_dma semaphore(%arg13 : memref<!tpu.dma_semaphore, #tpu.memory_space<semaphore_mem>>) src(%dma_wait3A_1218 : memref<100000x768xf32, #tpu.memory_space<hbm>>) dst(%dma_wait3A_1212 : memref<16x768xf32, #tpu.memory_space<vmem>>)
    %dma_wait3A_1219 = arith.constant 3 : i32
    %dma_wait3A_1220 = arith.constant 48 : i32
    %dma_wait3A_1221 = arith.constant 0 : i32
    %dma_wait3A_1222 = tpu.memref_slice %arg8[%dma_wait3A_1220, %dma_wait3A_1221] : memref<64x768xf32, #tpu.memory_space<vmem>> -> memref<16x768xf32, #tpu.memory_space<vmem>>
    %dma_wait3A_1223 = arith.constant 80 : i32
    %dma_wait3A_1224 = tpu.memref_slice %arg6[%dma_wait3A_1219, %dma_wait3A_1223] : memref<4x128xi32, #tpu.memory_space<vmem>> -> memref<1x16xi32, #tpu.memory_space<vmem>>
    %dma_wait3A_1225 = tpu.memref_squeeze %dma_wait3A_1224 : memref<1x16xi32, #tpu.memory_space<vmem>> -> memref<16xi32, #tpu.memory_space<vmem>>
    %dma_wait3A_1226 = arith.constant 0 : i32
    %dma_wait3A_1227 = arith.constant 0 : i32
    %dma_wait3A_1228 = tpu.memref_slice %arg3[%dma_wait3A_1226, %dma_wait3A_1227] : memref<100000x768xf32, #tpu.memory_space<hbm>> -> memref<100000x768xf32, #tpu.memory_space<hbm>>
    tpu.wait_indirect_dma semaphore(%arg13 : memref<!tpu.dma_semaphore, #tpu.memory_space<semaphore_mem>>) src(%dma_wait3A_1228 : memref<100000x768xf32, #tpu.memory_space<hbm>>) dst(%dma_wait3A_1222 : memref<16x768xf32, #tpu.memory_space<vmem>>)
    %dma_wait3A_1229 = tpu.memref_slice %arg4[%mul3A_986] : memref<1572864xi32, #tpu.memory_space<hbm>> -> memref<6144xi32, #tpu.memory_space<hbm>>
    %dma_wait3A_1230 = tpu.memref_slice %arg4[%mul3A_986] : memref<1572864xi32, #tpu.memory_space<hbm>> -> memref<6144xi32, #tpu.memory_space<hbm>>
    tpu.wait_dma2 semaphore(%arg15 : memref<!tpu.dma_semaphore, #tpu.memory_space<semaphore_mem>>) src(%dma_wait3A_1230 : memref<6144xi32, #tpu.memory_space<hbm>>) dst(%arg10 : memref<6144xi32, #tpu.memory_space<vmem>>)
    %add3A_1231 = arith.constant 80 : i32
    %add3A_1232 = arith.addi %mul3A_2, %add3A_1231 : i32
    %dma_start3A_1233 = arith.constant 0 : i32
    %dma_start3A_1234 = arith.constant 0 : i32
    %dma_start3A_1235 = arith.constant 0 : i32
    %dma_start3A_1236 = tpu.memref_slice %arg8[%dma_start3A_1234, %dma_start3A_1235] : memref<64x768xf32, #tpu.memory_space<vmem>> -> memref<16x768xf32, #tpu.memory_space<vmem>>
    %dma_start3A_1237 = arith.constant 0 : i32
    %dma_start3A_1238 = tpu.memref_slice %arg5[%dma_start3A_1233, %add3A_1232, %dma_start3A_1237] : memref<4x4096x768xf32, #tpu.memory_space<hbm>> -> memref<1x16x768xf32, #tpu.memory_space<hbm>>
    %dma_start3A_1239 = tpu.memref_squeeze %dma_start3A_1238 : memref<1x16x768xf32, #tpu.memory_space<hbm>> -> memref<16x768xf32, #tpu.memory_space<hbm>>
    %dma_start3A_1240 = arith.constant 0 : i32
    %dma_start3A_1241 = tpu.memref_slice %arg5[%dma_start3A_1233, %add3A_1232, %dma_start3A_1240] : memref<4x4096x768xf32, #tpu.memory_space<hbm>> -> memref<1x16x768xf32, #tpu.memory_space<hbm>>
    %dma_start3A_1242 = tpu.memref_squeeze %dma_start3A_1241 : memref<1x16x768xf32, #tpu.memory_space<hbm>> -> memref<16x768xf32, #tpu.memory_space<hbm>>
    %dma_start3A_1243 = arith.constant 0 : i32
    %dma_start3A_1244 = arith.constant 0 : i32
    %dma_start3A_1245 = tpu.memref_slice %arg8[%dma_start3A_1243, %dma_start3A_1244] : memref<64x768xf32, #tpu.memory_space<vmem>> -> memref<16x768xf32, #tpu.memory_space<vmem>>
    tpu.enqueue_dma source(%dma_start3A_1245 : memref<16x768xf32, #tpu.memory_space<vmem>>) target(%dma_start3A_1242 : memref<16x768xf32, #tpu.memory_space<hbm>>) target_semaphore(%arg17 : memref<!tpu.dma_semaphore, #tpu.memory_space<semaphore_mem>>)
    %add3A_1246 = arith.constant 80 : i32
    %add3A_1247 = arith.addi %mul3A_2, %add3A_1246 : i32
    %dma_start3A_1248 = arith.constant 1 : i32
    %dma_start3A_1249 = arith.constant 16 : i32
    %dma_start3A_1250 = arith.constant 0 : i32
    %dma_start3A_1251 = tpu.memref_slice %arg8[%dma_start3A_1249, %dma_start3A_1250] : memref<64x768xf32, #tpu.memory_space<vmem>> -> memref<16x768xf32, #tpu.memory_space<vmem>>
    %dma_start3A_1252 = arith.constant 0 : i32
    %dma_start3A_1253 = tpu.memref_slice %arg5[%dma_start3A_1248, %add3A_1247, %dma_start3A_1252] : memref<4x4096x768xf32, #tpu.memory_space<hbm>> -> memref<1x16x768xf32, #tpu.memory_space<hbm>>
    %dma_start3A_1254 = tpu.memref_squeeze %dma_start3A_1253 : memref<1x16x768xf32, #tpu.memory_space<hbm>> -> memref<16x768xf32, #tpu.memory_space<hbm>>
    %dma_start3A_1255 = arith.constant 0 : i32
    %dma_start3A_1256 = tpu.memref_slice %arg5[%dma_start3A_1248, %add3A_1247, %dma_start3A_1255] : memref<4x4096x768xf32, #tpu.memory_space<hbm>> -> memref<1x16x768xf32, #tpu.memory_space<hbm>>
    %dma_start3A_1257 = tpu.memref_squeeze %dma_start3A_1256 : memref<1x16x768xf32, #tpu.memory_space<hbm>> -> memref<16x768xf32, #tpu.memory_space<hbm>>
    %dma_start3A_1258 = arith.constant 16 : i32
    %dma_start3A_1259 = arith.constant 0 : i32
    %dma_start3A_1260 = tpu.memref_slice %arg8[%dma_start3A_1258, %dma_start3A_1259] : memref<64x768xf32, #tpu.memory_space<vmem>> -> memref<16x768xf32, #tpu.memory_space<vmem>>
    tpu.enqueue_dma source(%dma_start3A_1260 : memref<16x768xf32, #tpu.memory_space<vmem>>) target(%dma_start3A_1257 : memref<16x768xf32, #tpu.memory_space<hbm>>) target_semaphore(%arg17 : memref<!tpu.dma_semaphore, #tpu.memory_space<semaphore_mem>>)
    %add3A_1261 = arith.constant 80 : i32
    %add3A_1262 = arith.addi %mul3A_2, %add3A_1261 : i32
    %dma_start3A_1263 = arith.constant 2 : i32
    %dma_start3A_1264 = arith.constant 32 : i32
    %dma_start3A_1265 = arith.constant 0 : i32
    %dma_start3A_1266 = tpu.memref_slice %arg8[%dma_start3A_1264, %dma_start3A_1265] : memref<64x768xf32, #tpu.memory_space<vmem>> -> memref<16x768xf32, #tpu.memory_space<vmem>>
    %dma_start3A_1267 = arith.constant 0 : i32
    %dma_start3A_1268 = tpu.memref_slice %arg5[%dma_start3A_1263, %add3A_1262, %dma_start3A_1267] : memref<4x4096x768xf32, #tpu.memory_space<hbm>> -> memref<1x16x768xf32, #tpu.memory_space<hbm>>
    %dma_start3A_1269 = tpu.memref_squeeze %dma_start3A_1268 : memref<1x16x768xf32, #tpu.memory_space<hbm>> -> memref<16x768xf32, #tpu.memory_space<hbm>>
    %dma_start3A_1270 = arith.constant 0 : i32
    %dma_start3A_1271 = tpu.memref_slice %arg5[%dma_start3A_1263, %add3A_1262, %dma_start3A_1270] : memref<4x4096x768xf32, #tpu.memory_space<hbm>> -> memref<1x16x768xf32, #tpu.memory_space<hbm>>
    %dma_start3A_1272 = tpu.memref_squeeze %dma_start3A_1271 : memref<1x16x768xf32, #tpu.memory_space<hbm>> -> memref<16x768xf32, #tpu.memory_space<hbm>>
    %dma_start3A_1273 = arith.constant 32 : i32
    %dma_start3A_1274 = arith.constant 0 : i32
    %dma_start3A_1275 = tpu.memref_slice %arg8[%dma_start3A_1273, %dma_start3A_1274] : memref<64x768xf32, #tpu.memory_space<vmem>> -> memref<16x768xf32, #tpu.memory_space<vmem>>
    tpu.enqueue_dma source(%dma_start3A_1275 : memref<16x768xf32, #tpu.memory_space<vmem>>) target(%dma_start3A_1272 : memref<16x768xf32, #tpu.memory_space<hbm>>) target_semaphore(%arg17 : memref<!tpu.dma_semaphore, #tpu.memory_space<semaphore_mem>>)
    %add3A_1276 = arith.constant 80 : i32
    %add3A_1277 = arith.addi %mul3A_2, %add3A_1276 : i32
    %dma_start3A_1278 = arith.constant 3 : i32
    %dma_start3A_1279 = arith.constant 48 : i32
    %dma_start3A_1280 = arith.constant 0 : i32
    %dma_start3A_1281 = tpu.memref_slice %arg8[%dma_start3A_1279, %dma_start3A_1280] : memref<64x768xf32, #tpu.memory_space<vmem>> -> memref<16x768xf32, #tpu.memory_space<vmem>>
    %dma_start3A_1282 = arith.constant 0 : i32
    %dma_start3A_1283 = tpu.memref_slice %arg5[%dma_start3A_1278, %add3A_1277, %dma_start3A_1282] : memref<4x4096x768xf32, #tpu.memory_space<hbm>> -> memref<1x16x768xf32, #tpu.memory_space<hbm>>
    %dma_start3A_1284 = tpu.memref_squeeze %dma_start3A_1283 : memref<1x16x768xf32, #tpu.memory_space<hbm>> -> memref<16x768xf32, #tpu.memory_space<hbm>>
    %dma_start3A_1285 = arith.constant 0 : i32
    %dma_start3A_1286 = tpu.memref_slice %arg5[%dma_start3A_1278, %add3A_1277, %dma_start3A_1285] : memref<4x4096x768xf32, #tpu.memory_space<hbm>> -> memref<1x16x768xf32, #tpu.memory_space<hbm>>
    %dma_start3A_1287 = tpu.memref_squeeze %dma_start3A_1286 : memref<1x16x768xf32, #tpu.memory_space<hbm>> -> memref<16x768xf32, #tpu.memory_space<hbm>>
    %dma_start3A_1288 = arith.constant 48 : i32
    %dma_start3A_1289 = arith.constant 0 : i32
    %dma_start3A_1290 = tpu.memref_slice %arg8[%dma_start3A_1288, %dma_start3A_1289] : memref<64x768xf32, #tpu.memory_space<vmem>> -> memref<16x768xf32, #tpu.memory_space<vmem>>
    tpu.enqueue_dma source(%dma_start3A_1290 : memref<16x768xf32, #tpu.memory_space<vmem>>) target(%dma_start3A_1287 : memref<16x768xf32, #tpu.memory_space<hbm>>) target_semaphore(%arg17 : memref<!tpu.dma_semaphore, #tpu.memory_space<semaphore_mem>>)
    %dma_wait3A_1291 = arith.constant 0 : i32
    %dma_wait3A_1292 = arith.constant 0 : i32
    %dma_wait3A_1293 = arith.constant 0 : i32
    %dma_wait3A_1294 = tpu.memref_slice %arg8[%dma_wait3A_1292, %dma_wait3A_1293] : memref<64x768xf32, #tpu.memory_space<vmem>> -> memref<16x768xf32, #tpu.memory_space<vmem>>
    %dma_wait3A_1295 = arith.constant 0 : i32
    %dma_wait3A_1296 = tpu.memref_slice %arg5[%dma_wait3A_1291, %add3A_1232, %dma_wait3A_1295] : memref<4x4096x768xf32, #tpu.memory_space<hbm>> -> memref<1x16x768xf32, #tpu.memory_space<hbm>>
    %dma_wait3A_1297 = tpu.memref_squeeze %dma_wait3A_1296 : memref<1x16x768xf32, #tpu.memory_space<hbm>> -> memref<16x768xf32, #tpu.memory_space<hbm>>
    %dma_wait3A_1298 = arith.constant 0 : i32
    %dma_wait3A_1299 = tpu.memref_slice %arg5[%dma_wait3A_1291, %add3A_1232, %dma_wait3A_1298] : memref<4x4096x768xf32, #tpu.memory_space<hbm>> -> memref<1x16x768xf32, #tpu.memory_space<hbm>>
    %dma_wait3A_1300 = tpu.memref_squeeze %dma_wait3A_1299 : memref<1x16x768xf32, #tpu.memory_space<hbm>> -> memref<16x768xf32, #tpu.memory_space<hbm>>
    %dma_wait3A_1301 = arith.constant 0 : i32
    %dma_wait3A_1302 = arith.constant 0 : i32
    %dma_wait3A_1303 = tpu.memref_slice %arg8[%dma_wait3A_1301, %dma_wait3A_1302] : memref<64x768xf32, #tpu.memory_space<vmem>> -> memref<16x768xf32, #tpu.memory_space<vmem>>
    tpu.wait_dma2 semaphore(%arg17 : memref<!tpu.dma_semaphore, #tpu.memory_space<semaphore_mem>>) src(%dma_wait3A_1303 : memref<16x768xf32, #tpu.memory_space<vmem>>) dst(%dma_wait3A_1300 : memref<16x768xf32, #tpu.memory_space<hbm>>)
    %dma_wait3A_1304 = arith.constant 1 : i32
    %dma_wait3A_1305 = arith.constant 16 : i32
    %dma_wait3A_1306 = arith.constant 0 : i32
    %dma_wait3A_1307 = tpu.memref_slice %arg8[%dma_wait3A_1305, %dma_wait3A_1306] : memref<64x768xf32, #tpu.memory_space<vmem>> -> memref<16x768xf32, #tpu.memory_space<vmem>>
    %dma_wait3A_1308 = arith.constant 0 : i32
    %dma_wait3A_1309 = tpu.memref_slice %arg5[%dma_wait3A_1304, %add3A_1247, %dma_wait3A_1308] : memref<4x4096x768xf32, #tpu.memory_space<hbm>> -> memref<1x16x768xf32, #tpu.memory_space<hbm>>
    %dma_wait3A_1310 = tpu.memref_squeeze %dma_wait3A_1309 : memref<1x16x768xf32, #tpu.memory_space<hbm>> -> memref<16x768xf32, #tpu.memory_space<hbm>>
    %dma_wait3A_1311 = arith.constant 0 : i32
    %dma_wait3A_1312 = tpu.memref_slice %arg5[%dma_wait3A_1304, %add3A_1247, %dma_wait3A_1311] : memref<4x4096x768xf32, #tpu.memory_space<hbm>> -> memref<1x16x768xf32, #tpu.memory_space<hbm>>
    %dma_wait3A_1313 = tpu.memref_squeeze %dma_wait3A_1312 : memref<1x16x768xf32, #tpu.memory_space<hbm>> -> memref<16x768xf32, #tpu.memory_space<hbm>>
    %dma_wait3A_1314 = arith.constant 16 : i32
    %dma_wait3A_1315 = arith.constant 0 : i32
    %dma_wait3A_1316 = tpu.memref_slice %arg8[%dma_wait3A_1314, %dma_wait3A_1315] : memref<64x768xf32, #tpu.memory_space<vmem>> -> memref<16x768xf32, #tpu.memory_space<vmem>>
    tpu.wait_dma2 semaphore(%arg17 : memref<!tpu.dma_semaphore, #tpu.memory_space<semaphore_mem>>) src(%dma_wait3A_1316 : memref<16x768xf32, #tpu.memory_space<vmem>>) dst(%dma_wait3A_1313 : memref<16x768xf32, #tpu.memory_space<hbm>>)
    %dma_wait3A_1317 = arith.constant 2 : i32
    %dma_wait3A_1318 = arith.constant 32 : i32
    %dma_wait3A_1319 = arith.constant 0 : i32
    %dma_wait3A_1320 = tpu.memref_slice %arg8[%dma_wait3A_1318, %dma_wait3A_1319] : memref<64x768xf32, #tpu.memory_space<vmem>> -> memref<16x768xf32, #tpu.memory_space<vmem>>
    %dma_wait3A_1321 = arith.constant 0 : i32
    %dma_wait3A_1322 = tpu.memref_slice %arg5[%dma_wait3A_1317, %add3A_1262, %dma_wait3A_1321] : memref<4x4096x768xf32, #tpu.memory_space<hbm>> -> memref<1x16x768xf32, #tpu.memory_space<hbm>>
    %dma_wait3A_1323 = tpu.memref_squeeze %dma_wait3A_1322 : memref<1x16x768xf32, #tpu.memory_space<hbm>> -> memref<16x768xf32, #tpu.memory_space<hbm>>
    %dma_wait3A_1324 = arith.constant 0 : i32
    %dma_wait3A_1325 = tpu.memref_slice %arg5[%dma_wait3A_1317, %add3A_1262, %dma_wait3A_1324] : memref<4x4096x768xf32, #tpu.memory_space<hbm>> -> memref<1x16x768xf32, #tpu.memory_space<hbm>>
    %dma_wait3A_1326 = tpu.memref_squeeze %dma_wait3A_1325 : memref<1x16x768xf32, #tpu.memory_space<hbm>> -> memref<16x768xf32, #tpu.memory_space<hbm>>
    %dma_wait3A_1327 = arith.constant 32 : i32
    %dma_wait3A_1328 = arith.constant 0 : i32
    %dma_wait3A_1329 = tpu.memref_slice %arg8[%dma_wait3A_1327, %dma_wait3A_1328] : memref<64x768xf32, #tpu.memory_space<vmem>> -> memref<16x768xf32, #tpu.memory_space<vmem>>
    tpu.wait_dma2 semaphore(%arg17 : memref<!tpu.dma_semaphore, #tpu.memory_space<semaphore_mem>>) src(%dma_wait3A_1329 : memref<16x768xf32, #tpu.memory_space<vmem>>) dst(%dma_wait3A_1326 : memref<16x768xf32, #tpu.memory_space<hbm>>)
    %dma_wait3A_1330 = arith.constant 3 : i32
    %dma_wait3A_1331 = arith.constant 48 : i32
    %dma_wait3A_1332 = arith.constant 0 : i32
    %dma_wait3A_1333 = tpu.memref_slice %arg8[%dma_wait3A_1331, %dma_wait3A_1332] : memref<64x768xf32, #tpu.memory_space<vmem>> -> memref<16x768xf32, #tpu.memory_space<vmem>>
    %dma_wait3A_1334 = arith.constant 0 : i32
    %dma_wait3A_1335 = tpu.memref_slice %arg5[%dma_wait3A_1330, %add3A_1277, %dma_wait3A_1334] : memref<4x4096x768xf32, #tpu.memory_space<hbm>> -> memref<1x16x768xf32, #tpu.memory_space<hbm>>
    %dma_wait3A_1336 = tpu.memref_squeeze %dma_wait3A_1335 : memref<1x16x768xf32, #tpu.memory_space<hbm>> -> memref<16x768xf32, #tpu.memory_space<hbm>>
    %dma_wait3A_1337 = arith.constant 0 : i32
    %dma_wait3A_1338 = tpu.memref_slice %arg5[%dma_wait3A_1330, %add3A_1277, %dma_wait3A_1337] : memref<4x4096x768xf32, #tpu.memory_space<hbm>> -> memref<1x16x768xf32, #tpu.memory_space<hbm>>
    %dma_wait3A_1339 = tpu.memref_squeeze %dma_wait3A_1338 : memref<1x16x768xf32, #tpu.memory_space<hbm>> -> memref<16x768xf32, #tpu.memory_space<hbm>>
    %dma_wait3A_1340 = arith.constant 48 : i32
    %dma_wait3A_1341 = arith.constant 0 : i32
    %dma_wait3A_1342 = tpu.memref_slice %arg8[%dma_wait3A_1340, %dma_wait3A_1341] : memref<64x768xf32, #tpu.memory_space<vmem>> -> memref<16x768xf32, #tpu.memory_space<vmem>>
    tpu.wait_dma2 semaphore(%arg17 : memref<!tpu.dma_semaphore, #tpu.memory_space<semaphore_mem>>) src(%dma_wait3A_1342 : memref<16x768xf32, #tpu.memory_space<vmem>>) dst(%dma_wait3A_1339 : memref<16x768xf32, #tpu.memory_space<hbm>>)
    %dma_start3A_1343 = arith.constant 0 : i32
    %dma_start3A_1344 = arith.constant 0 : i32
    %dma_start3A_1345 = arith.constant 0 : i32
    %dma_start3A_1346 = tpu.memref_slice %arg8[%dma_start3A_1344, %dma_start3A_1345] : memref<64x768xf32, #tpu.memory_space<vmem>> -> memref<16x768xf32, #tpu.memory_space<vmem>>
    %dma_start3A_1347 = arith.constant 112 : i32
    %dma_start3A_1348 = tpu.memref_slice %arg6[%dma_start3A_1343, %dma_start3A_1347] : memref<4x128xi32, #tpu.memory_space<vmem>> -> memref<1x16xi32, #tpu.memory_space<vmem>>
    %dma_start3A_1349 = tpu.memref_squeeze %dma_start3A_1348 : memref<1x16xi32, #tpu.memory_space<vmem>> -> memref<16xi32, #tpu.memory_space<vmem>>
    %dma_start3A_1350 = arith.constant 0 : i32
    %dma_start3A_1351 = arith.constant 0 : i32
    %dma_start3A_1352 = tpu.memref_slice %arg3[%dma_start3A_1350, %dma_start3A_1351] : memref<100000x768xf32, #tpu.memory_space<hbm>> -> memref<100000x768xf32, #tpu.memory_space<hbm>>
    tpu.enqueue_indirect_dma source(%dma_start3A_1352 : memref<100000x768xf32, #tpu.memory_space<hbm>>) target(%dma_start3A_1346 : memref<16x768xf32, #tpu.memory_space<vmem>>) offsets(%dma_start3A_1349 : memref<16xi32, #tpu.memory_space<vmem>>) semaphore(%arg13 : memref<!tpu.dma_semaphore, #tpu.memory_space<semaphore_mem>>)
    %dma_start3A_1353 = arith.constant 1 : i32
    %dma_start3A_1354 = arith.constant 16 : i32
    %dma_start3A_1355 = arith.constant 0 : i32
    %dma_start3A_1356 = tpu.memref_slice %arg8[%dma_start3A_1354, %dma_start3A_1355] : memref<64x768xf32, #tpu.memory_space<vmem>> -> memref<16x768xf32, #tpu.memory_space<vmem>>
    %dma_start3A_1357 = arith.constant 112 : i32
    %dma_start3A_1358 = tpu.memref_slice %arg6[%dma_start3A_1353, %dma_start3A_1357] : memref<4x128xi32, #tpu.memory_space<vmem>> -> memref<1x16xi32, #tpu.memory_space<vmem>>
    %dma_start3A_1359 = tpu.memref_squeeze %dma_start3A_1358 : memref<1x16xi32, #tpu.memory_space<vmem>> -> memref<16xi32, #tpu.memory_space<vmem>>
    %dma_start3A_1360 = arith.constant 0 : i32
    %dma_start3A_1361 = arith.constant 0 : i32
    %dma_start3A_1362 = tpu.memref_slice %arg3[%dma_start3A_1360, %dma_start3A_1361] : memref<100000x768xf32, #tpu.memory_space<hbm>> -> memref<100000x768xf32, #tpu.memory_space<hbm>>
    tpu.enqueue_indirect_dma source(%dma_start3A_1362 : memref<100000x768xf32, #tpu.memory_space<hbm>>) target(%dma_start3A_1356 : memref<16x768xf32, #tpu.memory_space<vmem>>) offsets(%dma_start3A_1359 : memref<16xi32, #tpu.memory_space<vmem>>) semaphore(%arg13 : memref<!tpu.dma_semaphore, #tpu.memory_space<semaphore_mem>>)
    %dma_start3A_1363 = arith.constant 2 : i32
    %dma_start3A_1364 = arith.constant 32 : i32
    %dma_start3A_1365 = arith.constant 0 : i32
    %dma_start3A_1366 = tpu.memref_slice %arg8[%dma_start3A_1364, %dma_start3A_1365] : memref<64x768xf32, #tpu.memory_space<vmem>> -> memref<16x768xf32, #tpu.memory_space<vmem>>
    %dma_start3A_1367 = arith.constant 112 : i32
    %dma_start3A_1368 = tpu.memref_slice %arg6[%dma_start3A_1363, %dma_start3A_1367] : memref<4x128xi32, #tpu.memory_space<vmem>> -> memref<1x16xi32, #tpu.memory_space<vmem>>
    %dma_start3A_1369 = tpu.memref_squeeze %dma_start3A_1368 : memref<1x16xi32, #tpu.memory_space<vmem>> -> memref<16xi32, #tpu.memory_space<vmem>>
    %dma_start3A_1370 = arith.constant 0 : i32
    %dma_start3A_1371 = arith.constant 0 : i32
    %dma_start3A_1372 = tpu.memref_slice %arg3[%dma_start3A_1370, %dma_start3A_1371] : memref<100000x768xf32, #tpu.memory_space<hbm>> -> memref<100000x768xf32, #tpu.memory_space<hbm>>
    tpu.enqueue_indirect_dma source(%dma_start3A_1372 : memref<100000x768xf32, #tpu.memory_space<hbm>>) target(%dma_start3A_1366 : memref<16x768xf32, #tpu.memory_space<vmem>>) offsets(%dma_start3A_1369 : memref<16xi32, #tpu.memory_space<vmem>>) semaphore(%arg13 : memref<!tpu.dma_semaphore, #tpu.memory_space<semaphore_mem>>)
    %dma_start3A_1373 = arith.constant 3 : i32
    %dma_start3A_1374 = arith.constant 48 : i32
    %dma_start3A_1375 = arith.constant 0 : i32
    %dma_start3A_1376 = tpu.memref_slice %arg8[%dma_start3A_1374, %dma_start3A_1375] : memref<64x768xf32, #tpu.memory_space<vmem>> -> memref<16x768xf32, #tpu.memory_space<vmem>>
    %dma_start3A_1377 = arith.constant 112 : i32
    %dma_start3A_1378 = tpu.memref_slice %arg6[%dma_start3A_1373, %dma_start3A_1377] : memref<4x128xi32, #tpu.memory_space<vmem>> -> memref<1x16xi32, #tpu.memory_space<vmem>>
    %dma_start3A_1379 = tpu.memref_squeeze %dma_start3A_1378 : memref<1x16xi32, #tpu.memory_space<vmem>> -> memref<16xi32, #tpu.memory_space<vmem>>
    %dma_start3A_1380 = arith.constant 0 : i32
    %dma_start3A_1381 = arith.constant 0 : i32
    %dma_start3A_1382 = tpu.memref_slice %arg3[%dma_start3A_1380, %dma_start3A_1381] : memref<100000x768xf32, #tpu.memory_space<hbm>> -> memref<100000x768xf32, #tpu.memory_space<hbm>>
    tpu.enqueue_indirect_dma source(%dma_start3A_1382 : memref<100000x768xf32, #tpu.memory_space<hbm>>) target(%dma_start3A_1376 : memref<16x768xf32, #tpu.memory_space<vmem>>) offsets(%dma_start3A_1379 : memref<16xi32, #tpu.memory_space<vmem>>) semaphore(%arg13 : memref<!tpu.dma_semaphore, #tpu.memory_space<semaphore_mem>>)
    %add3A_1383 = arith.constant 112 : i32
    %add3A_1384 = arith.addi %mul3A_2, %add3A_1383 : i32
    %mul3A_1385 = arith.constant 384 : i32
    %mul3A_1386 = arith.muli %add3A_1384, %mul3A_1385 : i32
    %dma_start3A_1387 = tpu.memref_slice %arg4[%mul3A_1386] : memref<1572864xi32, #tpu.memory_space<hbm>> -> memref<6144xi32, #tpu.memory_space<hbm>>
    %dma_start3A_1388 = tpu.memref_slice %arg4[%mul3A_1386] : memref<1572864xi32, #tpu.memory_space<hbm>> -> memref<6144xi32, #tpu.memory_space<hbm>>
    tpu.enqueue_dma source(%dma_start3A_1388 : memref<6144xi32, #tpu.memory_space<hbm>>) target(%arg10 : memref<6144xi32, #tpu.memory_space<vmem>>) target_semaphore(%arg15 : memref<!tpu.dma_semaphore, #tpu.memory_space<semaphore_mem>>)
    %dma_wait3A_1389 = arith.constant 0 : i32
    %dma_wait3A_1390 = arith.constant 0 : i32
    %dma_wait3A_1391 = arith.constant 0 : i32
    %dma_wait3A_1392 = tpu.memref_slice %arg7[%dma_wait3A_1390, %dma_wait3A_1391] : memref<64x768xf32, #tpu.memory_space<vmem>> -> memref<16x768xf32, #tpu.memory_space<vmem>>
    %dma_wait3A_1393 = arith.constant 96 : i32
    %dma_wait3A_1394 = tpu.memref_slice %arg6[%dma_wait3A_1389, %dma_wait3A_1393] : memref<4x128xi32, #tpu.memory_space<vmem>> -> memref<1x16xi32, #tpu.memory_space<vmem>>
    %dma_wait3A_1395 = tpu.memref_squeeze %dma_wait3A_1394 : memref<1x16xi32, #tpu.memory_space<vmem>> -> memref<16xi32, #tpu.memory_space<vmem>>
    %dma_wait3A_1396 = arith.constant 0 : i32
    %dma_wait3A_1397 = arith.constant 0 : i32
    %dma_wait3A_1398 = tpu.memref_slice %arg3[%dma_wait3A_1396, %dma_wait3A_1397] : memref<100000x768xf32, #tpu.memory_space<hbm>> -> memref<100000x768xf32, #tpu.memory_space<hbm>>
    tpu.wait_indirect_dma semaphore(%arg12 : memref<!tpu.dma_semaphore, #tpu.memory_space<semaphore_mem>>) src(%dma_wait3A_1398 : memref<100000x768xf32, #tpu.memory_space<hbm>>) dst(%dma_wait3A_1392 : memref<16x768xf32, #tpu.memory_space<vmem>>)
    %dma_wait3A_1399 = arith.constant 1 : i32
    %dma_wait3A_1400 = arith.constant 16 : i32
    %dma_wait3A_1401 = arith.constant 0 : i32
    %dma_wait3A_1402 = tpu.memref_slice %arg7[%dma_wait3A_1400, %dma_wait3A_1401] : memref<64x768xf32, #tpu.memory_space<vmem>> -> memref<16x768xf32, #tpu.memory_space<vmem>>
    %dma_wait3A_1403 = arith.constant 96 : i32
    %dma_wait3A_1404 = tpu.memref_slice %arg6[%dma_wait3A_1399, %dma_wait3A_1403] : memref<4x128xi32, #tpu.memory_space<vmem>> -> memref<1x16xi32, #tpu.memory_space<vmem>>
    %dma_wait3A_1405 = tpu.memref_squeeze %dma_wait3A_1404 : memref<1x16xi32, #tpu.memory_space<vmem>> -> memref<16xi32, #tpu.memory_space<vmem>>
    %dma_wait3A_1406 = arith.constant 0 : i32
    %dma_wait3A_1407 = arith.constant 0 : i32
    %dma_wait3A_1408 = tpu.memref_slice %arg3[%dma_wait3A_1406, %dma_wait3A_1407] : memref<100000x768xf32, #tpu.memory_space<hbm>> -> memref<100000x768xf32, #tpu.memory_space<hbm>>
    tpu.wait_indirect_dma semaphore(%arg12 : memref<!tpu.dma_semaphore, #tpu.memory_space<semaphore_mem>>) src(%dma_wait3A_1408 : memref<100000x768xf32, #tpu.memory_space<hbm>>) dst(%dma_wait3A_1402 : memref<16x768xf32, #tpu.memory_space<vmem>>)
    %dma_wait3A_1409 = arith.constant 2 : i32
    %dma_wait3A_1410 = arith.constant 32 : i32
    %dma_wait3A_1411 = arith.constant 0 : i32
    %dma_wait3A_1412 = tpu.memref_slice %arg7[%dma_wait3A_1410, %dma_wait3A_1411] : memref<64x768xf32, #tpu.memory_space<vmem>> -> memref<16x768xf32, #tpu.memory_space<vmem>>
    %dma_wait3A_1413 = arith.constant 96 : i32
    %dma_wait3A_1414 = tpu.memref_slice %arg6[%dma_wait3A_1409, %dma_wait3A_1413] : memref<4x128xi32, #tpu.memory_space<vmem>> -> memref<1x16xi32, #tpu.memory_space<vmem>>
    %dma_wait3A_1415 = tpu.memref_squeeze %dma_wait3A_1414 : memref<1x16xi32, #tpu.memory_space<vmem>> -> memref<16xi32, #tpu.memory_space<vmem>>
    %dma_wait3A_1416 = arith.constant 0 : i32
    %dma_wait3A_1417 = arith.constant 0 : i32
    %dma_wait3A_1418 = tpu.memref_slice %arg3[%dma_wait3A_1416, %dma_wait3A_1417] : memref<100000x768xf32, #tpu.memory_space<hbm>> -> memref<100000x768xf32, #tpu.memory_space<hbm>>
    tpu.wait_indirect_dma semaphore(%arg12 : memref<!tpu.dma_semaphore, #tpu.memory_space<semaphore_mem>>) src(%dma_wait3A_1418 : memref<100000x768xf32, #tpu.memory_space<hbm>>) dst(%dma_wait3A_1412 : memref<16x768xf32, #tpu.memory_space<vmem>>)
    %dma_wait3A_1419 = arith.constant 3 : i32
    %dma_wait3A_1420 = arith.constant 48 : i32
    %dma_wait3A_1421 = arith.constant 0 : i32
    %dma_wait3A_1422 = tpu.memref_slice %arg7[%dma_wait3A_1420, %dma_wait3A_1421] : memref<64x768xf32, #tpu.memory_space<vmem>> -> memref<16x768xf32, #tpu.memory_space<vmem>>
    %dma_wait3A_1423 = arith.constant 96 : i32
    %dma_wait3A_1424 = tpu.memref_slice %arg6[%dma_wait3A_1419, %dma_wait3A_1423] : memref<4x128xi32, #tpu.memory_space<vmem>> -> memref<1x16xi32, #tpu.memory_space<vmem>>
    %dma_wait3A_1425 = tpu.memref_squeeze %dma_wait3A_1424 : memref<1x16xi32, #tpu.memory_space<vmem>> -> memref<16xi32, #tpu.memory_space<vmem>>
    %dma_wait3A_1426 = arith.constant 0 : i32
    %dma_wait3A_1427 = arith.constant 0 : i32
    %dma_wait3A_1428 = tpu.memref_slice %arg3[%dma_wait3A_1426, %dma_wait3A_1427] : memref<100000x768xf32, #tpu.memory_space<hbm>> -> memref<100000x768xf32, #tpu.memory_space<hbm>>
    tpu.wait_indirect_dma semaphore(%arg12 : memref<!tpu.dma_semaphore, #tpu.memory_space<semaphore_mem>>) src(%dma_wait3A_1428 : memref<100000x768xf32, #tpu.memory_space<hbm>>) dst(%dma_wait3A_1422 : memref<16x768xf32, #tpu.memory_space<vmem>>)
    %dma_wait3A_1429 = tpu.memref_slice %arg4[%mul3A_1186] : memref<1572864xi32, #tpu.memory_space<hbm>> -> memref<6144xi32, #tpu.memory_space<hbm>>
    %dma_wait3A_1430 = tpu.memref_slice %arg4[%mul3A_1186] : memref<1572864xi32, #tpu.memory_space<hbm>> -> memref<6144xi32, #tpu.memory_space<hbm>>
    tpu.wait_dma2 semaphore(%arg14 : memref<!tpu.dma_semaphore, #tpu.memory_space<semaphore_mem>>) src(%dma_wait3A_1430 : memref<6144xi32, #tpu.memory_space<hbm>>) dst(%arg9 : memref<6144xi32, #tpu.memory_space<vmem>>)
    %add3A_1431 = arith.constant 96 : i32
    %add3A_1432 = arith.addi %mul3A_2, %add3A_1431 : i32
    %dma_start3A_1433 = arith.constant 0 : i32
    %dma_start3A_1434 = arith.constant 0 : i32
    %dma_start3A_1435 = arith.constant 0 : i32
    %dma_start3A_1436 = tpu.memref_slice %arg7[%dma_start3A_1434, %dma_start3A_1435] : memref<64x768xf32, #tpu.memory_space<vmem>> -> memref<16x768xf32, #tpu.memory_space<vmem>>
    %dma_start3A_1437 = arith.constant 0 : i32
    %dma_start3A_1438 = tpu.memref_slice %arg5[%dma_start3A_1433, %add3A_1432, %dma_start3A_1437] : memref<4x4096x768xf32, #tpu.memory_space<hbm>> -> memref<1x16x768xf32, #tpu.memory_space<hbm>>
    %dma_start3A_1439 = tpu.memref_squeeze %dma_start3A_1438 : memref<1x16x768xf32, #tpu.memory_space<hbm>> -> memref<16x768xf32, #tpu.memory_space<hbm>>
    %dma_start3A_1440 = arith.constant 0 : i32
    %dma_start3A_1441 = tpu.memref_slice %arg5[%dma_start3A_1433, %add3A_1432, %dma_start3A_1440] : memref<4x4096x768xf32, #tpu.memory_space<hbm>> -> memref<1x16x768xf32, #tpu.memory_space<hbm>>
    %dma_start3A_1442 = tpu.memref_squeeze %dma_start3A_1441 : memref<1x16x768xf32, #tpu.memory_space<hbm>> -> memref<16x768xf32, #tpu.memory_space<hbm>>
    %dma_start3A_1443 = arith.constant 0 : i32
    %dma_start3A_1444 = arith.constant 0 : i32
    %dma_start3A_1445 = tpu.memref_slice %arg7[%dma_start3A_1443, %dma_start3A_1444] : memref<64x768xf32, #tpu.memory_space<vmem>> -> memref<16x768xf32, #tpu.memory_space<vmem>>
    tpu.enqueue_dma source(%dma_start3A_1445 : memref<16x768xf32, #tpu.memory_space<vmem>>) target(%dma_start3A_1442 : memref<16x768xf32, #tpu.memory_space<hbm>>) target_semaphore(%arg16 : memref<!tpu.dma_semaphore, #tpu.memory_space<semaphore_mem>>)
    %add3A_1446 = arith.constant 96 : i32
    %add3A_1447 = arith.addi %mul3A_2, %add3A_1446 : i32
    %dma_start3A_1448 = arith.constant 1 : i32
    %dma_start3A_1449 = arith.constant 16 : i32
    %dma_start3A_1450 = arith.constant 0 : i32
    %dma_start3A_1451 = tpu.memref_slice %arg7[%dma_start3A_1449, %dma_start3A_1450] : memref<64x768xf32, #tpu.memory_space<vmem>> -> memref<16x768xf32, #tpu.memory_space<vmem>>
    %dma_start3A_1452 = arith.constant 0 : i32
    %dma_start3A_1453 = tpu.memref_slice %arg5[%dma_start3A_1448, %add3A_1447, %dma_start3A_1452] : memref<4x4096x768xf32, #tpu.memory_space<hbm>> -> memref<1x16x768xf32, #tpu.memory_space<hbm>>
    %dma_start3A_1454 = tpu.memref_squeeze %dma_start3A_1453 : memref<1x16x768xf32, #tpu.memory_space<hbm>> -> memref<16x768xf32, #tpu.memory_space<hbm>>
    %dma_start3A_1455 = arith.constant 0 : i32
    %dma_start3A_1456 = tpu.memref_slice %arg5[%dma_start3A_1448, %add3A_1447, %dma_start3A_1455] : memref<4x4096x768xf32, #tpu.memory_space<hbm>> -> memref<1x16x768xf32, #tpu.memory_space<hbm>>
    %dma_start3A_1457 = tpu.memref_squeeze %dma_start3A_1456 : memref<1x16x768xf32, #tpu.memory_space<hbm>> -> memref<16x768xf32, #tpu.memory_space<hbm>>
    %dma_start3A_1458 = arith.constant 16 : i32
    %dma_start3A_1459 = arith.constant 0 : i32
    %dma_start3A_1460 = tpu.memref_slice %arg7[%dma_start3A_1458, %dma_start3A_1459] : memref<64x768xf32, #tpu.memory_space<vmem>> -> memref<16x768xf32, #tpu.memory_space<vmem>>
    tpu.enqueue_dma source(%dma_start3A_1460 : memref<16x768xf32, #tpu.memory_space<vmem>>) target(%dma_start3A_1457 : memref<16x768xf32, #tpu.memory_space<hbm>>) target_semaphore(%arg16 : memref<!tpu.dma_semaphore, #tpu.memory_space<semaphore_mem>>)
    %add3A_1461 = arith.constant 96 : i32
    %add3A_1462 = arith.addi %mul3A_2, %add3A_1461 : i32
    %dma_start3A_1463 = arith.constant 2 : i32
    %dma_start3A_1464 = arith.constant 32 : i32
    %dma_start3A_1465 = arith.constant 0 : i32
    %dma_start3A_1466 = tpu.memref_slice %arg7[%dma_start3A_1464, %dma_start3A_1465] : memref<64x768xf32, #tpu.memory_space<vmem>> -> memref<16x768xf32, #tpu.memory_space<vmem>>
    %dma_start3A_1467 = arith.constant 0 : i32
    %dma_start3A_1468 = tpu.memref_slice %arg5[%dma_start3A_1463, %add3A_1462, %dma_start3A_1467] : memref<4x4096x768xf32, #tpu.memory_space<hbm>> -> memref<1x16x768xf32, #tpu.memory_space<hbm>>
    %dma_start3A_1469 = tpu.memref_squeeze %dma_start3A_1468 : memref<1x16x768xf32, #tpu.memory_space<hbm>> -> memref<16x768xf32, #tpu.memory_space<hbm>>
    %dma_start3A_1470 = arith.constant 0 : i32
    %dma_start3A_1471 = tpu.memref_slice %arg5[%dma_start3A_1463, %add3A_1462, %dma_start3A_1470] : memref<4x4096x768xf32, #tpu.memory_space<hbm>> -> memref<1x16x768xf32, #tpu.memory_space<hbm>>
    %dma_start3A_1472 = tpu.memref_squeeze %dma_start3A_1471 : memref<1x16x768xf32, #tpu.memory_space<hbm>> -> memref<16x768xf32, #tpu.memory_space<hbm>>
    %dma_start3A_1473 = arith.constant 32 : i32
    %dma_start3A_1474 = arith.constant 0 : i32
    %dma_start3A_1475 = tpu.memref_slice %arg7[%dma_start3A_1473, %dma_start3A_1474] : memref<64x768xf32, #tpu.memory_space<vmem>> -> memref<16x768xf32, #tpu.memory_space<vmem>>
    tpu.enqueue_dma source(%dma_start3A_1475 : memref<16x768xf32, #tpu.memory_space<vmem>>) target(%dma_start3A_1472 : memref<16x768xf32, #tpu.memory_space<hbm>>) target_semaphore(%arg16 : memref<!tpu.dma_semaphore, #tpu.memory_space<semaphore_mem>>)
    %add3A_1476 = arith.constant 96 : i32
    %add3A_1477 = arith.addi %mul3A_2, %add3A_1476 : i32
    %dma_start3A_1478 = arith.constant 3 : i32
    %dma_start3A_1479 = arith.constant 48 : i32
    %dma_start3A_1480 = arith.constant 0 : i32
    %dma_start3A_1481 = tpu.memref_slice %arg7[%dma_start3A_1479, %dma_start3A_1480] : memref<64x768xf32, #tpu.memory_space<vmem>> -> memref<16x768xf32, #tpu.memory_space<vmem>>
    %dma_start3A_1482 = arith.constant 0 : i32
    %dma_start3A_1483 = tpu.memref_slice %arg5[%dma_start3A_1478, %add3A_1477, %dma_start3A_1482] : memref<4x4096x768xf32, #tpu.memory_space<hbm>> -> memref<1x16x768xf32, #tpu.memory_space<hbm>>
    %dma_start3A_1484 = tpu.memref_squeeze %dma_start3A_1483 : memref<1x16x768xf32, #tpu.memory_space<hbm>> -> memref<16x768xf32, #tpu.memory_space<hbm>>
    %dma_start3A_1485 = arith.constant 0 : i32
    %dma_start3A_1486 = tpu.memref_slice %arg5[%dma_start3A_1478, %add3A_1477, %dma_start3A_1485] : memref<4x4096x768xf32, #tpu.memory_space<hbm>> -> memref<1x16x768xf32, #tpu.memory_space<hbm>>
    %dma_start3A_1487 = tpu.memref_squeeze %dma_start3A_1486 : memref<1x16x768xf32, #tpu.memory_space<hbm>> -> memref<16x768xf32, #tpu.memory_space<hbm>>
    %dma_start3A_1488 = arith.constant 48 : i32
    %dma_start3A_1489 = arith.constant 0 : i32
    %dma_start3A_1490 = tpu.memref_slice %arg7[%dma_start3A_1488, %dma_start3A_1489] : memref<64x768xf32, #tpu.memory_space<vmem>> -> memref<16x768xf32, #tpu.memory_space<vmem>>
    tpu.enqueue_dma source(%dma_start3A_1490 : memref<16x768xf32, #tpu.memory_space<vmem>>) target(%dma_start3A_1487 : memref<16x768xf32, #tpu.memory_space<hbm>>) target_semaphore(%arg16 : memref<!tpu.dma_semaphore, #tpu.memory_space<semaphore_mem>>)
    %dma_wait3A_1491 = arith.constant 0 : i32
    %dma_wait3A_1492 = arith.constant 0 : i32
    %dma_wait3A_1493 = arith.constant 0 : i32
    %dma_wait3A_1494 = tpu.memref_slice %arg8[%dma_wait3A_1492, %dma_wait3A_1493] : memref<64x768xf32, #tpu.memory_space<vmem>> -> memref<16x768xf32, #tpu.memory_space<vmem>>
    %dma_wait3A_1495 = arith.constant 112 : i32
    %dma_wait3A_1496 = tpu.memref_slice %arg6[%dma_wait3A_1491, %dma_wait3A_1495] : memref<4x128xi32, #tpu.memory_space<vmem>> -> memref<1x16xi32, #tpu.memory_space<vmem>>
    %dma_wait3A_1497 = tpu.memref_squeeze %dma_wait3A_1496 : memref<1x16xi32, #tpu.memory_space<vmem>> -> memref<16xi32, #tpu.memory_space<vmem>>
    %dma_wait3A_1498 = arith.constant 0 : i32
    %dma_wait3A_1499 = arith.constant 0 : i32
    %dma_wait3A_1500 = tpu.memref_slice %arg3[%dma_wait3A_1498, %dma_wait3A_1499] : memref<100000x768xf32, #tpu.memory_space<hbm>> -> memref<100000x768xf32, #tpu.memory_space<hbm>>
    tpu.wait_indirect_dma semaphore(%arg13 : memref<!tpu.dma_semaphore, #tpu.memory_space<semaphore_mem>>) src(%dma_wait3A_1500 : memref<100000x768xf32, #tpu.memory_space<hbm>>) dst(%dma_wait3A_1494 : memref<16x768xf32, #tpu.memory_space<vmem>>)
    %dma_wait3A_1501 = arith.constant 1 : i32
    %dma_wait3A_1502 = arith.constant 16 : i32
    %dma_wait3A_1503 = arith.constant 0 : i32
    %dma_wait3A_1504 = tpu.memref_slice %arg8[%dma_wait3A_1502, %dma_wait3A_1503] : memref<64x768xf32, #tpu.memory_space<vmem>> -> memref<16x768xf32, #tpu.memory_space<vmem>>
    %dma_wait3A_1505 = arith.constant 112 : i32
    %dma_wait3A_1506 = tpu.memref_slice %arg6[%dma_wait3A_1501, %dma_wait3A_1505] : memref<4x128xi32, #tpu.memory_space<vmem>> -> memref<1x16xi32, #tpu.memory_space<vmem>>
    %dma_wait3A_1507 = tpu.memref_squeeze %dma_wait3A_1506 : memref<1x16xi32, #tpu.memory_space<vmem>> -> memref<16xi32, #tpu.memory_space<vmem>>
    %dma_wait3A_1508 = arith.constant 0 : i32
    %dma_wait3A_1509 = arith.constant 0 : i32
    %dma_wait3A_1510 = tpu.memref_slice %arg3[%dma_wait3A_1508, %dma_wait3A_1509] : memref<100000x768xf32, #tpu.memory_space<hbm>> -> memref<100000x768xf32, #tpu.memory_space<hbm>>
    tpu.wait_indirect_dma semaphore(%arg13 : memref<!tpu.dma_semaphore, #tpu.memory_space<semaphore_mem>>) src(%dma_wait3A_1510 : memref<100000x768xf32, #tpu.memory_space<hbm>>) dst(%dma_wait3A_1504 : memref<16x768xf32, #tpu.memory_space<vmem>>)
    %dma_wait3A_1511 = arith.constant 2 : i32
    %dma_wait3A_1512 = arith.constant 32 : i32
    %dma_wait3A_1513 = arith.constant 0 : i32
    %dma_wait3A_1514 = tpu.memref_slice %arg8[%dma_wait3A_1512, %dma_wait3A_1513] : memref<64x768xf32, #tpu.memory_space<vmem>> -> memref<16x768xf32, #tpu.memory_space<vmem>>
    %dma_wait3A_1515 = arith.constant 112 : i32
    %dma_wait3A_1516 = tpu.memref_slice %arg6[%dma_wait3A_1511, %dma_wait3A_1515] : memref<4x128xi32, #tpu.memory_space<vmem>> -> memref<1x16xi32, #tpu.memory_space<vmem>>
    %dma_wait3A_1517 = tpu.memref_squeeze %dma_wait3A_1516 : memref<1x16xi32, #tpu.memory_space<vmem>> -> memref<16xi32, #tpu.memory_space<vmem>>
    %dma_wait3A_1518 = arith.constant 0 : i32
    %dma_wait3A_1519 = arith.constant 0 : i32
    %dma_wait3A_1520 = tpu.memref_slice %arg3[%dma_wait3A_1518, %dma_wait3A_1519] : memref<100000x768xf32, #tpu.memory_space<hbm>> -> memref<100000x768xf32, #tpu.memory_space<hbm>>
    tpu.wait_indirect_dma semaphore(%arg13 : memref<!tpu.dma_semaphore, #tpu.memory_space<semaphore_mem>>) src(%dma_wait3A_1520 : memref<100000x768xf32, #tpu.memory_space<hbm>>) dst(%dma_wait3A_1514 : memref<16x768xf32, #tpu.memory_space<vmem>>)
    %dma_wait3A_1521 = arith.constant 3 : i32
    %dma_wait3A_1522 = arith.constant 48 : i32
    %dma_wait3A_1523 = arith.constant 0 : i32
    %dma_wait3A_1524 = tpu.memref_slice %arg8[%dma_wait3A_1522, %dma_wait3A_1523] : memref<64x768xf32, #tpu.memory_space<vmem>> -> memref<16x768xf32, #tpu.memory_space<vmem>>
    %dma_wait3A_1525 = arith.constant 112 : i32
    %dma_wait3A_1526 = tpu.memref_slice %arg6[%dma_wait3A_1521, %dma_wait3A_1525] : memref<4x128xi32, #tpu.memory_space<vmem>> -> memref<1x16xi32, #tpu.memory_space<vmem>>
    %dma_wait3A_1527 = tpu.memref_squeeze %dma_wait3A_1526 : memref<1x16xi32, #tpu.memory_space<vmem>> -> memref<16xi32, #tpu.memory_space<vmem>>
    %dma_wait3A_1528 = arith.constant 0 : i32
    %dma_wait3A_1529 = arith.constant 0 : i32
    %dma_wait3A_1530 = tpu.memref_slice %arg3[%dma_wait3A_1528, %dma_wait3A_1529] : memref<100000x768xf32, #tpu.memory_space<hbm>> -> memref<100000x768xf32, #tpu.memory_space<hbm>>
    tpu.wait_indirect_dma semaphore(%arg13 : memref<!tpu.dma_semaphore, #tpu.memory_space<semaphore_mem>>) src(%dma_wait3A_1530 : memref<100000x768xf32, #tpu.memory_space<hbm>>) dst(%dma_wait3A_1524 : memref<16x768xf32, #tpu.memory_space<vmem>>)
    %dma_wait3A_1531 = tpu.memref_slice %arg4[%mul3A_1386] : memref<1572864xi32, #tpu.memory_space<hbm>> -> memref<6144xi32, #tpu.memory_space<hbm>>
    %dma_wait3A_1532 = tpu.memref_slice %arg4[%mul3A_1386] : memref<1572864xi32, #tpu.memory_space<hbm>> -> memref<6144xi32, #tpu.memory_space<hbm>>
    tpu.wait_dma2 semaphore(%arg15 : memref<!tpu.dma_semaphore, #tpu.memory_space<semaphore_mem>>) src(%dma_wait3A_1532 : memref<6144xi32, #tpu.memory_space<hbm>>) dst(%arg10 : memref<6144xi32, #tpu.memory_space<vmem>>)
    %add3A_1533 = arith.constant 112 : i32
    %add3A_1534 = arith.addi %mul3A_2, %add3A_1533 : i32
    %dma_start3A_1535 = arith.constant 0 : i32
    %dma_start3A_1536 = arith.constant 0 : i32
    %dma_start3A_1537 = arith.constant 0 : i32
    %dma_start3A_1538 = tpu.memref_slice %arg8[%dma_start3A_1536, %dma_start3A_1537] : memref<64x768xf32, #tpu.memory_space<vmem>> -> memref<16x768xf32, #tpu.memory_space<vmem>>
    %dma_start3A_1539 = arith.constant 0 : i32
    %dma_start3A_1540 = tpu.memref_slice %arg5[%dma_start3A_1535, %add3A_1534, %dma_start3A_1539] : memref<4x4096x768xf32, #tpu.memory_space<hbm>> -> memref<1x16x768xf32, #tpu.memory_space<hbm>>
    %dma_start3A_1541 = tpu.memref_squeeze %dma_start3A_1540 : memref<1x16x768xf32, #tpu.memory_space<hbm>> -> memref<16x768xf32, #tpu.memory_space<hbm>>
    %dma_start3A_1542 = arith.constant 0 : i32
    %dma_start3A_1543 = tpu.memref_slice %arg5[%dma_start3A_1535, %add3A_1534, %dma_start3A_1542] : memref<4x4096x768xf32, #tpu.memory_space<hbm>> -> memref<1x16x768xf32, #tpu.memory_space<hbm>>
    %dma_start3A_1544 = tpu.memref_squeeze %dma_start3A_1543 : memref<1x16x768xf32, #tpu.memory_space<hbm>> -> memref<16x768xf32, #tpu.memory_space<hbm>>
    %dma_start3A_1545 = arith.constant 0 : i32
    %dma_start3A_1546 = arith.constant 0 : i32
    %dma_start3A_1547 = tpu.memref_slice %arg8[%dma_start3A_1545, %dma_start3A_1546] : memref<64x768xf32, #tpu.memory_space<vmem>> -> memref<16x768xf32, #tpu.memory_space<vmem>>
    tpu.enqueue_dma source(%dma_start3A_1547 : memref<16x768xf32, #tpu.memory_space<vmem>>) target(%dma_start3A_1544 : memref<16x768xf32, #tpu.memory_space<hbm>>) target_semaphore(%arg17 : memref<!tpu.dma_semaphore, #tpu.memory_space<semaphore_mem>>)
    %add3A_1548 = arith.constant 112 : i32
    %add3A_1549 = arith.addi %mul3A_2, %add3A_1548 : i32
    %dma_start3A_1550 = arith.constant 1 : i32
    %dma_start3A_1551 = arith.constant 16 : i32
    %dma_start3A_1552 = arith.constant 0 : i32
    %dma_start3A_1553 = tpu.memref_slice %arg8[%dma_start3A_1551, %dma_start3A_1552] : memref<64x768xf32, #tpu.memory_space<vmem>> -> memref<16x768xf32, #tpu.memory_space<vmem>>
    %dma_start3A_1554 = arith.constant 0 : i32
    %dma_start3A_1555 = tpu.memref_slice %arg5[%dma_start3A_1550, %add3A_1549, %dma_start3A_1554] : memref<4x4096x768xf32, #tpu.memory_space<hbm>> -> memref<1x16x768xf32, #tpu.memory_space<hbm>>
    %dma_start3A_1556 = tpu.memref_squeeze %dma_start3A_1555 : memref<1x16x768xf32, #tpu.memory_space<hbm>> -> memref<16x768xf32, #tpu.memory_space<hbm>>
    %dma_start3A_1557 = arith.constant 0 : i32
    %dma_start3A_1558 = tpu.memref_slice %arg5[%dma_start3A_1550, %add3A_1549, %dma_start3A_1557] : memref<4x4096x768xf32, #tpu.memory_space<hbm>> -> memref<1x16x768xf32, #tpu.memory_space<hbm>>
    %dma_start3A_1559 = tpu.memref_squeeze %dma_start3A_1558 : memref<1x16x768xf32, #tpu.memory_space<hbm>> -> memref<16x768xf32, #tpu.memory_space<hbm>>
    %dma_start3A_1560 = arith.constant 16 : i32
    %dma_start3A_1561 = arith.constant 0 : i32
    %dma_start3A_1562 = tpu.memref_slice %arg8[%dma_start3A_1560, %dma_start3A_1561] : memref<64x768xf32, #tpu.memory_space<vmem>> -> memref<16x768xf32, #tpu.memory_space<vmem>>
    tpu.enqueue_dma source(%dma_start3A_1562 : memref<16x768xf32, #tpu.memory_space<vmem>>) target(%dma_start3A_1559 : memref<16x768xf32, #tpu.memory_space<hbm>>) target_semaphore(%arg17 : memref<!tpu.dma_semaphore, #tpu.memory_space<semaphore_mem>>)
    %add3A_1563 = arith.constant 112 : i32
    %add3A_1564 = arith.addi %mul3A_2, %add3A_1563 : i32
    %dma_start3A_1565 = arith.constant 2 : i32
    %dma_start3A_1566 = arith.constant 32 : i32
    %dma_start3A_1567 = arith.constant 0 : i32
    %dma_start3A_1568 = tpu.memref_slice %arg8[%dma_start3A_1566, %dma_start3A_1567] : memref<64x768xf32, #tpu.memory_space<vmem>> -> memref<16x768xf32, #tpu.memory_space<vmem>>
    %dma_start3A_1569 = arith.constant 0 : i32
    %dma_start3A_1570 = tpu.memref_slice %arg5[%dma_start3A_1565, %add3A_1564, %dma_start3A_1569] : memref<4x4096x768xf32, #tpu.memory_space<hbm>> -> memref<1x16x768xf32, #tpu.memory_space<hbm>>
    %dma_start3A_1571 = tpu.memref_squeeze %dma_start3A_1570 : memref<1x16x768xf32, #tpu.memory_space<hbm>> -> memref<16x768xf32, #tpu.memory_space<hbm>>
    %dma_start3A_1572 = arith.constant 0 : i32
    %dma_start3A_1573 = tpu.memref_slice %arg5[%dma_start3A_1565, %add3A_1564, %dma_start3A_1572] : memref<4x4096x768xf32, #tpu.memory_space<hbm>> -> memref<1x16x768xf32, #tpu.memory_space<hbm>>
    %dma_start3A_1574 = tpu.memref_squeeze %dma_start3A_1573 : memref<1x16x768xf32, #tpu.memory_space<hbm>> -> memref<16x768xf32, #tpu.memory_space<hbm>>
    %dma_start3A_1575 = arith.constant 32 : i32
    %dma_start3A_1576 = arith.constant 0 : i32
    %dma_start3A_1577 = tpu.memref_slice %arg8[%dma_start3A_1575, %dma_start3A_1576] : memref<64x768xf32, #tpu.memory_space<vmem>> -> memref<16x768xf32, #tpu.memory_space<vmem>>
    tpu.enqueue_dma source(%dma_start3A_1577 : memref<16x768xf32, #tpu.memory_space<vmem>>) target(%dma_start3A_1574 : memref<16x768xf32, #tpu.memory_space<hbm>>) target_semaphore(%arg17 : memref<!tpu.dma_semaphore, #tpu.memory_space<semaphore_mem>>)
    %add3A_1578 = arith.constant 112 : i32
    %add3A_1579 = arith.addi %mul3A_2, %add3A_1578 : i32
    %dma_start3A_1580 = arith.constant 3 : i32
    %dma_start3A_1581 = arith.constant 48 : i32
    %dma_start3A_1582 = arith.constant 0 : i32
    %dma_start3A_1583 = tpu.memref_slice %arg8[%dma_start3A_1581, %dma_start3A_1582] : memref<64x768xf32, #tpu.memory_space<vmem>> -> memref<16x768xf32, #tpu.memory_space<vmem>>
    %dma_start3A_1584 = arith.constant 0 : i32
    %dma_start3A_1585 = tpu.memref_slice %arg5[%dma_start3A_1580, %add3A_1579, %dma_start3A_1584] : memref<4x4096x768xf32, #tpu.memory_space<hbm>> -> memref<1x16x768xf32, #tpu.memory_space<hbm>>
    %dma_start3A_1586 = tpu.memref_squeeze %dma_start3A_1585 : memref<1x16x768xf32, #tpu.memory_space<hbm>> -> memref<16x768xf32, #tpu.memory_space<hbm>>
    %dma_start3A_1587 = arith.constant 0 : i32
    %dma_start3A_1588 = tpu.memref_slice %arg5[%dma_start3A_1580, %add3A_1579, %dma_start3A_1587] : memref<4x4096x768xf32, #tpu.memory_space<hbm>> -> memref<1x16x768xf32, #tpu.memory_space<hbm>>
    %dma_start3A_1589 = tpu.memref_squeeze %dma_start3A_1588 : memref<1x16x768xf32, #tpu.memory_space<hbm>> -> memref<16x768xf32, #tpu.memory_space<hbm>>
    %dma_start3A_1590 = arith.constant 48 : i32
    %dma_start3A_1591 = arith.constant 0 : i32
    %dma_start3A_1592 = tpu.memref_slice %arg8[%dma_start3A_1590, %dma_start3A_1591] : memref<64x768xf32, #tpu.memory_space<vmem>> -> memref<16x768xf32, #tpu.memory_space<vmem>>
    tpu.enqueue_dma source(%dma_start3A_1592 : memref<16x768xf32, #tpu.memory_space<vmem>>) target(%dma_start3A_1589 : memref<16x768xf32, #tpu.memory_space<hbm>>) target_semaphore(%arg17 : memref<!tpu.dma_semaphore, #tpu.memory_space<semaphore_mem>>)
    %dma_wait3A_1593 = arith.constant 0 : i32
    %dma_wait3A_1594 = arith.constant 0 : i32
    %dma_wait3A_1595 = arith.constant 0 : i32
    %dma_wait3A_1596 = tpu.memref_slice %arg7[%dma_wait3A_1594, %dma_wait3A_1595] : memref<64x768xf32, #tpu.memory_space<vmem>> -> memref<16x768xf32, #tpu.memory_space<vmem>>
    %dma_wait3A_1597 = arith.constant 0 : i32
    %dma_wait3A_1598 = tpu.memref_slice %arg5[%dma_wait3A_1593, %add3A_1432, %dma_wait3A_1597] : memref<4x4096x768xf32, #tpu.memory_space<hbm>> -> memref<1x16x768xf32, #tpu.memory_space<hbm>>
    %dma_wait3A_1599 = tpu.memref_squeeze %dma_wait3A_1598 : memref<1x16x768xf32, #tpu.memory_space<hbm>> -> memref<16x768xf32, #tpu.memory_space<hbm>>
    %dma_wait3A_1600 = arith.constant 0 : i32
    %dma_wait3A_1601 = tpu.memref_slice %arg5[%dma_wait3A_1593, %add3A_1432, %dma_wait3A_1600] : memref<4x4096x768xf32, #tpu.memory_space<hbm>> -> memref<1x16x768xf32, #tpu.memory_space<hbm>>
    %dma_wait3A_1602 = tpu.memref_squeeze %dma_wait3A_1601 : memref<1x16x768xf32, #tpu.memory_space<hbm>> -> memref<16x768xf32, #tpu.memory_space<hbm>>
    %dma_wait3A_1603 = arith.constant 0 : i32
    %dma_wait3A_1604 = arith.constant 0 : i32
    %dma_wait3A_1605 = tpu.memref_slice %arg7[%dma_wait3A_1603, %dma_wait3A_1604] : memref<64x768xf32, #tpu.memory_space<vmem>> -> memref<16x768xf32, #tpu.memory_space<vmem>>
    tpu.wait_dma2 semaphore(%arg16 : memref<!tpu.dma_semaphore, #tpu.memory_space<semaphore_mem>>) src(%dma_wait3A_1605 : memref<16x768xf32, #tpu.memory_space<vmem>>) dst(%dma_wait3A_1602 : memref<16x768xf32, #tpu.memory_space<hbm>>)
    %dma_wait3A_1606 = arith.constant 1 : i32
    %dma_wait3A_1607 = arith.constant 16 : i32
    %dma_wait3A_1608 = arith.constant 0 : i32
    %dma_wait3A_1609 = tpu.memref_slice %arg7[%dma_wait3A_1607, %dma_wait3A_1608] : memref<64x768xf32, #tpu.memory_space<vmem>> -> memref<16x768xf32, #tpu.memory_space<vmem>>
    %dma_wait3A_1610 = arith.constant 0 : i32
    %dma_wait3A_1611 = tpu.memref_slice %arg5[%dma_wait3A_1606, %add3A_1447, %dma_wait3A_1610] : memref<4x4096x768xf32, #tpu.memory_space<hbm>> -> memref<1x16x768xf32, #tpu.memory_space<hbm>>
    %dma_wait3A_1612 = tpu.memref_squeeze %dma_wait3A_1611 : memref<1x16x768xf32, #tpu.memory_space<hbm>> -> memref<16x768xf32, #tpu.memory_space<hbm>>
    %dma_wait3A_1613 = arith.constant 0 : i32
    %dma_wait3A_1614 = tpu.memref_slice %arg5[%dma_wait3A_1606, %add3A_1447, %dma_wait3A_1613] : memref<4x4096x768xf32, #tpu.memory_space<hbm>> -> memref<1x16x768xf32, #tpu.memory_space<hbm>>
    %dma_wait3A_1615 = tpu.memref_squeeze %dma_wait3A_1614 : memref<1x16x768xf32, #tpu.memory_space<hbm>> -> memref<16x768xf32, #tpu.memory_space<hbm>>
    %dma_wait3A_1616 = arith.constant 16 : i32
    %dma_wait3A_1617 = arith.constant 0 : i32
    %dma_wait3A_1618 = tpu.memref_slice %arg7[%dma_wait3A_1616, %dma_wait3A_1617] : memref<64x768xf32, #tpu.memory_space<vmem>> -> memref<16x768xf32, #tpu.memory_space<vmem>>
    tpu.wait_dma2 semaphore(%arg16 : memref<!tpu.dma_semaphore, #tpu.memory_space<semaphore_mem>>) src(%dma_wait3A_1618 : memref<16x768xf32, #tpu.memory_space<vmem>>) dst(%dma_wait3A_1615 : memref<16x768xf32, #tpu.memory_space<hbm>>)
    %dma_wait3A_1619 = arith.constant 2 : i32
    %dma_wait3A_1620 = arith.constant 32 : i32
    %dma_wait3A_1621 = arith.constant 0 : i32
    %dma_wait3A_1622 = tpu.memref_slice %arg7[%dma_wait3A_1620, %dma_wait3A_1621] : memref<64x768xf32, #tpu.memory_space<vmem>> -> memref<16x768xf32, #tpu.memory_space<vmem>>
    %dma_wait3A_1623 = arith.constant 0 : i32
    %dma_wait3A_1624 = tpu.memref_slice %arg5[%dma_wait3A_1619, %add3A_1462, %dma_wait3A_1623] : memref<4x4096x768xf32, #tpu.memory_space<hbm>> -> memref<1x16x768xf32, #tpu.memory_space<hbm>>
    %dma_wait3A_1625 = tpu.memref_squeeze %dma_wait3A_1624 : memref<1x16x768xf32, #tpu.memory_space<hbm>> -> memref<16x768xf32, #tpu.memory_space<hbm>>
    %dma_wait3A_1626 = arith.constant 0 : i32
    %dma_wait3A_1627 = tpu.memref_slice %arg5[%dma_wait3A_1619, %add3A_1462, %dma_wait3A_1626] : memref<4x4096x768xf32, #tpu.memory_space<hbm>> -> memref<1x16x768xf32, #tpu.memory_space<hbm>>
    %dma_wait3A_1628 = tpu.memref_squeeze %dma_wait3A_1627 : memref<1x16x768xf32, #tpu.memory_space<hbm>> -> memref<16x768xf32, #tpu.memory_space<hbm>>
    %dma_wait3A_1629 = arith.constant 32 : i32
    %dma_wait3A_1630 = arith.constant 0 : i32
    %dma_wait3A_1631 = tpu.memref_slice %arg7[%dma_wait3A_1629, %dma_wait3A_1630] : memref<64x768xf32, #tpu.memory_space<vmem>> -> memref<16x768xf32, #tpu.memory_space<vmem>>
    tpu.wait_dma2 semaphore(%arg16 : memref<!tpu.dma_semaphore, #tpu.memory_space<semaphore_mem>>) src(%dma_wait3A_1631 : memref<16x768xf32, #tpu.memory_space<vmem>>) dst(%dma_wait3A_1628 : memref<16x768xf32, #tpu.memory_space<hbm>>)
    %dma_wait3A_1632 = arith.constant 3 : i32
    %dma_wait3A_1633 = arith.constant 48 : i32
    %dma_wait3A_1634 = arith.constant 0 : i32
    %dma_wait3A_1635 = tpu.memref_slice %arg7[%dma_wait3A_1633, %dma_wait3A_1634] : memref<64x768xf32, #tpu.memory_space<vmem>> -> memref<16x768xf32, #tpu.memory_space<vmem>>
    %dma_wait3A_1636 = arith.constant 0 : i32
    %dma_wait3A_1637 = tpu.memref_slice %arg5[%dma_wait3A_1632, %add3A_1477, %dma_wait3A_1636] : memref<4x4096x768xf32, #tpu.memory_space<hbm>> -> memref<1x16x768xf32, #tpu.memory_space<hbm>>
    %dma_wait3A_1638 = tpu.memref_squeeze %dma_wait3A_1637 : memref<1x16x768xf32, #tpu.memory_space<hbm>> -> memref<16x768xf32, #tpu.memory_space<hbm>>
    %dma_wait3A_1639 = arith.constant 0 : i32
    %dma_wait3A_1640 = tpu.memref_slice %arg5[%dma_wait3A_1632, %add3A_1477, %dma_wait3A_1639] : memref<4x4096x768xf32, #tpu.memory_space<hbm>> -> memref<1x16x768xf32, #tpu.memory_space<hbm>>
    %dma_wait3A_1641 = tpu.memref_squeeze %dma_wait3A_1640 : memref<1x16x768xf32, #tpu.memory_space<hbm>> -> memref<16x768xf32, #tpu.memory_space<hbm>>
    %dma_wait3A_1642 = arith.constant 48 : i32
    %dma_wait3A_1643 = arith.constant 0 : i32
    %dma_wait3A_1644 = tpu.memref_slice %arg7[%dma_wait3A_1642, %dma_wait3A_1643] : memref<64x768xf32, #tpu.memory_space<vmem>> -> memref<16x768xf32, #tpu.memory_space<vmem>>
    tpu.wait_dma2 semaphore(%arg16 : memref<!tpu.dma_semaphore, #tpu.memory_space<semaphore_mem>>) src(%dma_wait3A_1644 : memref<16x768xf32, #tpu.memory_space<vmem>>) dst(%dma_wait3A_1641 : memref<16x768xf32, #tpu.memory_space<hbm>>)
    %dma_wait3A_1645 = arith.constant 0 : i32
    %dma_wait3A_1646 = arith.constant 0 : i32
    %dma_wait3A_1647 = arith.constant 0 : i32
    %dma_wait3A_1648 = tpu.memref_slice %arg8[%dma_wait3A_1646, %dma_wait3A_1647] : memref<64x768xf32, #tpu.memory_space<vmem>> -> memref<16x768xf32, #tpu.memory_space<vmem>>
    %dma_wait3A_1649 = arith.constant 0 : i32
    %dma_wait3A_1650 = tpu.memref_slice %arg5[%dma_wait3A_1645, %add3A_1534, %dma_wait3A_1649] : memref<4x4096x768xf32, #tpu.memory_space<hbm>> -> memref<1x16x768xf32, #tpu.memory_space<hbm>>
    %dma_wait3A_1651 = tpu.memref_squeeze %dma_wait3A_1650 : memref<1x16x768xf32, #tpu.memory_space<hbm>> -> memref<16x768xf32, #tpu.memory_space<hbm>>
    %dma_wait3A_1652 = arith.constant 0 : i32
    %dma_wait3A_1653 = tpu.memref_slice %arg5[%dma_wait3A_1645, %add3A_1534, %dma_wait3A_1652] : memref<4x4096x768xf32, #tpu.memory_space<hbm>> -> memref<1x16x768xf32, #tpu.memory_space<hbm>>
    %dma_wait3A_1654 = tpu.memref_squeeze %dma_wait3A_1653 : memref<1x16x768xf32, #tpu.memory_space<hbm>> -> memref<16x768xf32, #tpu.memory_space<hbm>>
    %dma_wait3A_1655 = arith.constant 0 : i32
    %dma_wait3A_1656 = arith.constant 0 : i32
    %dma_wait3A_1657 = tpu.memref_slice %arg8[%dma_wait3A_1655, %dma_wait3A_1656] : memref<64x768xf32, #tpu.memory_space<vmem>> -> memref<16x768xf32, #tpu.memory_space<vmem>>
    tpu.wait_dma2 semaphore(%arg17 : memref<!tpu.dma_semaphore, #tpu.memory_space<semaphore_mem>>) src(%dma_wait3A_1657 : memref<16x768xf32, #tpu.memory_space<vmem>>) dst(%dma_wait3A_1654 : memref<16x768xf32, #tpu.memory_space<hbm>>)
    %dma_wait3A_1658 = arith.constant 1 : i32
    %dma_wait3A_1659 = arith.constant 16 : i32
    %dma_wait3A_1660 = arith.constant 0 : i32
    %dma_wait3A_1661 = tpu.memref_slice %arg8[%dma_wait3A_1659, %dma_wait3A_1660] : memref<64x768xf32, #tpu.memory_space<vmem>> -> memref<16x768xf32, #tpu.memory_space<vmem>>
    %dma_wait3A_1662 = arith.constant 0 : i32
    %dma_wait3A_1663 = tpu.memref_slice %arg5[%dma_wait3A_1658, %add3A_1549, %dma_wait3A_1662] : memref<4x4096x768xf32, #tpu.memory_space<hbm>> -> memref<1x16x768xf32, #tpu.memory_space<hbm>>
    %dma_wait3A_1664 = tpu.memref_squeeze %dma_wait3A_1663 : memref<1x16x768xf32, #tpu.memory_space<hbm>> -> memref<16x768xf32, #tpu.memory_space<hbm>>
    %dma_wait3A_1665 = arith.constant 0 : i32
    %dma_wait3A_1666 = tpu.memref_slice %arg5[%dma_wait3A_1658, %add3A_1549, %dma_wait3A_1665] : memref<4x4096x768xf32, #tpu.memory_space<hbm>> -> memref<1x16x768xf32, #tpu.memory_space<hbm>>
    %dma_wait3A_1667 = tpu.memref_squeeze %dma_wait3A_1666 : memref<1x16x768xf32, #tpu.memory_space<hbm>> -> memref<16x768xf32, #tpu.memory_space<hbm>>
    %dma_wait3A_1668 = arith.constant 16 : i32
    %dma_wait3A_1669 = arith.constant 0 : i32
    %dma_wait3A_1670 = tpu.memref_slice %arg8[%dma_wait3A_1668, %dma_wait3A_1669] : memref<64x768xf32, #tpu.memory_space<vmem>> -> memref<16x768xf32, #tpu.memory_space<vmem>>
    tpu.wait_dma2 semaphore(%arg17 : memref<!tpu.dma_semaphore, #tpu.memory_space<semaphore_mem>>) src(%dma_wait3A_1670 : memref<16x768xf32, #tpu.memory_space<vmem>>) dst(%dma_wait3A_1667 : memref<16x768xf32, #tpu.memory_space<hbm>>)
    %dma_wait3A_1671 = arith.constant 2 : i32
    %dma_wait3A_1672 = arith.constant 32 : i32
    %dma_wait3A_1673 = arith.constant 0 : i32
    %dma_wait3A_1674 = tpu.memref_slice %arg8[%dma_wait3A_1672, %dma_wait3A_1673] : memref<64x768xf32, #tpu.memory_space<vmem>> -> memref<16x768xf32, #tpu.memory_space<vmem>>
    %dma_wait3A_1675 = arith.constant 0 : i32
    %dma_wait3A_1676 = tpu.memref_slice %arg5[%dma_wait3A_1671, %add3A_1564, %dma_wait3A_1675] : memref<4x4096x768xf32, #tpu.memory_space<hbm>> -> memref<1x16x768xf32, #tpu.memory_space<hbm>>
    %dma_wait3A_1677 = tpu.memref_squeeze %dma_wait3A_1676 : memref<1x16x768xf32, #tpu.memory_space<hbm>> -> memref<16x768xf32, #tpu.memory_space<hbm>>
    %dma_wait3A_1678 = arith.constant 0 : i32
    %dma_wait3A_1679 = tpu.memref_slice %arg5[%dma_wait3A_1671, %add3A_1564, %dma_wait3A_1678] : memref<4x4096x768xf32, #tpu.memory_space<hbm>> -> memref<1x16x768xf32, #tpu.memory_space<hbm>>
    %dma_wait3A_1680 = tpu.memref_squeeze %dma_wait3A_1679 : memref<1x16x768xf32, #tpu.memory_space<hbm>> -> memref<16x768xf32, #tpu.memory_space<hbm>>
    %dma_wait3A_1681 = arith.constant 32 : i32
    %dma_wait3A_1682 = arith.constant 0 : i32
    %dma_wait3A_1683 = tpu.memref_slice %arg8[%dma_wait3A_1681, %dma_wait3A_1682] : memref<64x768xf32, #tpu.memory_space<vmem>> -> memref<16x768xf32, #tpu.memory_space<vmem>>
    tpu.wait_dma2 semaphore(%arg17 : memref<!tpu.dma_semaphore, #tpu.memory_space<semaphore_mem>>) src(%dma_wait3A_1683 : memref<16x768xf32, #tpu.memory_space<vmem>>) dst(%dma_wait3A_1680 : memref<16x768xf32, #tpu.memory_space<hbm>>)
    %dma_wait3A_1684 = arith.constant 3 : i32
    %dma_wait3A_1685 = arith.constant 48 : i32
    %dma_wait3A_1686 = arith.constant 0 : i32
    %dma_wait3A_1687 = tpu.memref_slice %arg8[%dma_wait3A_1685, %dma_wait3A_1686] : memref<64x768xf32, #tpu.memory_space<vmem>> -> memref<16x768xf32, #tpu.memory_space<vmem>>
    %dma_wait3A_1688 = arith.constant 0 : i32
    %dma_wait3A_1689 = tpu.memref_slice %arg5[%dma_wait3A_1684, %add3A_1579, %dma_wait3A_1688] : memref<4x4096x768xf32, #tpu.memory_space<hbm>> -> memref<1x16x768xf32, #tpu.memory_space<hbm>>
    %dma_wait3A_1690 = tpu.memref_squeeze %dma_wait3A_1689 : memref<1x16x768xf32, #tpu.memory_space<hbm>> -> memref<16x768xf32, #tpu.memory_space<hbm>>
    %dma_wait3A_1691 = arith.constant 0 : i32
    %dma_wait3A_1692 = tpu.memref_slice %arg5[%dma_wait3A_1684, %add3A_1579, %dma_wait3A_1691] : memref<4x4096x768xf32, #tpu.memory_space<hbm>> -> memref<1x16x768xf32, #tpu.memory_space<hbm>>
    %dma_wait3A_1693 = tpu.memref_squeeze %dma_wait3A_1692 : memref<1x16x768xf32, #tpu.memory_space<hbm>> -> memref<16x768xf32, #tpu.memory_space<hbm>>
    %dma_wait3A_1694 = arith.constant 48 : i32
    %dma_wait3A_1695 = arith.constant 0 : i32
    %dma_wait3A_1696 = tpu.memref_slice %arg8[%dma_wait3A_1694, %dma_wait3A_1695] : memref<64x768xf32, #tpu.memory_space<vmem>> -> memref<16x768xf32, #tpu.memory_space<vmem>>
    tpu.wait_dma2 semaphore(%arg17 : memref<!tpu.dma_semaphore, #tpu.memory_space<semaphore_mem>>) src(%dma_wait3A_1696 : memref<16x768xf32, #tpu.memory_space<vmem>>) dst(%dma_wait3A_1693 : memref<16x768xf32, #tpu.memory_space<hbm>>)
    return
  }
}

</mosaic_0001>

<sc_bundles>
// kernel: kernel.3.cloned.1.call-start
scs
__scs_entry_jumppad:
0x0: {  	(pc) =	sbr.rel $0x88, $3  }
0x1: {  	(tag) =	ssettag $0x0;
	lr =	simm.s32 $0x1  }
0x2: {  	[smem:$0x3F9F] =	sst lr;
	_ =	strace $0xD0000000  }
0x3: {  	_ = 	snop  }
0x4: {  	_ = 	snop  }
0x5: {  	_ = 	snop  }
0x6: {  	_ = 	snop  }
0x7: {  	_ = 	snop  }
__scs_overlays_trampoline_lowered:
0x8: {  	[smem:$0x3FAE] =	sst s0  }
0x9: {  	[smem:$0x3FAF] =	sst s1  }
0xa: {  	[smem:$0x3FB0] =	sst s2  }
0xb: {  	[smem:$0x3FB1] =	sst s3  }
0xc: {  	[smem:$0x3FB2] =	sst s4  }
0xd: {  	[smem:$0x3FB3] =	sst s5  }
0xe: {  	[smem:$0x3FB4] =	sst s6  }
0xf: {  	[smem:$0x3FB5] =	sst s7  }
0x10: {  	[smem:$0x3FB6] =	sst s8  }
0x11: {  	[smem:$0x3FB7] =	sst s9;
	s0 =	simm.s32 @!p0 $0x0  }
0x12: {  	s1 =	sld [smem:$0x3F9D];
	s0 =	simm.s32 @p0 $0x1  }
0x13: {  	[smem:$0x3FB8] =	sst s0;
	s0 =	simm.s32 @!p1 $0x0  }
0x14: {  	s2 =	sld [smem:$0x3F9C];
	s0 =	simm.s32 @p1 $0x1  }
0x15: {  	[smem:$0x3FB9] =	sst s0;
	s0 =	simm.s32 @!p2 $0x0  }
0x16: {  	s3 =	sld [smem:$0x3FDB];
	s0 =	simm.s32 @p2 $0x1  }
0x17: {  	s4 =	simm.s32 $0x1BF5;
	[smem:$0x3FBB] =	sst s0  }
0x18: {  	s0 =	sld [smem:$0x3F9E];
	_ =	swait.ge [sflag:s4], $0x0  }
0x19: {  	s7 =	sld [smem:$0x3F9F]  }
0x1a: {  	s8 =	sadd.s32 $0xFFFFE003, lr  }
0x1b: {  	s9 =	sadd.s32 $0xFFFFFEF7, lr;
	s5 =	simm.s32 $0xFFFFFFFF;
	p2 =	slt.u32 s8, $0xFFFFF086  }
0x1c: {  	p1 =	slt.u32 s9, $0xF7A;
	s5 =	simm.s32 @!p2 $0x0  }
0x1d: {  	s5 =	simm.s32 @p1 $0x1;
	p0 =	seq.s32 s7, s2  }
0x1e: {  	s7 =	smul.u32 @!p0 $0xF7A, s2;
	p2 =	seq.s32 @!p0 s5, $0x0  }
0x1f: {  	s9 =	smul.u32 $0xF7A, s1;
	s8 =	simm.s32 @!p0 $0x1BF5;
	p2 =	por !p2, p0  }
0x20: {  	[sflag:s8] =	ssyncset.s32 @!p0 $0xFFFFF086;
	s6 =	sadd.s32 @!p0 s3, s7;
	s7 =	simm.s32 @!p0 $0x108  }
0x21: {  	s3 =	sadd.s32 s3, s9;
	s6 =	sadd.s32 @!p0 $0x88, s6;
	s7 =	simm.s32 @p2 $0x1082  }
0x22: {  	[simem:s7], [sflag:s8] =	dma.local @!p0 [hbm:s6], $0xF7A  }
0x23: {  	s9 =	sor.u32 $0xD0000000, s2;
	s6 =	simm.s32 $0x108;
	_ =	swait.ge @!p0 [sflag:s8], $0x0  }
0x24: {  	s3 =	sadd.s32 $0x88, s3;
	s6 =	simm.s32 @!p1 $0x1082;
	[sflag:s4] =	ssyncset.s32 $0xFFFFF086  }
0x25: {  	[simem:s6], [sflag:s4] =	dma.local [hbm:s3], $0xF7A  }
0x26: {  	[smem:$0x3F9F] =	sst s1;
	(tag) =	ssettag s2;
	_ =	strace s9  }
0x27: {  	s1 =	sld [smem:$0x3FAF]  }
0x28: {  	s2 =	sld [smem:$0x3FB0]  }
0x29: {  	s4 =	sld [smem:$0x3FB2]  }
0x2a: {  	p0 =	seq.s32 s5, $0x0;
	s5 =	sld [smem:$0x3FB3]  }
0x2b: {  	s6 =	sld [smem:$0x3FB4]  }
0x2c: {  	s7 =	sld [smem:$0x3FB5]  }
0x2d: {  	s3 =	simm.s32 $0x108;
	s8 =	sld [smem:$0x3FB6]  }
0x2e: {  	s3 =	simm.s32 @!p0 $0x1082;
	s9 =	sld [smem:$0x3FB7]  }
0x2f: {  	lr =	sadd.s32 s0, s3;
	s0 =	sld [smem:$0x3FAE]  }
0x30: {  	s3 =	sld [smem:$0x3FB1]  }
0x31: {  	[smem:$0x3FBA] =	sst s10  }
0x32: {  	s10 =	sld [smem:$0x3FB8];
	_ =	sdelay $0x3  }
0x33: {  	p0 =	seq.s32 s10, $0x1;
	s10 =	sld [smem:$0x3FBA];
	_ =	sdelay $0x3  }
0x34: {  	[smem:$0x3FBA] =	sst s10  }
0x35: {  	s10 =	sld [smem:$0x3FB9];
	_ =	sdelay $0x3  }
0x36: {  	p1 =	seq.s32 s10, $0x1;
	s10 =	sld [smem:$0x3FBA];
	_ =	sdelay $0x3  }
0x37: {  	[smem:$0x3FBA] =	sst s10  }
0x38: {  	s10 =	sld [smem:$0x3FBB]  }
0x39: {  	_ = 	snop;
	(pc) =	sbr.ind lr, $3  }
0x3a: {  	_ = 	snop  }
0x3b: {  	_ = 	snop  }
0x3c: {  	p2 =	seq.s32 s10, $0x1;
	s10 =	sld [smem:$0x3FBA]  }
0x3d: {  	_ =	shalt  }
0x3e: {  	_ =	shalt  }
0x3f: {  	_ =	shalt  }
0x40: {  	_ =	shalt  }
0x41: {  	_ =	shalt  }
0x42: {  	_ =	shalt  }
0x43: {  	_ =	shalt  }
0x44: {  	_ =	shalt  }
0x45: {  	_ =	shalt  }
0x46: {  	_ =	shalt  }
0x47: {  	_ =	shalt  }
0x48: {  	_ =	shalt  }
0x49: {  	_ =	shalt  }
0x4a: {  	_ =	shalt  }
0x4b: {  	_ =	shalt  }
0x4c: {  	_ =	shalt  }
0x4d: {  	_ =	shalt  }
0x4e: {  	_ =	shalt  }
0x4f: {  	_ =	shalt  }
0x50: {  	_ =	shalt  }
0x51: {  	_ =	shalt  }
0x52: {  	_ =	shalt  }
0x53: {  	_ =	shalt  }
0x54: {  	_ =	shalt  }
0x55: {  	_ =	shalt  }
0x56: {  	_ =	shalt  }
0x57: {  	_ =	shalt  }
0x58: {  	_ =	shalt  }
0x59: {  	_ =	shalt  }
0x5a: {  	_ =	shalt  }
0x5b: {  	_ =	shalt  }
0x5c: {  	_ =	shalt  }
0x5d: {  	_ =	shalt  }
0x5e: {  	_ =	shalt  }
0x5f: {  	_ =	shalt  }
0x60: {  	_ =	shalt  }
0x61: {  	_ =	shalt  }
0x62: {  	_ =	shalt  }
0x63: {  	_ =	shalt  }
0x64: {  	_ =	shalt  }
0x65: {  	_ =	shalt  }
0x66: {  	_ =	shalt  }
0x67: {  	_ =	shalt  }
0x68: {  	_ =	shalt  }
0x69: {  	_ =	shalt  }
0x6a: {  	_ =	shalt  }
0x6b: {  	_ =	shalt  }
0x6c: {  	_ =	shalt  }
0x6d: {  	_ =	shalt  }
0x6e: {  	_ =	shalt  }
0x6f: {  	_ =	shalt  }
0x70: {  	_ =	shalt  }
0x71: {  	_ =	shalt  }
0x72: {  	_ =	shalt  }
0x73: {  	_ =	shalt  }
0x74: {  	_ =	shalt  }
0x75: {  	_ =	shalt  }
0x76: {  	_ =	shalt  }
0x77: {  	_ =	shalt  }
0x78: {  	_ =	shalt  }
0x79: {  	_ =	shalt  }
0x7a: {  	_ =	shalt  }
0x7b: {  	_ =	shalt  }
0x7c: {  	_ =	shalt  }
0x7d: {  	_ =	shalt  }
0x7e: {  	_ =	shalt  }
0x7f: {  	_ =	shalt  }
0x80: {  	_ =	shalt  }
0x81: {  	_ =	shalt  }
0x82: {  	_ =	shalt  }
0x83: {  	_ =	shalt  }
0x84: {  	_ =	shalt  }
0x85: {  	_ =	shalt  }
0x86: {  	_ =	shalt  }
0x87: {  	_ =	shalt  }
.Lfunc_end0:
.L_simem_size_0:
called_computation_lowered:
.L_overlay_start_0:
0x88: {  	s2 =	sld [smem:$0x3FD9]  }
0x89: {  	s3 =	sld [smem:$0x3FFE];
	_ =	sdelay $0x1  }
0x8a: {  	s1 =	srdreg.scid  }
0x8b: {  	s0 =	sand.u32 $0x1, s1  }
0x8c: {  	s17 =	sshll.u32 s0, $0xA;
	s2 =	sadd.s32 s3, s2  }
0x8d: {  	s2 =	sadd.s32 s2, s17  }
0x8e: {  	[smem:$0x3FC6] =	sst s2  }
0x8f: {  	_ = 	snop  }
0x90: {  	s2 =	sld [smem:$0x3FC9]  }
0x91: {  	s18 =	sld [smem:$0x3FC8]  }
0x92: {  	s4 =	sld [smem:$0x3FD0];
	(tm) =	ssettm $0x1  }
0x93: {  	s5 =	sld [smem:$0x3FFB];
	_ =	sdelay $0x3  }
0x94: {  	_ =	strace s5  }
0x95: {  	s5 =	sld [smem:$0x3FFC];
	_ =	sdelay $0x3  }
0x96: {  	_ =	strace s5  }
0x97: {  	s5 =	sld [smem:$0x3FFD];
	_ =	sdelay $0x3  }
0x98: {  	_ =	strace s5  }
0x99: {  	_ =	strace $0x8FFFFFFF  }
0x9a: {  	s19 =	sld [smem:$0x3FDB];
	_ =	sdelay $0x1  }
0x9b: {  	s6 =	simm.s32 $_scs_section_size  }
0x9c: {  	s7 =	simm.s32 $_size__tile_overlayer_lowered;
	s8 =	simm.s32 $_tile_overlayer_lowered  }
0x9d: {  	s22 =	simm.s32 $0x1BFF;
	s21 =	sshll.u32 s8, $0x1;
	s5 =	sadd.s32 s6, s19  }
0x9e: {  	s9 =	simm.s32 $0x0;
	s20 =	sshll.u32 s7, $0x1;
	s7 =	sadd.s32 s21, s5  }
0x9f: {  	[timem:s9], [sflag:s22] =	dma.local [hbm:s7], s20  }
0xa0: {  	_ =	swait.ge [sflag:s22], s20  }
0xa1: {  	s6 =	ssub.s32 $0x0, s20;
	[sflag:s22] =	ssyncset.done $0x0  }
0xa2: {  	[sflag:s22] =	ssyncadd.s32 s6;
	_ =	sdelay $0x1  }
0xa3: {  	s23 =	simm.s32 $0x1B8B  }
0xa4: {  	_ =	swait.ge [sflag:s23], $0x1  }
0xa5: {  	[sflag:s23] =	ssyncset.done $0x0  }
0xa6: {  	s25 =	simm.s32 $0x1B8E;
	s24 =	sld [smem:$0x3FFE];
	[sflag:s23] =	ssyncadd.s32 $0xFFFFFFFF  }
0xa7: {  	s26 =	simm.s32 $execute0_lowered;
	[smem:$0x3FD2] =	sst s25  }
0xa8: {  	s7 =	sshll.u32 s26, $0x1;
	_ =	strace $0x80000046;
	[dreg:$0x1] =	wrdreg $0xFFFFFFFF  }
0xa9: {  	s28 =	simm.s32 $_size_execute0_lowered;
	s5 =	sadd.s32 s5, s7;
	[dreg:$0x0] =	wrdreg $0x0  }
0xaa: {  	s7 =	sshll.u32 s28, $0x1;
	[dreg:$0x2] =	wrdreg s5  }
0xab: {  	[dreg:$0x3] =	wrdreg s7  }
0xac: {  	[dreg:$0x4] =	wrdreg $0xC0  }
0xad: {  	_ =	task [dreg:s9], $0x5FFFF  }
0xae: {  	[dreg:$0x1] =	wrdreg $0xFFFFFFFF  }
0xaf: {  	[dreg:$0x0] =	wrdreg $0x60  }
0xb0: {  	[dreg:$0x2] =	wrdreg s2  }
0xb1: {  	[dreg:$0x3] =	wrdreg s18  }
0xb2: {  	[dreg:$0x4] =	wrdreg s24  }
0xb3: {  	[dreg:$0x5] =	wrdreg s4  }
0xb4: {  	[dreg:$0x6] =	wrdreg $0x9  }
0xb5: {  	_ =	task.clear_ibuf [dreg:s9], $0x7FFFF;
	_ =	strace $0x90000046  }
0xb6: {  	s29 =	simm.s32 $0x9;
	_ =	strace $0x80000048  }
0xb7: {  	_ =	swait.ge [sflag:s29], $0x1  }
0xb8: {  	[sflag:s29] =	ssyncadd.s32 $0xFFFFFFFF  }
0xb9: {  	_ =	strace $0x90000048  }
0xba: {  	_ =	sfence  }
0xbb: {  	s30 =	sld [smem:$0x0];
	_ =	sdelay $0x2  }
0xbc: {  	s31 =	sshll.u32 s1, $0xD;
	s1 =	sshrl.u32 s1, $0x2  }
0xbd: {  	s3 =	sand.u32 $0x4000, s31;
	s1 =	sadd.s32 s1, s30  }
0xbe: {  	s0 =	sor.u32 s3, s0;
	s1 =	sshll.u32 s1, $0x11  }
0xbf: {  	s0 =	sor.u32 s1, s0  }
0xc0: {  	s0 =	sadd.s32 $0x8F2B, s0  }
0xc1: {  	[sflag:s0] =	ssyncadd.remote.s32 $0x1  }
0xc2: {  	_ =	sfence.sel $0xFFFF  }
0xc3: {  	[dreg:$0x0] =	wrdreg $0xFFFFFFFF;
	(pc) =	sbr.abs _section_cstart, $3  }
0xc4: {  	[dreg:$0x1] =	wrdreg $0xFFFFFFFF  }
0xc5: {  	_ =	task.clear_ibuf [dreg:s9], $0x2FFFF;
	_ =	strace $0x9FFFFFFF  }
0xc6: {  	(tm) =	ssettm $0x7FFFFFFF  }
0xc7: {  	_ =	shalt  }
tec
execute0_lowered:
.L_overlay_start_1:
0x0: {  	(tag) =	ssettag $0x1  }
0x1: {  	s6 =	rddreg [dreg:$0x0]  }
0x2: {  	s1 =	rddreg [dreg:$0x1]  }
0x3: {  	s4 =	rddreg [dreg:$0x2]  }
0x4: {  	s2 =	rddreg [dreg:$0x3];
	s0 =	srdreg.scid  }
0x5: {  	s3 =	simm.s32 $0x0;
	s7 =	stileid.u32;
	s28 =	simm.s32 $0x6  }
0x6: {  	s29 =	simm.s32 $0x3;
	s31 =	simm.s32 $0x5;
	s0 =	sand.u32 $0x1, s0  }
0x7: {  	s30 =	simm.s32 $0x3200;
	[smem:$0x7FF] =	sst s3;
	s5 =	sshll.u32 s0, $0x4  }
0x8: {  	s4 =	sadd.s32 $0x400, s4;
	_ =	strace $0x80000047;
	s7 =	sor.u32 s7, s5  }
0x9: {  	s0 =	ssub.s32 $0x2, s0;
	s8 =	sshll.u32 s7, $0x6;
	s22 =	smul.u32 $0x1800, s7  }
0xa: {  	s5 =	sshll.u32 s7, $0x7;
	s7 =	smul.u32 $0x18000, s7;
	s11 =	sadd.s32 s6, s8  }
0xb: {  	s9 =	sor.u32 $0x10, s5;
	s18 =	sor.u32 $0x30, s5;
	s6 =	sadd.s32 $0x10, s11  }
0xc: {  	s23 =	sadd.s32 $0x20, s11;
	s10 =	smul.u32 $0x30, s9;
	[smem:$0x7EA] =	sst s11  }
0xd: {  	s24 =	sadd.s32 $0x30, s11;
	s25 =	sadd.s32 s4, s22;
	[dreg:$0x5] =	wrdreg s6  }
0xe: {  	s7 =	sshrl.u32 s7, $0x3;
	s11 =	sor.u32 $0x20, s5;
	[dreg:$0x6] =	wrdreg s23  }
0xf: {  	s9 =	sshrl.u32 s9, $0x3;
	s19 =	smul.u32 $0x30, s18;
	[dreg:$0x7] =	wrdreg s24  }
0x10: {  	[dreg:$0x8] =	wrdreg s25;
	s8 =	sadd.s32 s2, s7;
	s12 =	smul.u32 $0x30, s11  }
0x11: {  	s9 =	smul.u32 $0x1800, s9;
	s26 =	sadd.s32 s4, s10;
	[smem:$0x7EB] =	sst s8  }
0x12: {  	s6 =	sshrl.u32 s11, $0x3;
	s7 =	sadd.s32 $0x60000, s8;
	[dreg:$0x9] =	wrdreg s26  }
0x13: {  	s24 =	sor.u32 $0x40, s5;
	s13 =	sadd.s32 $0xC0000, s8;
	[dreg:$0xa] =	wrdreg s7  }
0x14: {  	s14 =	sadd.s32 $0x120000, s8;
	s6 =	smul.u32 $0x1800, s6;
	[dreg:$0xb] =	wrdreg s13  }
0x15: {  	s22 =	sadd.s32 s4, s19;
	s10 =	simm.s32 $0x12200;
	[dreg:$0xc] =	wrdreg s14  }
0x16: {  	s15 =	sadd.s32 s4, s12;
	s16 =	sshrl.u32 s9, $0x3;
	[dreg:$0x11] =	wrdreg s22  }
0x17: {  	s26 =	smul.u32 $0x30, s24;
	[dreg:$0xd] =	wrdreg s15;
	s17 =	sadd.s32 s2, s16  }
0x18: {  	s7 =	sshrl.u32 s18, $0x3;
	s8 =	sadd.s32 $0x60000, s17;
	[smem:$0x7EC] =	sst s17  }
0x19: {  	s6 =	sshrl.u32 s6, $0x3;
	s20 =	sadd.s32 $0xC0000, s17;
	[dreg:$0xe] =	wrdreg s8  }
0x1a: {  	s7 =	smul.u32 $0x1800, s7;
	s21 =	sadd.s32 $0x120000, s17;
	[dreg:$0xf] =	wrdreg s20  }
0x1b: {  	s15 =	sor.u32 $0x50, s5;
	s23 =	sadd.s32 s2, s6;
	[dreg:$0x10] =	wrdreg s21  }
0x1c: {  	s13 =	sadd.s32 s4, s26;
	s17 =	smul.u32 $0x30, s15;
	[smem:$0x7ED] =	sst s23  }
0x1d: {  	s6 =	sshrl.u32 s24, $0x3;
	s25 =	sadd.s32 $0x60000, s23;
	[dreg:$0x15] =	wrdreg s13  }
0x1e: {  	s22 =	sshrl.u32 s15, $0x3;
	s11 =	sadd.s32 $0xC0000, s23;
	[dreg:$0x12] =	wrdreg s25  }
0x1f: {  	s12 =	sadd.s32 $0x120000, s23;
	s7 =	sshrl.u32 s7, $0x3;
	[dreg:$0x13] =	wrdreg s11  }
0x20: {  	s24 =	sor.u32 $0x60, s5;
	[dreg:$0x14] =	wrdreg s12;
	s14 =	sadd.s32 s2, s7  }
0x21: {  	s5 =	sor.u32 $0x70, s5;
	s20 =	sadd.s32 s4, s17;
	[smem:$0x7EE] =	sst s14  }
0x22: {  	s6 =	smul.u32 $0x1800, s6;
	s16 =	sadd.s32 $0x60000, s14;
	[dreg:$0x19] =	wrdreg s20  }
0x23: {  	s26 =	smul.u32 $0x30, s24;
	s18 =	sadd.s32 $0xC0000, s14;
	[dreg:$0x16] =	wrdreg s16  }
0x24: {  	s17 =	smul.u32 $0x30, s5;
	s19 =	sadd.s32 $0x120000, s14;
	[dreg:$0x17] =	wrdreg s18  }
0x25: {  	s5 =	sshrl.u32 s5, $0x3;
	s12 =	sadd.s32 s4, s26;
	[dreg:$0x18] =	wrdreg s19  }
0x26: {  	s14 =	sshrl.u32 s24, $0x3;
	s24 =	simm.s32 $0x80;
	[dreg:$0x1d] =	wrdreg s12  }
0x27: {  	s6 =	sshrl.u32 s6, $0x3;
	s26 =	simm.s32 $0x180;
	[smem:$0x7FB] =	sst s24  }
0x28: {  	s5 =	smul.u32 $0x1800, s5;
	s21 =	sadd.s32 s2, s6;
	[smem:$0x7FD] =	sst s26  }
0x29: {  	s6 =	smul.u32 $0x1800, s22;
	s4 =	sadd.s32 s4, s17;
	[smem:$0x7EF] =	sst s21  }
0x2a: {  	s24 =	simm.s32 $0x2;
	s23 =	sadd.s32 $0x60000, s21;
	[smem:$0x7F2] =	sst s4  }
0x2b: {  	s26 =	simm.s32 $0x4;
	s25 =	sadd.s32 $0xC0000, s21;
	[dreg:$0x1a] =	wrdreg s23  }
0x2c: {  	s11 =	sadd.s32 $0x120000, s21;
	s5 =	sshrl.u32 s5, $0x3;
	[dreg:$0x1b] =	wrdreg s25  }
0x2d: {  	s6 =	sshrl.u32 s6, $0x3;
	[dreg:$0x1c] =	wrdreg s11;
	s5 =	sadd.s32 s2, s5  }
0x2e: {  	s23 =	sshrl.u32 s0, $0x1;
	s25 =	simm.s32 $0x100;
	[smem:$0x7F9] =	sst s5  }
0x2f: {  	s13 =	sadd.s32 s2, s6;
	s21 =	sadd.s32 $0xC0000, s5;
	[smem:$0x7FC] =	sst s25  }
0x30: {  	s22 =	sadd.s32 $0x120000, s5;
	s0 =	ssub.s32 s0, s23;
	[smem:$0x7F0] =	sst s13  }
0x31: {  	s23 =	simm.s32 $0x200;
	s6 =	sadd.s32 $0x60000, s13;
	[smem:$0x7F8] =	sst s21  }
0x32: {  	s25 =	simm.s32 $0xC200;
	[dreg:$0x1e] =	wrdreg s6;
	s6 =	smul.u32 $0x1800, s14  }
0x33: {  	s15 =	sadd.s32 $0xC0000, s13;
	s16 =	sadd.s32 $0x120000, s13;
	[smem:$0x7FA] =	sst s22  }
0x34: {  	s13 =	sadd.s32 $0x100, s1;
	[dreg:$0x1f] =	wrdreg s15;
	s6 =	sshrl.u32 s6, $0x3  }
0x35: {  	[smem:$0x7F1] =	sst s16;
	s14 =	sadd.s32 $0x200, s1;
	s6 =	sadd.s32 s2, s6  }
0x36: {  	s15 =	smax.u32 s0, $0x1;
	s2 =	sadd.s32 $0x60000, s5;
	[smem:$0x7F5] =	sst s6  }
0x37: {  	s16 =	simm.s32 $0x1;
	s18 =	sadd.s32 $0x60000, s6;
	[smem:$0x7F7] =	sst s2  }
0x38: {  	v2 =	vlaneseq.u32;
	s0 =	simm.s32 $0x7;
	s19 =	sadd.s32 $0xC0000, s6;
	[smem:$0x7F3] =	sst s18  }
0x39: {  	vm0 =	vmmov $0xffff;
	v1 =	vshrl.u32 v2, $0x3;
	s20 =	sadd.s32 $0x120000, s6;
	s6 =	simm.s32 $0xF200;
	[smem:$0x7F4] =	sst s19  }
0x3a: {  	v0 =	vand.u32 $0x7, v2;
	v2 =	vor.u32 $0x8, v2;
	v1 =	vmul.u32 $0x8, v1;
	s2 =	simm.s32 $0x15200;
	[smem:$0x7F6] =	sst s20;
	s18 =	simm.s32 $0x9200  }
.LBB2_1:
0x3b: {  	s4 =	rddreg [dreg:$0x5]  }
0x3c: {  	s7 =	sld [smem:$0x7EA]  }
0x3d: {  	s5 =	sld [smem:$0x7FB]  }
0x3e: {  	s20 =	rddreg [dreg:$0x6]  }
0x3f: {  	[tilespmem:s3], [sflag:$0x1] =	stream.linear.gather [hbm4b:s7+s3], $0x80, $0x38;
	[tilespmem:$0x1B200] =	vst v63  }
0x40: {  	s21 =	sld [smem:$0x7FC]  }
0x41: {  	[tilespmem:s5], [sflag:$0x1] =	stream.linear.gather [hbm4b:s4+s3], $0x80, $0x38;
	[tilespmem:$0x1B200] =	vst v63  }
0x42: {  	s8 =	sld [smem:$0x7FD]  }
0x43: {  	[tilespmem:s21], [sflag:$0x1] =	stream.linear.gather [hbm4b:s20+s3], $0x80, $0x38;
	[tilespmem:$0x1B200] =	vst v63  }
0x44: {  	s22 =	rddreg [dreg:$0x7]  }
0x45: {  	[tilespmem:s8], [sflag:$0x1] =	stream.linear.gather [hbm4b:s22+s3], $0x80, $0x38;
	[tilespmem:$0x1B200] =	vst v63  }
0x46: {  	_ =	swait.ge [sflag:s16], $0x80  }
0x47: {  	[sflag:s16] =	ssyncset.done $0x0  }
0x48: {  	[sflag:s16] =	ssyncadd.s32 $0xFFFFFF80  }
0x49: {  	_ =	swait.ge [sflag:s16], $0x80  }
0x4a: {  	[sflag:s16] =	ssyncset.done $0x0  }
0x4b: {  	[sflag:s16] =	ssyncadd.s32 $0xFFFFFF80  }
0x4c: {  	_ =	swait.ge [sflag:s16], $0x80  }
0x4d: {  	[sflag:s16] =	ssyncset.done $0x0  }
0x4e: {  	[sflag:s16] =	ssyncadd.s32 $0xFFFFFF80  }
0x4f: {  	_ =	swait.ge [sflag:s16], $0x80  }
0x50: {  	[sflag:s16] =	ssyncset.done $0x0  }
0x51: {  	[sflag:s16] =	ssyncadd.s32 $0xFFFFFF80  }
0x52: {  	v3 =	vld [tilespmem:$0x0];
	_ =	sdelay $0x4  }
0x53: {  	v4 =	vshrl.u32 v3, $0x3  }
0x54: {  	v4 =	vmul.u32 $0x30, v4  }
0x55: {  	v3 =	vand.u32 $0x7, v3  }
0x56: {  	v3 =	vor.u32 v3, v4  }
0x57: {  	v4 =	vperm.xlane v3, v0;
	_ =	sdelay $0x1  }
0x58: {  	v4 =	vadd.s32 v1, v4;
	_ =	sdelay $0x3  }
0x59: {  	v3 =	vperm.xlane v3, v2  }
0x5a: {  	[tilespmem:s23], [sflag:$0x2] =	stream.indirect_vreg.gather [hbm4b:s1+s3], $0x80, v4, vm0, $0xb8;
	[tilespmem:$0x1B200] =	vst v63  }
0x5b: {  	s5 =	simm.s32 $0xA00;
	v3 =	vadd.s32 v1, v3  }
0x5c: {  	[tilespmem:s5], [sflag:$0x2] =	stream.indirect_vreg.gather [hbm4b:s13+s3], $0x80, v4, vm0, $0xb8;
	[tilespmem:$0x1B200] =	vst v63  }
0x5d: {  	s7 =	simm.s32 $0x1200  }
0x5e: {  	[tilespmem:s7], [sflag:$0x2] =	stream.indirect_vreg.gather [hbm4b:s14+s3], $0x80, v4, vm0, $0xb8;
	[tilespmem:$0x1B200] =	vst v63  }
0x5f: {  	s8 =	simm.s32 $0x1A00  }
0x60: {  	[tilespmem:s8], [sflag:$0x2] =	stream.indirect_vreg.gather [hbm4b:s1+s3], $0x80, v3, vm0, $0xb8;
	[tilespmem:$0x1B200] =	vst v63  }
0x61: {  	s9 =	simm.s32 $0x2200  }
0x62: {  	[tilespmem:s9], [sflag:$0x2] =	stream.indirect_vreg.gather [hbm4b:s13+s3], $0x80, v3, vm0, $0xb8;
	[tilespmem:$0x1B200] =	vst v63  }
0x63: {  	s11 =	simm.s32 $0x2A00  }
0x64: {  	[tilespmem:s11], [sflag:$0x2] =	stream.indirect_vreg.gather [hbm4b:s14+s3], $0x80, v3, vm0, $0xb8;
	[tilespmem:$0x1B200] =	vst v63  }
0x65: {  	v3 =	vld [tilespmem:$0x80];
	_ =	sdelay $0x4  }
0x66: {  	v33 =	vshrl.u32 v3, $0x3  }
0x67: {  	v4 =	vmul.u32 $0x30, v33  }
0x68: {  	v3 =	vand.u32 $0x7, v3  }
0x69: {  	v3 =	vor.u32 v3, v4  }
0x6a: {  	v4 =	vperm.xlane v3, v0;
	_ =	sdelay $0x1  }
0x6b: {  	v4 =	vadd.s32 v1, v4;
	_ =	sdelay $0x3  }
0x6c: {  	v3 =	vperm.xlane v3, v2  }
0x6d: {  	[tilespmem:s30], [sflag:$0x2] =	stream.indirect_vreg.gather [hbm4b:s1+s3], $0x80, v4, vm0, $0xb8;
	[tilespmem:$0x1B200] =	vst v63  }
0x6e: {  	s12 =	simm.s32 $0x3A00;
	v3 =	vadd.s32 v1, v3  }
0x6f: {  	[tilespmem:s12], [sflag:$0x2] =	stream.indirect_vreg.gather [hbm4b:s13+s3], $0x80, v4, vm0, $0xb8;
	[tilespmem:$0x1B200] =	vst v63  }
0x70: {  	s17 =	simm.s32 $0x4200  }
0x71: {  	[tilespmem:s17], [sflag:$0x2] =	stream.indirect_vreg.gather [hbm4b:s14+s3], $0x80, v4, vm0, $0xb8;
	[tilespmem:$0x1B200] =	vst v63  }
0x72: {  	s5 =	simm.s32 $0x4A00  }
0x73: {  	[tilespmem:s5], [sflag:$0x2] =	stream.indirect_vreg.gather [hbm4b:s1+s3], $0x80, v3, vm0, $0xb8;
	[tilespmem:$0x1B200] =	vst v63  }
0x74: {  	s7 =	simm.s32 $0x5200  }
0x75: {  	[tilespmem:s7], [sflag:$0x2] =	stream.indirect_vreg.gather [hbm4b:s13+s3], $0x80, v3, vm0, $0xb8;
	[tilespmem:$0x1B200] =	vst v63  }
0x76: {  	s9 =	simm.s32 $0x5A00  }
0x77: {  	[tilespmem:s9], [sflag:$0x2] =	stream.indirect_vreg.gather [hbm4b:s14+s3], $0x80, v3, vm0, $0xb8;
	[tilespmem:$0x1B200] =	vst v63  }
0x78: {  	v3 =	vld [tilespmem:$0x100];
	_ =	sdelay $0x4  }
0x79: {  	v34 =	vshrl.u32 v3, $0x3  }
0x7a: {  	v4 =	vmul.u32 $0x30, v34  }
0x7b: {  	v3 =	vand.u32 $0x7, v3  }
0x7c: {  	v3 =	vor.u32 v3, v4  }
0x7d: {  	v4 =	vperm.xlane v3, v0;
	_ =	sdelay $0x1  }
0x7e: {  	v4 =	vadd.s32 v1, v4;
	_ =	sdelay $0x3  }
0x7f: {  	s7 =	simm.s32 $0x6200;
	v3 =	vperm.xlane v3, v2  }
0x80: {  	[tilespmem:s7], [sflag:$0x2] =	stream.indirect_vreg.gather [hbm4b:s1+s3], $0x80, v4, vm0, $0xb8;
	[tilespmem:$0x1B200] =	vst v63  }
0x81: {  	s11 =	simm.s32 $0x6A00;
	v3 =	vadd.s32 v1, v3  }
0x82: {  	[tilespmem:s11], [sflag:$0x2] =	stream.indirect_vreg.gather [hbm4b:s13+s3], $0x80, v4, vm0, $0xb8;
	[tilespmem:$0x1B200] =	vst v63  }
0x83: {  	s12 =	simm.s32 $0x7200  }
0x84: {  	[tilespmem:s12], [sflag:$0x2] =	stream.indirect_vreg.gather [hbm4b:s14+s3], $0x80, v4, vm0, $0xb8;
	[tilespmem:$0x1B200] =	vst v63  }
0x85: {  	s17 =	simm.s32 $0x7A00  }
0x86: {  	[tilespmem:s17], [sflag:$0x2] =	stream.indirect_vreg.gather [hbm4b:s1+s3], $0x80, v3, vm0, $0xb8;
	[tilespmem:$0x1B200] =	vst v63  }
0x87: {  	s5 =	simm.s32 $0x8200  }
0x88: {  	[tilespmem:s5], [sflag:$0x2] =	stream.indirect_vreg.gather [hbm4b:s13+s3], $0x80, v3, vm0, $0xb8;
	[tilespmem:$0x1B200] =	vst v63  }
0x89: {  	s11 =	simm.s32 $0x8A00  }
0x8a: {  	[tilespmem:s11], [sflag:$0x2] =	stream.indirect_vreg.gather [hbm4b:s14+s3], $0x80, v3, vm0, $0xb8;
	[tilespmem:$0x1B200] =	vst v63  }
0x8b: {  	v3 =	vld [tilespmem:$0x180];
	_ =	sdelay $0x4  }
0x8c: {  	v35 =	vshrl.u32 v3, $0x3  }
0x8d: {  	v4 =	vmul.u32 $0x30, v35  }
0x8e: {  	v3 =	vand.u32 $0x7, v3  }
0x8f: {  	v3 =	vor.u32 v3, v4  }
0x90: {  	v4 =	vperm.xlane v3, v0;
	_ =	sdelay $0x1  }
0x91: {  	v4 =	vadd.s32 v1, v4;
	_ =	sdelay $0x3  }
0x92: {  	v3 =	vperm.xlane v3, v2  }
0x93: {  	[tilespmem:s18], [sflag:$0x2] =	stream.indirect_vreg.gather [hbm4b:s1+s3], $0x80, v4, vm0, $0xb8;
	[tilespmem:$0x1B200] =	vst v63  }
0x94: {  	s12 =	simm.s32 $0x9A00;
	v3 =	vadd.s32 v1, v3  }
0x95: {  	[tilespmem:s12], [sflag:$0x2] =	stream.indirect_vreg.gather [hbm4b:s13+s3], $0x80, v4, vm0, $0xb8;
	[tilespmem:$0x1B200] =	vst v63  }
0x96: {  	s17 =	simm.s32 $0xA200  }
0x97: {  	[tilespmem:s17], [sflag:$0x2] =	stream.indirect_vreg.gather [hbm4b:s14+s3], $0x80, v4, vm0, $0xb8;
	[tilespmem:$0x1B200] =	vst v63  }
0x98: {  	s5 =	simm.s32 $0xAA00  }
0x99: {  	[tilespmem:s5], [sflag:$0x2] =	stream.indirect_vreg.gather [hbm4b:s1+s3], $0x80, v3, vm0, $0xb8;
	[tilespmem:$0x1B200] =	vst v63  }
0x9a: {  	s12 =	simm.s32 $0xB200  }
0x9b: {  	[tilespmem:s12], [sflag:$0x2] =	stream.indirect_vreg.gather [hbm4b:s13+s3], $0x80, v3, vm0, $0xb8;
	[tilespmem:$0x1B200] =	vst v63  }
0x9c: {  	s17 =	simm.s32 $0xBA00  }
0x9d: {  	[tilespmem:s17], [sflag:$0x2] =	stream.indirect_vreg.gather [hbm4b:s14+s3], $0x80, v3, vm0, $0xb8;
	[tilespmem:$0x1B200] =	vst v63  }
0x9e: {  	s4 =	rddreg [dreg:$0x8];
	s17 =	simm.s32 $0x18200  }
0x9f: {  	[tilespmem:s17], [sflag:$0x4] =	stream.linear.gather [hbm4b:s4+s3], $0x1800, $0x38;
	[tilespmem:$0x1B200] =	vst v63  }
0xa0: {  	v3 =	vld [tilespmem:$0x10];
	_ =	sdelay $0x4  }
0xa1: {  	v36 =	vshrl.u32 v3, $0x3  }
0xa2: {  	v4 =	vmul.u32 $0x30, v36  }
0xa3: {  	v3 =	vand.u32 $0x7, v3  }
0xa4: {  	v3 =	vor.u32 v3, v4  }
0xa5: {  	v4 =	vperm.xlane v3, v0;
	_ =	sdelay $0x1  }
0xa6: {  	v4 =	vadd.s32 v1, v4;
	_ =	sdelay $0x3  }
0xa7: {  	v3 =	vperm.xlane v3, v2  }
0xa8: {  	[tilespmem:s25], [sflag:$0x3] =	stream.indirect_vreg.gather [hbm4b:s1+s3], $0x80, v4, vm0, $0xb8;
	[tilespmem:$0x1B200] =	vst v63  }
0xa9: {  	s5 =	simm.s32 $0xCA00;
	v3 =	vadd.s32 v1, v3  }
0xaa: {  	[tilespmem:s5], [sflag:$0x3] =	stream.indirect_vreg.gather [hbm4b:s13+s3], $0x80, v4, vm0, $0xb8;
	[tilespmem:$0x1B200] =	vst v63  }
0xab: {  	s5 =	simm.s32 $0xD200  }
0xac: {  	[tilespmem:s5], [sflag:$0x3] =	stream.indirect_vreg.gather [hbm4b:s14+s3], $0x80, v4, vm0, $0xb8;
	[tilespmem:$0x1B200] =	vst v63  }
0xad: {  	s5 =	simm.s32 $0xDA00  }
0xae: {  	[tilespmem:s5], [sflag:$0x3] =	stream.indirect_vreg.gather [hbm4b:s1+s3], $0x80, v3, vm0, $0xb8;
	[tilespmem:$0x1B200] =	vst v63  }
0xaf: {  	s5 =	simm.s32 $0xE200  }
0xb0: {  	[tilespmem:s5], [sflag:$0x3] =	stream.indirect_vreg.gather [hbm4b:s13+s3], $0x80, v3, vm0, $0xb8;
	[tilespmem:$0x1B200] =	vst v63  }
0xb1: {  	s5 =	simm.s32 $0xEA00  }
0xb2: {  	[tilespmem:s5], [sflag:$0x3] =	stream.indirect_vreg.gather [hbm4b:s14+s3], $0x80, v3, vm0, $0xb8;
	[tilespmem:$0x1B200] =	vst v63  }
0xb3: {  	v3 =	vld [tilespmem:$0x90];
	_ =	sdelay $0x4  }
0xb4: {  	v37 =	vshrl.u32 v3, $0x3  }
0xb5: {  	v4 =	vmul.u32 $0x30, v37  }
0xb6: {  	v3 =	vand.u32 $0x7, v3  }
0xb7: {  	v3 =	vor.u32 v3, v4  }
0xb8: {  	v4 =	vperm.xlane v3, v0;
	_ =	sdelay $0x1  }
0xb9: {  	v4 =	vadd.s32 v1, v4;
	_ =	sdelay $0x3  }
0xba: {  	v3 =	vperm.xlane v3, v2  }
0xbb: {  	[tilespmem:s6], [sflag:$0x3] =	stream.indirect_vreg.gather [hbm4b:s1+s3], $0x80, v4, vm0, $0xb8;
	[tilespmem:$0x1B200] =	vst v63  }
0xbc: {  	s5 =	simm.s32 $0xFA00;
	v3 =	vadd.s32 v1, v3  }
0xbd: {  	[tilespmem:s5], [sflag:$0x3] =	stream.indirect_vreg.gather [hbm4b:s13+s3], $0x80, v4, vm0, $0xb8;
	[tilespmem:$0x1B200] =	vst v63  }
0xbe: {  	s5 =	simm.s32 $0x10200  }
0xbf: {  	[tilespmem:s5], [sflag:$0x3] =	stream.indirect_vreg.gather [hbm4b:s14+s3], $0x80, v4, vm0, $0xb8;
	[tilespmem:$0x1B200] =	vst v63  }
0xc0: {  	s5 =	simm.s32 $0x10A00  }
0xc1: {  	[tilespmem:s5], [sflag:$0x3] =	stream.indirect_vreg.gather [hbm4b:s1+s3], $0x80, v3, vm0, $0xb8;
	[tilespmem:$0x1B200] =	vst v63  }
0xc2: {  	s5 =	simm.s32 $0x11200  }
0xc3: {  	[tilespmem:s5], [sflag:$0x3] =	stream.indirect_vreg.gather [hbm4b:s13+s3], $0x80, v3, vm0, $0xb8;
	[tilespmem:$0x1B200] =	vst v63  }
0xc4: {  	s5 =	simm.s32 $0x11A00  }
0xc5: {  	[tilespmem:s5], [sflag:$0x3] =	stream.indirect_vreg.gather [hbm4b:s14+s3], $0x80, v3, vm0, $0xb8;
	[tilespmem:$0x1B200] =	vst v63  }
0xc6: {  	v3 =	vld [tilespmem:$0x110];
	_ =	sdelay $0x4  }
0xc7: {  	v38 =	vshrl.u32 v3, $0x3  }
0xc8: {  	v4 =	vmul.u32 $0x30, v38  }
0xc9: {  	v3 =	vand.u32 $0x7, v3  }
0xca: {  	v3 =	vor.u32 v3, v4  }
0xcb: {  	v4 =	vperm.xlane v3, v0;
	_ =	sdelay $0x1  }
0xcc: {  	v4 =	vadd.s32 v1, v4;
	_ =	sdelay $0x3  }
0xcd: {  	v3 =	vperm.xlane v3, v2  }
0xce: {  	[tilespmem:s10], [sflag:$0x3] =	stream.indirect_vreg.gather [hbm4b:s1+s3], $0x80, v4, vm0, $0xb8;
	[tilespmem:$0x1B200] =	vst v63  }
0xcf: {  	s5 =	simm.s32 $0x12A00;
	v3 =	vadd.s32 v1, v3  }
0xd0: {  	[tilespmem:s5], [sflag:$0x3] =	stream.indirect_vreg.gather [hbm4b:s13+s3], $0x80, v4, vm0, $0xb8;
	[tilespmem:$0x1B200] =	vst v63  }
0xd1: {  	s5 =	simm.s32 $0x13200  }
0xd2: {  	[tilespmem:s5], [sflag:$0x3] =	stream.indirect_vreg.gather [hbm4b:s14+s3], $0x80, v4, vm0, $0xb8;
	[tilespmem:$0x1B200] =	vst v63  }
0xd3: {  	s5 =	simm.s32 $0x13A00  }
0xd4: {  	[tilespmem:s5], [sflag:$0x3] =	stream.indirect_vreg.gather [hbm4b:s1+s3], $0x80, v3, vm0, $0xb8;
	[tilespmem:$0x1B200] =	vst v63  }
0xd5: {  	s5 =	simm.s32 $0x14200  }
0xd6: {  	[tilespmem:s5], [sflag:$0x3] =	stream.indirect_vreg.gather [hbm4b:s13+s3], $0x80, v3, vm0, $0xb8;
	[tilespmem:$0x1B200] =	vst v63  }
0xd7: {  	s5 =	simm.s32 $0x14A00  }
0xd8: {  	[tilespmem:s5], [sflag:$0x3] =	stream.indirect_vreg.gather [hbm4b:s14+s3], $0x80, v3, vm0, $0xb8;
	[tilespmem:$0x1B200] =	vst v63  }
0xd9: {  	v3 =	vld [tilespmem:$0x190];
	_ =	sdelay $0x4  }
0xda: {  	v39 =	vshrl.u32 v3, $0x3  }
0xdb: {  	v4 =	vmul.u32 $0x30, v39  }
0xdc: {  	v3 =	vand.u32 $0x7, v3  }
0xdd: {  	v3 =	vor.u32 v3, v4  }
0xde: {  	v4 =	vperm.xlane v3, v0;
	_ =	sdelay $0x1  }
0xdf: {  	v4 =	vadd.s32 v1, v4;
	_ =	sdelay $0x3  }
0xe0: {  	v3 =	vperm.xlane v3, v2  }
0xe1: {  	[tilespmem:s2], [sflag:$0x3] =	stream.indirect_vreg.gather [hbm4b:s1+s3], $0x80, v4, vm0, $0xb8;
	[tilespmem:$0x1B200] =	vst v63  }
0xe2: {  	s5 =	simm.s32 $0x15A00;
	v3 =	vadd.s32 v1, v3  }
0xe3: {  	[tilespmem:s5], [sflag:$0x3] =	stream.indirect_vreg.gather [hbm4b:s13+s3], $0x80, v4, vm0, $0xb8;
	[tilespmem:$0x1B200] =	vst v63  }
0xe4: {  	s5 =	simm.s32 $0x16200  }
0xe5: {  	[tilespmem:s5], [sflag:$0x3] =	stream.indirect_vreg.gather [hbm4b:s14+s3], $0x80, v4, vm0, $0xb8;
	[tilespmem:$0x1B200] =	vst v63  }
0xe6: {  	s5 =	simm.s32 $0x16A00  }
0xe7: {  	[tilespmem:s5], [sflag:$0x3] =	stream.indirect_vreg.gather [hbm4b:s1+s3], $0x80, v3, vm0, $0xb8;
	[tilespmem:$0x1B200] =	vst v63  }
0xe8: {  	s5 =	simm.s32 $0x17200  }
0xe9: {  	[tilespmem:s5], [sflag:$0x3] =	stream.indirect_vreg.gather [hbm4b:s13+s3], $0x80, v3, vm0, $0xb8;
	[tilespmem:$0x1B200] =	vst v63  }
0xea: {  	s5 =	simm.s32 $0x17A00  }
0xeb: {  	[tilespmem:s5], [sflag:$0x3] =	stream.indirect_vreg.gather [hbm4b:s14+s3], $0x80, v3, vm0, $0xb8;
	[tilespmem:$0x1B200] =	vst v63  }
0xec: {  	s4 =	rddreg [dreg:$0x9];
	s5 =	simm.s32 $0x19A00  }
0xed: {  	[tilespmem:s5], [sflag:$0x5] =	stream.linear.gather [hbm4b:s4+s3], $0x1800, $0x38;
	[tilespmem:$0x1B200] =	vst v63  }
0xee: {  	_ =	swait.ge [sflag:s24], $0x3000  }
0xef: {  	[sflag:s24] =	ssyncset.done $0x0  }
0xf0: {  	[sflag:s24] =	ssyncadd.s32 $0xFFFFD000  }
0xf1: {  	_ =	swait.ge [sflag:s24], $0x3000  }
0xf2: {  	[sflag:s24] =	ssyncset.done $0x0  }
0xf3: {  	[sflag:s24] =	ssyncadd.s32 $0xFFFFD000  }
0xf4: {  	_ =	swait.ge [sflag:s24], $0x3000  }
0xf5: {  	[sflag:s24] =	ssyncset.done $0x0  }
0xf6: {  	[sflag:s24] =	ssyncadd.s32 $0xFFFFD000  }
0xf7: {  	_ =	swait.ge [sflag:s24], $0x3000  }
0xf8: {  	[sflag:s24] =	ssyncset.done $0x0  }
0xf9: {  	[sflag:s24] =	ssyncadd.s32 $0xFFFFD000  }
0xfa: {  	_ =	swait.ge [sflag:s26], $0x1800  }
0xfb: {  	s5 =	sld [smem:$0x7EB]  }
0xfc: {  	[sflag:s26] =	ssyncset.done $0x0  }
0xfd: {  	[sflag:s26] =	ssyncadd.s32 $0xFFFFE800  }
0xfe: {  	[hbm4b:s5+s3] =	stream.linear.scatter [tilespmem:s23], [sflag:$0x6], $0x3000, $0x38;
	[tilespmem:$0x1B200] =	vst v63  }
0xff: {  	s4 =	rddreg [dreg:$0xa]  }
0x100: {  	[hbm4b:s4+s3] =	stream.linear.scatter [tilespmem:s30], [sflag:$0x6], $0x3000, $0x38;
	[tilespmem:$0x1B200] =	vst v63  }
0x101: {  	s5 =	rddreg [dreg:$0xb]  }
0x102: {  	[hbm4b:s5+s3] =	stream.linear.scatter [tilespmem:s7], [sflag:$0x6], $0x3000, $0x38;
	[tilespmem:$0x1B200] =	vst v63  }
0x103: {  	s4 =	rddreg [dreg:$0xc]  }
0x104: {  	[hbm4b:s4+s3] =	stream.linear.scatter [tilespmem:s18], [sflag:$0x6], $0x3000, $0x38;
	[tilespmem:$0x1B200] =	vst v63  }
0x105: {  	_ =	swait.ge [sflag:s28], $0x3000  }
0x106: {  	[sflag:s28] =	ssyncset.done $0x0  }
0x107: {  	[sflag:s28] =	ssyncadd.s32 $0xFFFFD000  }
0x108: {  	_ =	swait.ge [sflag:s28], $0x3000  }
0x109: {  	[sflag:s28] =	ssyncset.done $0x0  }
0x10a: {  	[sflag:s28] =	ssyncadd.s32 $0xFFFFD000  }
0x10b: {  	_ =	swait.ge [sflag:s28], $0x3000  }
0x10c: {  	[sflag:s28] =	ssyncset.done $0x0  }
0x10d: {  	[sflag:s28] =	ssyncadd.s32 $0xFFFFD000  }
0x10e: {  	_ =	swait.ge [sflag:s28], $0x3000  }
0x10f: {  	[sflag:s28] =	ssyncset.done $0x0  }
0x110: {  	[sflag:s28] =	ssyncadd.s32 $0xFFFFD000  }
0x111: {  	v3 =	vld [tilespmem:$0x20];
	_ =	sdelay $0x4  }
0x112: {  	v40 =	vshrl.u32 v3, $0x3  }
0x113: {  	v4 =	vmul.u32 $0x30, v40  }
0x114: {  	v3 =	vand.u32 $0x7, v3  }
0x115: {  	v3 =	vor.u32 v3, v4  }
0x116: {  	v4 =	vperm.xlane v3, v0;
	_ =	sdelay $0x1  }
0x117: {  	v4 =	vadd.s32 v1, v4;
	_ =	sdelay $0x3  }
0x118: {  	v3 =	vperm.xlane v3, v2  }
0x119: {  	[tilespmem:s23], [sflag:$0x2] =	stream.indirect_vreg.gather [hbm4b:s1+s3], $0x80, v4, vm0, $0xb8;
	[tilespmem:$0x1B200] =	vst v63  }
0x11a: {  	s5 =	simm.s32 $0xA00;
	v3 =	vadd.s32 v1, v3  }
0x11b: {  	[tilespmem:s5], [sflag:$0x2] =	stream.indirect_vreg.gather [hbm4b:s13+s3], $0x80, v4, vm0, $0xb8;
	[tilespmem:$0x1B200] =	vst v63  }
0x11c: {  	s19 =	simm.s32 $0x1200  }
0x11d: {  	[tilespmem:s19], [sflag:$0x2] =	stream.indirect_vreg.gather [hbm4b:s14+s3], $0x80, v4, vm0, $0xb8;
	[tilespmem:$0x1B200] =	vst v63  }
0x11e: {  	s20 =	simm.s32 $0x1A00  }
0x11f: {  	[tilespmem:s20], [sflag:$0x2] =	stream.indirect_vreg.gather [hbm4b:s1+s3], $0x80, v3, vm0, $0xb8;
	[tilespmem:$0x1B200] =	vst v63  }
0x120: {  	s21 =	simm.s32 $0x2200  }
0x121: {  	[tilespmem:s21], [sflag:$0x2] =	stream.indirect_vreg.gather [hbm4b:s13+s3], $0x80, v3, vm0, $0xb8;
	[tilespmem:$0x1B200] =	vst v63  }
0x122: {  	s8 =	simm.s32 $0x2A00  }
0x123: {  	[tilespmem:s8], [sflag:$0x2] =	stream.indirect_vreg.gather [hbm4b:s14+s3], $0x80, v3, vm0, $0xb8;
	[tilespmem:$0x1B200] =	vst v63  }
0x124: {  	v3 =	vld [tilespmem:$0xA0];
	_ =	sdelay $0x4  }
0x125: {  	v41 =	vshrl.u32 v3, $0x3  }
0x126: {  	v4 =	vmul.u32 $0x30, v41  }
0x127: {  	v3 =	vand.u32 $0x7, v3  }
0x128: {  	v3 =	vor.u32 v3, v4  }
0x129: {  	v4 =	vperm.xlane v3, v0;
	_ =	sdelay $0x1  }
0x12a: {  	v4 =	vadd.s32 v1, v4;
	_ =	sdelay $0x3  }
0x12b: {  	v3 =	vperm.xlane v3, v2  }
0x12c: {  	[tilespmem:s30], [sflag:$0x2] =	stream.indirect_vreg.gather [hbm4b:s1+s3], $0x80, v4, vm0, $0xb8;
	[tilespmem:$0x1B200] =	vst v63  }
0x12d: {  	s22 =	simm.s32 $0x3A00;
	v3 =	vadd.s32 v1, v3  }
0x12e: {  	[tilespmem:s22], [sflag:$0x2] =	stream.indirect_vreg.gather [hbm4b:s13+s3], $0x80, v4, vm0, $0xb8;
	[tilespmem:$0x1B200] =	vst v63  }
0x12f: {  	s22 =	simm.s32 $0x4200  }
0x130: {  	[tilespmem:s22], [sflag:$0x2] =	stream.indirect_vreg.gather [hbm4b:s14+s3], $0x80, v4, vm0, $0xb8;
	[tilespmem:$0x1B200] =	vst v63  }
0x131: {  	s5 =	simm.s32 $0x4A00  }
0x132: {  	[tilespmem:s5], [sflag:$0x2] =	stream.indirect_vreg.gather [hbm4b:s1+s3], $0x80, v3, vm0, $0xb8;
	[tilespmem:$0x1B200] =	vst v63  }
0x133: {  	s8 =	simm.s32 $0x5200  }
0x134: {  	[tilespmem:s8], [sflag:$0x2] =	stream.indirect_vreg.gather [hbm4b:s13+s3], $0x80, v3, vm0, $0xb8;
	[tilespmem:$0x1B200] =	vst v63  }
0x135: {  	s9 =	simm.s32 $0x5A00  }
0x136: {  	[tilespmem:s9], [sflag:$0x2] =	stream.indirect_vreg.gather [hbm4b:s14+s3], $0x80, v3, vm0, $0xb8;
	[tilespmem:$0x1B200] =	vst v63  }
0x137: {  	v3 =	vld [tilespmem:$0x120];
	_ =	sdelay $0x4  }
0x138: {  	v42 =	vshrl.u32 v3, $0x3  }
0x139: {  	v4 =	vmul.u32 $0x30, v42  }
0x13a: {  	v3 =	vand.u32 $0x7, v3  }
0x13b: {  	v3 =	vor.u32 v3, v4  }
0x13c: {  	v4 =	vperm.xlane v3, v0;
	_ =	sdelay $0x1  }
0x13d: {  	v4 =	vadd.s32 v1, v4;
	_ =	sdelay $0x3  }
0x13e: {  	v3 =	vperm.xlane v3, v2  }
0x13f: {  	[tilespmem:s7], [sflag:$0x2] =	stream.indirect_vreg.gather [hbm4b:s1+s3], $0x80, v4, vm0, $0xb8;
	[tilespmem:$0x1B200] =	vst v63  }
0x140: {  	s19 =	simm.s32 $0x6A00;
	v3 =	vadd.s32 v1, v3  }
0x141: {  	[tilespmem:s19], [sflag:$0x2] =	stream.indirect_vreg.gather [hbm4b:s13+s3], $0x80, v4, vm0, $0xb8;
	[tilespmem:$0x1B200] =	vst v63  }
0x142: {  	s20 =	simm.s32 $0x7200  }
0x143: {  	[tilespmem:s20], [sflag:$0x2] =	stream.indirect_vreg.gather [hbm4b:s14+s3], $0x80, v4, vm0, $0xb8;
	[tilespmem:$0x1B200] =	vst v63  }
0x144: {  	s21 =	simm.s32 $0x7A00  }
0x145: {  	[tilespmem:s21], [sflag:$0x2] =	stream.indirect_vreg.gather [hbm4b:s1+s3], $0x80, v3, vm0, $0xb8;
	[tilespmem:$0x1B200] =	vst v63  }
0x146: {  	s22 =	simm.s32 $0x8200  }
0x147: {  	[tilespmem:s22], [sflag:$0x2] =	stream.indirect_vreg.gather [hbm4b:s13+s3], $0x80, v3, vm0, $0xb8;
	[tilespmem:$0x1B200] =	vst v63  }
0x148: {  	s11 =	simm.s32 $0x8A00  }
0x149: {  	[tilespmem:s11], [sflag:$0x2] =	stream.indirect_vreg.gather [hbm4b:s14+s3], $0x80, v3, vm0, $0xb8;
	[tilespmem:$0x1B200] =	vst v63  }
0x14a: {  	v3 =	vld [tilespmem:$0x1A0];
	_ =	sdelay $0x4  }
0x14b: {  	v43 =	vshrl.u32 v3, $0x3  }
0x14c: {  	v4 =	vmul.u32 $0x30, v43  }
0x14d: {  	v3 =	vand.u32 $0x7, v3  }
0x14e: {  	v3 =	vor.u32 v3, v4  }
0x14f: {  	v4 =	vperm.xlane v3, v0;
	_ =	sdelay $0x1  }
0x150: {  	v4 =	vadd.s32 v1, v4;
	_ =	sdelay $0x3  }
0x151: {  	v3 =	vperm.xlane v3, v2  }
0x152: {  	[tilespmem:s18], [sflag:$0x2] =	stream.indirect_vreg.gather [hbm4b:s1+s3], $0x80, v4, vm0, $0xb8;
	[tilespmem:$0x1B200] =	vst v63  }
0x153: {  	s5 =	simm.s32 $0x9A00;
	v3 =	vadd.s32 v1, v3  }
0x154: {  	[tilespmem:s5], [sflag:$0x2] =	stream.indirect_vreg.gather [hbm4b:s13+s3], $0x80, v4, vm0, $0xb8;
	[tilespmem:$0x1B200] =	vst v63  }
0x155: {  	s8 =	simm.s32 $0xA200  }
0x156: {  	[tilespmem:s8], [sflag:$0x2] =	stream.indirect_vreg.gather [hbm4b:s14+s3], $0x80, v4, vm0, $0xb8;
	[tilespmem:$0x1B200] =	vst v63  }
0x157: {  	s9 =	simm.s32 $0xAA00  }
0x158: {  	[tilespmem:s9], [sflag:$0x2] =	stream.indirect_vreg.gather [hbm4b:s1+s3], $0x80, v3, vm0, $0xb8;
	[tilespmem:$0x1B200] =	vst v63  }
0x159: {  	s12 =	simm.s32 $0xB200  }
0x15a: {  	[tilespmem:s12], [sflag:$0x2] =	stream.indirect_vreg.gather [hbm4b:s13+s3], $0x80, v3, vm0, $0xb8;
	[tilespmem:$0x1B200] =	vst v63  }
0x15b: {  	s12 =	simm.s32 $0xBA00  }
0x15c: {  	[tilespmem:s12], [sflag:$0x2] =	stream.indirect_vreg.gather [hbm4b:s14+s3], $0x80, v3, vm0, $0xb8;
	[tilespmem:$0x1B200] =	vst v63  }
0x15d: {  	s17 =	simm.s32 $0x18200;
	s11 =	rddreg [dreg:$0xd]  }
0x15e: {  	[tilespmem:s17], [sflag:$0x4] =	stream.linear.gather [hbm4b:s11+s3], $0x1800, $0x38;
	[tilespmem:$0x1B200] =	vst v63  }
0x15f: {  	_ =	swait.ge [sflag:s29], $0x3000  }
0x160: {  	[sflag:s29] =	ssyncset.done $0x0  }
0x161: {  	[sflag:s29] =	ssyncadd.s32 $0xFFFFD000  }
0x162: {  	_ =	swait.ge [sflag:s29], $0x3000  }
0x163: {  	[sflag:s29] =	ssyncset.done $0x0  }
0x164: {  	[sflag:s29] =	ssyncadd.s32 $0xFFFFD000  }
0x165: {  	_ =	swait.ge [sflag:s29], $0x3000  }
0x166: {  	[sflag:s29] =	ssyncset.done $0x0  }
0x167: {  	[sflag:s29] =	ssyncadd.s32 $0xFFFFD000  }
0x168: {  	_ =	swait.ge [sflag:s29], $0x3000  }
0x169: {  	[sflag:s29] =	ssyncset.done $0x0  }
0x16a: {  	[sflag:s29] =	ssyncadd.s32 $0xFFFFD000  }
0x16b: {  	_ =	swait.ge [sflag:s31], $0x1800  }
0x16c: {  	s20 =	sld [smem:$0x7EC]  }
0x16d: {  	[sflag:s31] =	ssyncset.done $0x0  }
0x16e: {  	[sflag:s31] =	ssyncadd.s32 $0xFFFFE800  }
0x16f: {  	[hbm4b:s20+s3] =	stream.linear.scatter [tilespmem:s25], [sflag:$0x7], $0x3000, $0x38;
	[tilespmem:$0x1B200] =	vst v63  }
0x170: {  	s19 =	rddreg [dreg:$0xe]  }
0x171: {  	[hbm4b:s19+s3] =	stream.linear.scatter [tilespmem:s6], [sflag:$0x7], $0x3000, $0x38;
	[tilespmem:$0x1B200] =	vst v63  }
0x172: {  	s21 =	rddreg [dreg:$0xf]  }
0x173: {  	[hbm4b:s21+s3] =	stream.linear.scatter [tilespmem:s10], [sflag:$0x7], $0x3000, $0x38;
	[tilespmem:$0x1B200] =	vst v63  }
0x174: {  	s22 =	rddreg [dreg:$0x10]  }
0x175: {  	[hbm4b:s22+s3] =	stream.linear.scatter [tilespmem:s2], [sflag:$0x7], $0x3000, $0x38;
	[tilespmem:$0x1B200] =	vst v63  }
0x176: {  	_ =	swait.ge [sflag:s0], $0x3000  }
0x177: {  	[sflag:s0] =	ssyncset.done $0x0  }
0x178: {  	[sflag:s0] =	ssyncadd.s32 $0xFFFFD000  }
0x179: {  	_ =	swait.ge [sflag:s0], $0x3000  }
0x17a: {  	[sflag:s0] =	ssyncset.done $0x0  }
0x17b: {  	[sflag:s0] =	ssyncadd.s32 $0xFFFFD000  }
0x17c: {  	_ =	swait.ge [sflag:s0], $0x3000  }
0x17d: {  	[sflag:s0] =	ssyncset.done $0x0  }
0x17e: {  	[sflag:s0] =	ssyncadd.s32 $0xFFFFD000  }
0x17f: {  	_ =	swait.ge [sflag:s0], $0x3000  }
0x180: {  	[sflag:s0] =	ssyncset.done $0x0  }
0x181: {  	[sflag:s0] =	ssyncadd.s32 $0xFFFFD000  }
0x182: {  	v3 =	vld [tilespmem:$0x30];
	_ =	sdelay $0x4  }
0x183: {  	v44 =	vshrl.u32 v3, $0x3  }
0x184: {  	v4 =	vmul.u32 $0x30, v44  }
0x185: {  	v3 =	vand.u32 $0x7, v3  }
0x186: {  	v3 =	vor.u32 v3, v4  }
0x187: {  	v4 =	vperm.xlane v3, v0;
	_ =	sdelay $0x1  }
0x188: {  	v4 =	vadd.s32 v1, v4;
	_ =	sdelay $0x3  }
0x189: {  	v3 =	vperm.xlane v3, v2  }
0x18a: {  	[tilespmem:s25], [sflag:$0x3] =	stream.indirect_vreg.gather [hbm4b:s1+s3], $0x80, v4, vm0, $0xb8;
	[tilespmem:$0x1B200] =	vst v63  }
0x18b: {  	s8 =	simm.s32 $0xCA00;
	v3 =	vadd.s32 v1, v3  }
0x18c: {  	[tilespmem:s8], [sflag:$0x3] =	stream.indirect_vreg.gather [hbm4b:s13+s3], $0x80, v4, vm0, $0xb8;
	[tilespmem:$0x1B200] =	vst v63  }
0x18d: {  	s9 =	simm.s32 $0xD200  }
0x18e: {  	[tilespmem:s9], [sflag:$0x3] =	stream.indirect_vreg.gather [hbm4b:s14+s3], $0x80, v4, vm0, $0xb8;
	[tilespmem:$0x1B200] =	vst v63  }
0x18f: {  	s11 =	simm.s32 $0xDA00  }
0x190: {  	[tilespmem:s11], [sflag:$0x3] =	stream.indirect_vreg.gather [hbm4b:s1+s3], $0x80, v3, vm0, $0xb8;
	[tilespmem:$0x1B200] =	vst v63  }
0x191: {  	s12 =	simm.s32 $0xE200  }
0x192: {  	[tilespmem:s12], [sflag:$0x3] =	stream.indirect_vreg.gather [hbm4b:s13+s3], $0x80, v3, vm0, $0xb8;
	[tilespmem:$0x1B200] =	vst v63  }
0x193: {  	s17 =	simm.s32 $0xEA00  }
0x194: {  	[tilespmem:s17], [sflag:$0x3] =	stream.indirect_vreg.gather [hbm4b:s14+s3], $0x80, v3, vm0, $0xb8;
	[tilespmem:$0x1B200] =	vst v63  }
0x195: {  	v3 =	vld [tilespmem:$0xB0];
	_ =	sdelay $0x4  }
0x196: {  	v45 =	vshrl.u32 v3, $0x3  }
0x197: {  	v4 =	vmul.u32 $0x30, v45  }
0x198: {  	v3 =	vand.u32 $0x7, v3  }
0x199: {  	v3 =	vor.u32 v3, v4  }
0x19a: {  	v4 =	vperm.xlane v3, v0;
	_ =	sdelay $0x1  }
0x19b: {  	v4 =	vadd.s32 v1, v4;
	_ =	sdelay $0x3  }
0x19c: {  	v3 =	vperm.xlane v3, v2  }
0x19d: {  	[tilespmem:s6], [sflag:$0x3] =	stream.indirect_vreg.gather [hbm4b:s1+s3], $0x80, v4, vm0, $0xb8;
	[tilespmem:$0x1B200] =	vst v63  }
0x19e: {  	s19 =	simm.s32 $0xFA00;
	v3 =	vadd.s32 v1, v3  }
0x19f: {  	[tilespmem:s19], [sflag:$0x3] =	stream.indirect_vreg.gather [hbm4b:s13+s3], $0x80, v4, vm0, $0xb8;
	[tilespmem:$0x1B200] =	vst v63  }
0x1a0: {  	s20 =	simm.s32 $0x10200  }
0x1a1: {  	[tilespmem:s20], [sflag:$0x3] =	stream.indirect_vreg.gather [hbm4b:s14+s3], $0x80, v4, vm0, $0xb8;
	[tilespmem:$0x1B200] =	vst v63  }
0x1a2: {  	s21 =	simm.s32 $0x10A00  }
0x1a3: {  	[tilespmem:s21], [sflag:$0x3] =	stream.indirect_vreg.gather [hbm4b:s1+s3], $0x80, v3, vm0, $0xb8;
	[tilespmem:$0x1B200] =	vst v63  }
0x1a4: {  	s22 =	simm.s32 $0x11200  }
0x1a5: {  	[tilespmem:s22], [sflag:$0x3] =	stream.indirect_vreg.gather [hbm4b:s13+s3], $0x80, v3, vm0, $0xb8;
	[tilespmem:$0x1B200] =	vst v63  }
0x1a6: {  	s5 =	simm.s32 $0x11A00  }
0x1a7: {  	[tilespmem:s5], [sflag:$0x3] =	stream.indirect_vreg.gather [hbm4b:s14+s3], $0x80, v3, vm0, $0xb8;
	[tilespmem:$0x1B200] =	vst v63  }
0x1a8: {  	v3 =	vld [tilespmem:$0x130];
	_ =	sdelay $0x4  }
0x1a9: {  	v46 =	vshrl.u32 v3, $0x3  }
0x1aa: {  	v4 =	vmul.u32 $0x30, v46  }
0x1ab: {  	v3 =	vand.u32 $0x7, v3  }
0x1ac: {  	v3 =	vor.u32 v3, v4  }
0x1ad: {  	v4 =	vperm.xlane v3, v0;
	_ =	sdelay $0x1  }
0x1ae: {  	v4 =	vadd.s32 v1, v4;
	_ =	sdelay $0x3  }
0x1af: {  	v3 =	vperm.xlane v3, v2  }
0x1b0: {  	[tilespmem:s10], [sflag:$0x3] =	stream.indirect_vreg.gather [hbm4b:s1+s3], $0x80, v4, vm0, $0xb8;
	[tilespmem:$0x1B200] =	vst v63  }
0x1b1: {  	s22 =	simm.s32 $0x12A00;
	v3 =	vadd.s32 v1, v3  }
0x1b2: {  	[tilespmem:s22], [sflag:$0x3] =	stream.indirect_vreg.gather [hbm4b:s13+s3], $0x80, v4, vm0, $0xb8;
	[tilespmem:$0x1B200] =	vst v63  }
0x1b3: {  	s5 =	simm.s32 $0x13200  }
0x1b4: {  	[tilespmem:s5], [sflag:$0x3] =	stream.indirect_vreg.gather [hbm4b:s14+s3], $0x80, v4, vm0, $0xb8;
	[tilespmem:$0x1B200] =	vst v63  }
0x1b5: {  	s5 =	simm.s32 $0x13A00  }
0x1b6: {  	[tilespmem:s5], [sflag:$0x3] =	stream.indirect_vreg.gather [hbm4b:s1+s3], $0x80, v3, vm0, $0xb8;
	[tilespmem:$0x1B200] =	vst v63  }
0x1b7: {  	s5 =	simm.s32 $0x14200  }
0x1b8: {  	[tilespmem:s5], [sflag:$0x3] =	stream.indirect_vreg.gather [hbm4b:s13+s3], $0x80, v3, vm0, $0xb8;
	[tilespmem:$0x1B200] =	vst v63  }
0x1b9: {  	s5 =	simm.s32 $0x14A00  }
0x1ba: {  	[tilespmem:s5], [sflag:$0x3] =	stream.indirect_vreg.gather [hbm4b:s14+s3], $0x80, v3, vm0, $0xb8;
	[tilespmem:$0x1B200] =	vst v63  }
0x1bb: {  	v3 =	vld [tilespmem:$0x1B0];
	_ =	sdelay $0x4  }
0x1bc: {  	v47 =	vshrl.u32 v3, $0x3  }
0x1bd: {  	v4 =	vmul.u32 $0x30, v47  }
0x1be: {  	v3 =	vand.u32 $0x7, v3  }
0x1bf: {  	v3 =	vor.u32 v3, v4  }
0x1c0: {  	v4 =	vperm.xlane v3, v0;
	_ =	sdelay $0x1  }
0x1c1: {  	v4 =	vadd.s32 v1, v4;
	_ =	sdelay $0x3  }
0x1c2: {  	v3 =	vperm.xlane v3, v2  }
0x1c3: {  	[tilespmem:s2], [sflag:$0x3] =	stream.indirect_vreg.gather [hbm4b:s1+s3], $0x80, v4, vm0, $0xb8;
	[tilespmem:$0x1B200] =	vst v63  }
0x1c4: {  	s5 =	simm.s32 $0x15A00;
	v3 =	vadd.s32 v1, v3  }
0x1c5: {  	[tilespmem:s5], [sflag:$0x3] =	stream.indirect_vreg.gather [hbm4b:s13+s3], $0x80, v4, vm0, $0xb8;
	[tilespmem:$0x1B200] =	vst v63  }
0x1c6: {  	s5 =	simm.s32 $0x16200  }
0x1c7: {  	[tilespmem:s5], [sflag:$0x3] =	stream.indirect_vreg.gather [hbm4b:s14+s3], $0x80, v4, vm0, $0xb8;
	[tilespmem:$0x1B200] =	vst v63  }
0x1c8: {  	s5 =	simm.s32 $0x16A00  }
0x1c9: {  	[tilespmem:s5], [sflag:$0x3] =	stream.indirect_vreg.gather [hbm4b:s1+s3], $0x80, v3, vm0, $0xb8;
	[tilespmem:$0x1B200] =	vst v63  }
0x1ca: {  	s5 =	simm.s32 $0x17200  }
0x1cb: {  	[tilespmem:s5], [sflag:$0x3] =	stream.indirect_vreg.gather [hbm4b:s13+s3], $0x80, v3, vm0, $0xb8;
	[tilespmem:$0x1B200] =	vst v63  }
0x1cc: {  	s5 =	simm.s32 $0x17A00  }
0x1cd: {  	[tilespmem:s5], [sflag:$0x3] =	stream.indirect_vreg.gather [hbm4b:s14+s3], $0x80, v3, vm0, $0xb8;
	[tilespmem:$0x1B200] =	vst v63  }
0x1ce: {  	s4 =	rddreg [dreg:$0x11];
	s5 =	simm.s32 $0x19A00  }
0x1cf: {  	[tilespmem:s5], [sflag:$0x5] =	stream.linear.gather [hbm4b:s4+s3], $0x1800, $0x38;
	[tilespmem:$0x1B200] =	vst v63  }
0x1d0: {  	_ =	swait.ge [sflag:s24], $0x3000  }
0x1d1: {  	[sflag:s24] =	ssyncset.done $0x0  }
0x1d2: {  	[sflag:s24] =	ssyncadd.s32 $0xFFFFD000  }
0x1d3: {  	_ =	swait.ge [sflag:s24], $0x3000  }
0x1d4: {  	[sflag:s24] =	ssyncset.done $0x0  }
0x1d5: {  	[sflag:s24] =	ssyncadd.s32 $0xFFFFD000  }
0x1d6: {  	_ =	swait.ge [sflag:s24], $0x3000  }
0x1d7: {  	[sflag:s24] =	ssyncset.done $0x0  }
0x1d8: {  	[sflag:s24] =	ssyncadd.s32 $0xFFFFD000  }
0x1d9: {  	_ =	swait.ge [sflag:s24], $0x3000  }
0x1da: {  	[sflag:s24] =	ssyncset.done $0x0  }
0x1db: {  	[sflag:s24] =	ssyncadd.s32 $0xFFFFD000  }
0x1dc: {  	_ =	swait.ge [sflag:s26], $0x1800  }
0x1dd: {  	s5 =	sld [smem:$0x7ED]  }
0x1de: {  	[sflag:s26] =	ssyncset.done $0x0  }
0x1df: {  	[sflag:s26] =	ssyncadd.s32 $0xFFFFE800  }
0x1e0: {  	[hbm4b:s5+s3] =	stream.linear.scatter [tilespmem:s23], [sflag:$0x6], $0x3000, $0x38;
	[tilespmem:$0x1B200] =	vst v63  }
0x1e1: {  	s4 =	rddreg [dreg:$0x12]  }
0x1e2: {  	[hbm4b:s4+s3] =	stream.linear.scatter [tilespmem:s30], [sflag:$0x6], $0x3000, $0x38;
	[tilespmem:$0x1B200] =	vst v63  }
0x1e3: {  	s5 =	rddreg [dreg:$0x13]  }
0x1e4: {  	[hbm4b:s5+s3] =	stream.linear.scatter [tilespmem:s7], [sflag:$0x6], $0x3000, $0x38;
	[tilespmem:$0x1B200] =	vst v63  }
0x1e5: {  	s4 =	rddreg [dreg:$0x14]  }
0x1e6: {  	[hbm4b:s4+s3] =	stream.linear.scatter [tilespmem:s18], [sflag:$0x6], $0x3000, $0x38;
	[tilespmem:$0x1B200] =	vst v63  }
0x1e7: {  	_ =	swait.ge [sflag:s28], $0x3000  }
0x1e8: {  	[sflag:s28] =	ssyncset.done $0x0  }
0x1e9: {  	[sflag:s28] =	ssyncadd.s32 $0xFFFFD000  }
0x1ea: {  	_ =	swait.ge [sflag:s28], $0x3000  }
0x1eb: {  	[sflag:s28] =	ssyncset.done $0x0  }
0x1ec: {  	[sflag:s28] =	ssyncadd.s32 $0xFFFFD000  }
0x1ed: {  	_ =	swait.ge [sflag:s28], $0x3000  }
0x1ee: {  	[sflag:s28] =	ssyncset.done $0x0  }
0x1ef: {  	[sflag:s28] =	ssyncadd.s32 $0xFFFFD000  }
0x1f0: {  	_ =	swait.ge [sflag:s28], $0x3000  }
0x1f1: {  	[sflag:s28] =	ssyncset.done $0x0  }
0x1f2: {  	[sflag:s28] =	ssyncadd.s32 $0xFFFFD000  }
0x1f3: {  	v3 =	vld [tilespmem:$0x40];
	_ =	sdelay $0x4  }
0x1f4: {  	v48 =	vshrl.u32 v3, $0x3  }
0x1f5: {  	v4 =	vmul.u32 $0x30, v48  }
0x1f6: {  	v3 =	vand.u32 $0x7, v3  }
0x1f7: {  	v3 =	vor.u32 v3, v4  }
0x1f8: {  	v4 =	vperm.xlane v3, v0;
	_ =	sdelay $0x1  }
0x1f9: {  	v4 =	vadd.s32 v1, v4;
	_ =	sdelay $0x3  }
0x1fa: {  	v3 =	vperm.xlane v3, v2  }
0x1fb: {  	[tilespmem:s23], [sflag:$0x2] =	stream.indirect_vreg.gather [hbm4b:s1+s3], $0x80, v4, vm0, $0xb8;
	[tilespmem:$0x1B200] =	vst v63  }
0x1fc: {  	s5 =	simm.s32 $0xA00;
	v3 =	vadd.s32 v1, v3  }
0x1fd: {  	[tilespmem:s5], [sflag:$0x2] =	stream.indirect_vreg.gather [hbm4b:s13+s3], $0x80, v4, vm0, $0xb8;
	[tilespmem:$0x1B200] =	vst v63  }
0x1fe: {  	s5 =	simm.s32 $0x1200  }
0x1ff: {  	[tilespmem:s5], [sflag:$0x2] =	stream.indirect_vreg.gather [hbm4b:s14+s3], $0x80, v4, vm0, $0xb8;
	[tilespmem:$0x1B200] =	vst v63  }
0x200: {  	s5 =	simm.s32 $0x1A00  }
0x201: {  	[tilespmem:s5], [sflag:$0x2] =	stream.indirect_vreg.gather [hbm4b:s1+s3], $0x80, v3, vm0, $0xb8;
	[tilespmem:$0x1B200] =	vst v63  }
0x202: {  	s5 =	simm.s32 $0x2200  }
0x203: {  	[tilespmem:s5], [sflag:$0x2] =	stream.indirect_vreg.gather [hbm4b:s13+s3], $0x80, v3, vm0, $0xb8;
	[tilespmem:$0x1B200] =	vst v63  }
0x204: {  	s5 =	simm.s32 $0x2A00  }
0x205: {  	[tilespmem:s5], [sflag:$0x2] =	stream.indirect_vreg.gather [hbm4b:s14+s3], $0x80, v3, vm0, $0xb8;
	[tilespmem:$0x1B200] =	vst v63  }
0x206: {  	v3 =	vld [tilespmem:$0xC0];
	_ =	sdelay $0x4  }
0x207: {  	v49 =	vshrl.u32 v3, $0x3  }
0x208: {  	v4 =	vmul.u32 $0x30, v49  }
0x209: {  	v3 =	vand.u32 $0x7, v3  }
0x20a: {  	v3 =	vor.u32 v3, v4  }
0x20b: {  	v4 =	vperm.xlane v3, v0;
	_ =	sdelay $0x1  }
0x20c: {  	v4 =	vadd.s32 v1, v4;
	_ =	sdelay $0x3  }
0x20d: {  	v3 =	vperm.xlane v3, v2  }
0x20e: {  	[tilespmem:s30], [sflag:$0x2] =	stream.indirect_vreg.gather [hbm4b:s1+s3], $0x80, v4, vm0, $0xb8;
	[tilespmem:$0x1B200] =	vst v63  }
0x20f: {  	s5 =	simm.s32 $0x3A00;
	v3 =	vadd.s32 v1, v3  }
0x210: {  	[tilespmem:s5], [sflag:$0x2] =	stream.indirect_vreg.gather [hbm4b:s13+s3], $0x80, v4, vm0, $0xb8;
	[tilespmem:$0x1B200] =	vst v63  }
0x211: {  	s5 =	simm.s32 $0x4200  }
0x212: {  	[tilespmem:s5], [sflag:$0x2] =	stream.indirect_vreg.gather [hbm4b:s14+s3], $0x80, v4, vm0, $0xb8;
	[tilespmem:$0x1B200] =	vst v63  }
0x213: {  	s5 =	simm.s32 $0x4A00  }
0x214: {  	[tilespmem:s5], [sflag:$0x2] =	stream.indirect_vreg.gather [hbm4b:s1+s3], $0x80, v3, vm0, $0xb8;
	[tilespmem:$0x1B200] =	vst v63  }
0x215: {  	s5 =	simm.s32 $0x5200  }
0x216: {  	[tilespmem:s5], [sflag:$0x2] =	stream.indirect_vreg.gather [hbm4b:s13+s3], $0x80, v3, vm0, $0xb8;
	[tilespmem:$0x1B200] =	vst v63  }
0x217: {  	s5 =	simm.s32 $0x5A00  }
0x218: {  	[tilespmem:s5], [sflag:$0x2] =	stream.indirect_vreg.gather [hbm4b:s14+s3], $0x80, v3, vm0, $0xb8;
	[tilespmem:$0x1B200] =	vst v63  }
0x219: {  	v3 =	vld [tilespmem:$0x140];
	_ =	sdelay $0x4  }
0x21a: {  	v50 =	vshrl.u32 v3, $0x3  }
0x21b: {  	v4 =	vmul.u32 $0x30, v50  }
0x21c: {  	v3 =	vand.u32 $0x7, v3  }
0x21d: {  	v3 =	vor.u32 v3, v4  }
0x21e: {  	v4 =	vperm.xlane v3, v0;
	_ =	sdelay $0x1  }
0x21f: {  	v4 =	vadd.s32 v1, v4;
	_ =	sdelay $0x3  }
0x220: {  	v3 =	vperm.xlane v3, v2  }
0x221: {  	[tilespmem:s7], [sflag:$0x2] =	stream.indirect_vreg.gather [hbm4b:s1+s3], $0x80, v4, vm0, $0xb8;
	[tilespmem:$0x1B200] =	vst v63  }
0x222: {  	s5 =	simm.s32 $0x6A00;
	v3 =	vadd.s32 v1, v3  }
0x223: {  	[tilespmem:s5], [sflag:$0x2] =	stream.indirect_vreg.gather [hbm4b:s13+s3], $0x80, v4, vm0, $0xb8;
	[tilespmem:$0x1B200] =	vst v63  }
0x224: {  	s5 =	simm.s32 $0x7200  }
0x225: {  	[tilespmem:s5], [sflag:$0x2] =	stream.indirect_vreg.gather [hbm4b:s14+s3], $0x80, v4, vm0, $0xb8;
	[tilespmem:$0x1B200] =	vst v63  }
0x226: {  	s5 =	simm.s32 $0x7A00  }
0x227: {  	[tilespmem:s5], [sflag:$0x2] =	stream.indirect_vreg.gather [hbm4b:s1+s3], $0x80, v3, vm0, $0xb8;
	[tilespmem:$0x1B200] =	vst v63  }
0x228: {  	s5 =	simm.s32 $0x8200  }
0x229: {  	[tilespmem:s5], [sflag:$0x2] =	stream.indirect_vreg.gather [hbm4b:s13+s3], $0x80, v3, vm0, $0xb8;
	[tilespmem:$0x1B200] =	vst v63  }
0x22a: {  	s5 =	simm.s32 $0x8A00  }
0x22b: {  	[tilespmem:s5], [sflag:$0x2] =	stream.indirect_vreg.gather [hbm4b:s14+s3], $0x80, v3, vm0, $0xb8;
	[tilespmem:$0x1B200] =	vst v63  }
0x22c: {  	v3 =	vld [tilespmem:$0x1C0];
	_ =	sdelay $0x4  }
0x22d: {  	v51 =	vshrl.u32 v3, $0x3  }
0x22e: {  	v4 =	vmul.u32 $0x30, v51  }
0x22f: {  	v3 =	vand.u32 $0x7, v3  }
0x230: {  	v3 =	vor.u32 v3, v4  }
0x231: {  	v4 =	vperm.xlane v3, v0;
	_ =	sdelay $0x1  }
0x232: {  	v4 =	vadd.s32 v1, v4;
	_ =	sdelay $0x3  }
0x233: {  	v3 =	vperm.xlane v3, v2  }
0x234: {  	[tilespmem:s18], [sflag:$0x2] =	stream.indirect_vreg.gather [hbm4b:s1+s3], $0x80, v4, vm0, $0xb8;
	[tilespmem:$0x1B200] =	vst v63  }
0x235: {  	s5 =	simm.s32 $0x9A00;
	v3 =	vadd.s32 v1, v3  }
0x236: {  	[tilespmem:s5], [sflag:$0x2] =	stream.indirect_vreg.gather [hbm4b:s13+s3], $0x80, v4, vm0, $0xb8;
	[tilespmem:$0x1B200] =	vst v63  }
0x237: {  	s5 =	simm.s32 $0xA200  }
0x238: {  	[tilespmem:s5], [sflag:$0x2] =	stream.indirect_vreg.gather [hbm4b:s14+s3], $0x80, v4, vm0, $0xb8;
	[tilespmem:$0x1B200] =	vst v63  }
0x239: {  	s5 =	simm.s32 $0xAA00  }
0x23a: {  	[tilespmem:s5], [sflag:$0x2] =	stream.indirect_vreg.gather [hbm4b:s1+s3], $0x80, v3, vm0, $0xb8;
	[tilespmem:$0x1B200] =	vst v63  }
0x23b: {  	s5 =	simm.s32 $0xB200  }
0x23c: {  	[tilespmem:s5], [sflag:$0x2] =	stream.indirect_vreg.gather [hbm4b:s13+s3], $0x80, v3, vm0, $0xb8;
	[tilespmem:$0x1B200] =	vst v63  }
0x23d: {  	s5 =	simm.s32 $0xBA00  }
0x23e: {  	[tilespmem:s5], [sflag:$0x2] =	stream.indirect_vreg.gather [hbm4b:s14+s3], $0x80, v3, vm0, $0xb8;
	[tilespmem:$0x1B200] =	vst v63  }
0x23f: {  	s4 =	rddreg [dreg:$0x15];
	s5 =	simm.s32 $0x18200  }
0x240: {  	[tilespmem:s5], [sflag:$0x4] =	stream.linear.gather [hbm4b:s4+s3], $0x1800, $0x38;
	[tilespmem:$0x1B200] =	vst v63  }
0x241: {  	_ =	swait.ge [sflag:s29], $0x3000  }
0x242: {  	[sflag:s29] =	ssyncset.done $0x0  }
0x243: {  	[sflag:s29] =	ssyncadd.s32 $0xFFFFD000  }
0x244: {  	_ =	swait.ge [sflag:s29], $0x3000  }
0x245: {  	[sflag:s29] =	ssyncset.done $0x0  }
0x246: {  	[sflag:s29] =	ssyncadd.s32 $0xFFFFD000  }
0x247: {  	_ =	swait.ge [sflag:s29], $0x3000  }
0x248: {  	[sflag:s29] =	ssyncset.done $0x0  }
0x249: {  	[sflag:s29] =	ssyncadd.s32 $0xFFFFD000  }
0x24a: {  	_ =	swait.ge [sflag:s29], $0x3000  }
0x24b: {  	[sflag:s29] =	ssyncset.done $0x0  }
0x24c: {  	[sflag:s29] =	ssyncadd.s32 $0xFFFFD000  }
0x24d: {  	_ =	swait.ge [sflag:s31], $0x1800  }
0x24e: {  	s5 =	sld [smem:$0x7EE]  }
0x24f: {  	[sflag:s31] =	ssyncset.done $0x0  }
0x250: {  	[sflag:s31] =	ssyncadd.s32 $0xFFFFE800  }
0x251: {  	[hbm4b:s5+s3] =	stream.linear.scatter [tilespmem:s25], [sflag:$0x7], $0x3000, $0x38;
	[tilespmem:$0x1B200] =	vst v63  }
0x252: {  	s4 =	rddreg [dreg:$0x16]  }
0x253: {  	[hbm4b:s4+s3] =	stream.linear.scatter [tilespmem:s6], [sflag:$0x7], $0x3000, $0x38;
	[tilespmem:$0x1B200] =	vst v63  }
0x254: {  	s5 =	rddreg [dreg:$0x17]  }
0x255: {  	[hbm4b:s5+s3] =	stream.linear.scatter [tilespmem:s10], [sflag:$0x7], $0x3000, $0x38;
	[tilespmem:$0x1B200] =	vst v63  }
0x256: {  	s4 =	rddreg [dreg:$0x18]  }
0x257: {  	[hbm4b:s4+s3] =	stream.linear.scatter [tilespmem:s2], [sflag:$0x7], $0x3000, $0x38;
	[tilespmem:$0x1B200] =	vst v63  }
0x258: {  	_ =	swait.ge [sflag:s0], $0x3000  }
0x259: {  	[sflag:s0] =	ssyncset.done $0x0  }
0x25a: {  	[sflag:s0] =	ssyncadd.s32 $0xFFFFD000  }
0x25b: {  	_ =	swait.ge [sflag:s0], $0x3000  }
0x25c: {  	[sflag:s0] =	ssyncset.done $0x0  }
0x25d: {  	[sflag:s0] =	ssyncadd.s32 $0xFFFFD000  }
0x25e: {  	_ =	swait.ge [sflag:s0], $0x3000  }
0x25f: {  	[sflag:s0] =	ssyncset.done $0x0  }
0x260: {  	[sflag:s0] =	ssyncadd.s32 $0xFFFFD000  }
0x261: {  	_ =	swait.ge [sflag:s0], $0x3000  }
0x262: {  	[sflag:s0] =	ssyncset.done $0x0  }
0x263: {  	[sflag:s0] =	ssyncadd.s32 $0xFFFFD000  }
0x264: {  	v3 =	vld [tilespmem:$0x50];
	_ =	sdelay $0x4  }
0x265: {  	v52 =	vshrl.u32 v3, $0x3  }
0x266: {  	v4 =	vmul.u32 $0x30, v52  }
0x267: {  	v3 =	vand.u32 $0x7, v3  }
0x268: {  	v3 =	vor.u32 v3, v4  }
0x269: {  	v4 =	vperm.xlane v3, v0;
	_ =	sdelay $0x1  }
0x26a: {  	v4 =	vadd.s32 v1, v4;
	_ =	sdelay $0x3  }
0x26b: {  	v3 =	vperm.xlane v3, v2  }
0x26c: {  	[tilespmem:s25], [sflag:$0x3] =	stream.indirect_vreg.gather [hbm4b:s1+s3], $0x80, v4, vm0, $0xb8;
	[tilespmem:$0x1B200] =	vst v63  }
0x26d: {  	s8 =	simm.s32 $0xCA00;
	v3 =	vadd.s32 v1, v3  }
0x26e: {  	[tilespmem:s8], [sflag:$0x3] =	stream.indirect_vreg.gather [hbm4b:s13+s3], $0x80, v4, vm0, $0xb8;
	[tilespmem:$0x1B200] =	vst v63  }
0x26f: {  	s9 =	simm.s32 $0xD200  }
0x270: {  	[tilespmem:s9], [sflag:$0x3] =	stream.indirect_vreg.gather [hbm4b:s14+s3], $0x80, v4, vm0, $0xb8;
	[tilespmem:$0x1B200] =	vst v63  }
0x271: {  	s11 =	simm.s32 $0xDA00  }
0x272: {  	[tilespmem:s11], [sflag:$0x3] =	stream.indirect_vreg.gather [hbm4b:s1+s3], $0x80, v3, vm0, $0xb8;
	[tilespmem:$0x1B200] =	vst v63  }
0x273: {  	s12 =	simm.s32 $0xE200  }
0x274: {  	[tilespmem:s12], [sflag:$0x3] =	stream.indirect_vreg.gather [hbm4b:s13+s3], $0x80, v3, vm0, $0xb8;
	[tilespmem:$0x1B200] =	vst v63  }
0x275: {  	s5 =	simm.s32 $0xEA00  }
0x276: {  	[tilespmem:s5], [sflag:$0x3] =	stream.indirect_vreg.gather [hbm4b:s14+s3], $0x80, v3, vm0, $0xb8;
	[tilespmem:$0x1B200] =	vst v63  }
0x277: {  	v3 =	vld [tilespmem:$0xD0];
	_ =	sdelay $0x4  }
0x278: {  	v53 =	vshrl.u32 v3, $0x3  }
0x279: {  	v4 =	vmul.u32 $0x30, v53  }
0x27a: {  	v3 =	vand.u32 $0x7, v3  }
0x27b: {  	v3 =	vor.u32 v3, v4  }
0x27c: {  	v4 =	vperm.xlane v3, v0;
	_ =	sdelay $0x1  }
0x27d: {  	v4 =	vadd.s32 v1, v4;
	_ =	sdelay $0x3  }
0x27e: {  	v3 =	vperm.xlane v3, v2  }
0x27f: {  	[tilespmem:s6], [sflag:$0x3] =	stream.indirect_vreg.gather [hbm4b:s1+s3], $0x80, v4, vm0, $0xb8;
	[tilespmem:$0x1B200] =	vst v63  }
0x280: {  	s17 =	simm.s32 $0xFA00;
	v3 =	vadd.s32 v1, v3  }
0x281: {  	[tilespmem:s17], [sflag:$0x3] =	stream.indirect_vreg.gather [hbm4b:s13+s3], $0x80, v4, vm0, $0xb8;
	[tilespmem:$0x1B200] =	vst v63  }
0x282: {  	s19 =	simm.s32 $0x10200  }
0x283: {  	[tilespmem:s19], [sflag:$0x3] =	stream.indirect_vreg.gather [hbm4b:s14+s3], $0x80, v4, vm0, $0xb8;
	[tilespmem:$0x1B200] =	vst v63  }
0x284: {  	s20 =	simm.s32 $0x10A00  }
0x285: {  	[tilespmem:s20], [sflag:$0x3] =	stream.indirect_vreg.gather [hbm4b:s1+s3], $0x80, v3, vm0, $0xb8;
	[tilespmem:$0x1B200] =	vst v63  }
0x286: {  	s21 =	simm.s32 $0x11200  }
0x287: {  	[tilespmem:s21], [sflag:$0x3] =	stream.indirect_vreg.gather [hbm4b:s13+s3], $0x80, v3, vm0, $0xb8;
	[tilespmem:$0x1B200] =	vst v63  }
0x288: {  	s5 =	simm.s32 $0x11A00  }
0x289: {  	[tilespmem:s5], [sflag:$0x3] =	stream.indirect_vreg.gather [hbm4b:s14+s3], $0x80, v3, vm0, $0xb8;
	[tilespmem:$0x1B200] =	vst v63  }
0x28a: {  	v3 =	vld [tilespmem:$0x150];
	_ =	sdelay $0x4  }
0x28b: {  	v54 =	vshrl.u32 v3, $0x3  }
0x28c: {  	v4 =	vmul.u32 $0x30, v54  }
0x28d: {  	v3 =	vand.u32 $0x7, v3  }
0x28e: {  	v3 =	vor.u32 v3, v4  }
0x28f: {  	v4 =	vperm.xlane v3, v0;
	_ =	sdelay $0x1  }
0x290: {  	v4 =	vadd.s32 v1, v4;
	_ =	sdelay $0x3  }
0x291: {  	v3 =	vperm.xlane v3, v2  }
0x292: {  	[tilespmem:s10], [sflag:$0x3] =	stream.indirect_vreg.gather [hbm4b:s1+s3], $0x80, v4, vm0, $0xb8;
	[tilespmem:$0x1B200] =	vst v63  }
0x293: {  	s22 =	simm.s32 $0x12A00;
	v3 =	vadd.s32 v1, v3  }
0x294: {  	[tilespmem:s22], [sflag:$0x3] =	stream.indirect_vreg.gather [hbm4b:s13+s3], $0x80, v4, vm0, $0xb8;
	[tilespmem:$0x1B200] =	vst v63  }
0x295: {  	s5 =	simm.s32 $0x13200  }
0x296: {  	[tilespmem:s5], [sflag:$0x3] =	stream.indirect_vreg.gather [hbm4b:s14+s3], $0x80, v4, vm0, $0xb8;
	[tilespmem:$0x1B200] =	vst v63  }
0x297: {  	s5 =	simm.s32 $0x13A00  }
0x298: {  	[tilespmem:s5], [sflag:$0x3] =	stream.indirect_vreg.gather [hbm4b:s1+s3], $0x80, v3, vm0, $0xb8;
	[tilespmem:$0x1B200] =	vst v63  }
0x299: {  	s5 =	simm.s32 $0x14200  }
0x29a: {  	[tilespmem:s5], [sflag:$0x3] =	stream.indirect_vreg.gather [hbm4b:s13+s3], $0x80, v3, vm0, $0xb8;
	[tilespmem:$0x1B200] =	vst v63  }
0x29b: {  	s5 =	simm.s32 $0x14A00  }
0x29c: {  	[tilespmem:s5], [sflag:$0x3] =	stream.indirect_vreg.gather [hbm4b:s14+s3], $0x80, v3, vm0, $0xb8;
	[tilespmem:$0x1B200] =	vst v63  }
0x29d: {  	v3 =	vld [tilespmem:$0x1D0];
	_ =	sdelay $0x4  }
0x29e: {  	v55 =	vshrl.u32 v3, $0x3  }
0x29f: {  	v4 =	vmul.u32 $0x30, v55  }
0x2a0: {  	v3 =	vand.u32 $0x7, v3  }
0x2a1: {  	v3 =	vor.u32 v3, v4  }
0x2a2: {  	v4 =	vperm.xlane v3, v0;
	_ =	sdelay $0x1  }
0x2a3: {  	v4 =	vadd.s32 v1, v4;
	_ =	sdelay $0x3  }
0x2a4: {  	v3 =	vperm.xlane v3, v2  }
0x2a5: {  	[tilespmem:s2], [sflag:$0x3] =	stream.indirect_vreg.gather [hbm4b:s1+s3], $0x80, v4, vm0, $0xb8;
	[tilespmem:$0x1B200] =	vst v63  }
0x2a6: {  	s5 =	simm.s32 $0x15A00;
	v3 =	vadd.s32 v1, v3  }
0x2a7: {  	[tilespmem:s5], [sflag:$0x3] =	stream.indirect_vreg.gather [hbm4b:s13+s3], $0x80, v4, vm0, $0xb8;
	[tilespmem:$0x1B200] =	vst v63  }
0x2a8: {  	s5 =	simm.s32 $0x16200  }
0x2a9: {  	[tilespmem:s5], [sflag:$0x3] =	stream.indirect_vreg.gather [hbm4b:s14+s3], $0x80, v4, vm0, $0xb8;
	[tilespmem:$0x1B200] =	vst v63  }
0x2aa: {  	s5 =	simm.s32 $0x16A00  }
0x2ab: {  	[tilespmem:s5], [sflag:$0x3] =	stream.indirect_vreg.gather [hbm4b:s1+s3], $0x80, v3, vm0, $0xb8;
	[tilespmem:$0x1B200] =	vst v63  }
0x2ac: {  	s5 =	simm.s32 $0x17200  }
0x2ad: {  	[tilespmem:s5], [sflag:$0x3] =	stream.indirect_vreg.gather [hbm4b:s13+s3], $0x80, v3, vm0, $0xb8;
	[tilespmem:$0x1B200] =	vst v63  }
0x2ae: {  	s5 =	simm.s32 $0x17A00  }
0x2af: {  	[tilespmem:s5], [sflag:$0x3] =	stream.indirect_vreg.gather [hbm4b:s14+s3], $0x80, v3, vm0, $0xb8;
	[tilespmem:$0x1B200] =	vst v63  }
0x2b0: {  	s4 =	rddreg [dreg:$0x19];
	s5 =	simm.s32 $0x19A00  }
0x2b1: {  	[tilespmem:s5], [sflag:$0x5] =	stream.linear.gather [hbm4b:s4+s3], $0x1800, $0x38;
	[tilespmem:$0x1B200] =	vst v63  }
0x2b2: {  	_ =	swait.ge [sflag:s24], $0x3000  }
0x2b3: {  	[sflag:s24] =	ssyncset.done $0x0  }
0x2b4: {  	[sflag:s24] =	ssyncadd.s32 $0xFFFFD000  }
0x2b5: {  	_ =	swait.ge [sflag:s24], $0x3000  }
0x2b6: {  	[sflag:s24] =	ssyncset.done $0x0  }
0x2b7: {  	[sflag:s24] =	ssyncadd.s32 $0xFFFFD000  }
0x2b8: {  	_ =	swait.ge [sflag:s24], $0x3000  }
0x2b9: {  	[sflag:s24] =	ssyncset.done $0x0  }
0x2ba: {  	[sflag:s24] =	ssyncadd.s32 $0xFFFFD000  }
0x2bb: {  	_ =	swait.ge [sflag:s24], $0x3000  }
0x2bc: {  	[sflag:s24] =	ssyncset.done $0x0  }
0x2bd: {  	[sflag:s24] =	ssyncadd.s32 $0xFFFFD000  }
0x2be: {  	_ =	swait.ge [sflag:s26], $0x1800  }
0x2bf: {  	s5 =	sld [smem:$0x7EF]  }
0x2c0: {  	[sflag:s26] =	ssyncset.done $0x0  }
0x2c1: {  	[sflag:s26] =	ssyncadd.s32 $0xFFFFE800  }
0x2c2: {  	[hbm4b:s5+s3] =	stream.linear.scatter [tilespmem:s23], [sflag:$0x6], $0x3000, $0x38;
	[tilespmem:$0x1B200] =	vst v63  }
0x2c3: {  	s4 =	rddreg [dreg:$0x1a]  }
0x2c4: {  	[hbm4b:s4+s3] =	stream.linear.scatter [tilespmem:s30], [sflag:$0x6], $0x3000, $0x38;
	[tilespmem:$0x1B200] =	vst v63  }
0x2c5: {  	s5 =	rddreg [dreg:$0x1b]  }
0x2c6: {  	[hbm4b:s5+s3] =	stream.linear.scatter [tilespmem:s7], [sflag:$0x6], $0x3000, $0x38;
	[tilespmem:$0x1B200] =	vst v63  }
0x2c7: {  	s4 =	rddreg [dreg:$0x1c]  }
0x2c8: {  	[hbm4b:s4+s3] =	stream.linear.scatter [tilespmem:s18], [sflag:$0x6], $0x3000, $0x38;
	[tilespmem:$0x1B200] =	vst v63  }
0x2c9: {  	_ =	swait.ge [sflag:s28], $0x3000  }
0x2ca: {  	[sflag:s28] =	ssyncset.done $0x0  }
0x2cb: {  	[sflag:s28] =	ssyncadd.s32 $0xFFFFD000  }
0x2cc: {  	_ =	swait.ge [sflag:s28], $0x3000  }
0x2cd: {  	[sflag:s28] =	ssyncset.done $0x0  }
0x2ce: {  	[sflag:s28] =	ssyncadd.s32 $0xFFFFD000  }
0x2cf: {  	_ =	swait.ge [sflag:s28], $0x3000  }
0x2d0: {  	[sflag:s28] =	ssyncset.done $0x0  }
0x2d1: {  	[sflag:s28] =	ssyncadd.s32 $0xFFFFD000  }
0x2d2: {  	_ =	swait.ge [sflag:s28], $0x3000  }
0x2d3: {  	[sflag:s28] =	ssyncset.done $0x0  }
0x2d4: {  	[sflag:s28] =	ssyncadd.s32 $0xFFFFD000  }
0x2d5: {  	v3 =	vld [tilespmem:$0x60];
	_ =	sdelay $0x4  }
0x2d6: {  	v56 =	vshrl.u32 v3, $0x3  }
0x2d7: {  	v4 =	vmul.u32 $0x30, v56  }
0x2d8: {  	v3 =	vand.u32 $0x7, v3  }
0x2d9: {  	v3 =	vor.u32 v3, v4  }
0x2da: {  	v4 =	vperm.xlane v3, v0;
	_ =	sdelay $0x1  }
0x2db: {  	v4 =	vadd.s32 v1, v4;
	_ =	sdelay $0x3  }
0x2dc: {  	v3 =	vperm.xlane v3, v2  }
0x2dd: {  	[tilespmem:s23], [sflag:$0x2] =	stream.indirect_vreg.gather [hbm4b:s1+s3], $0x80, v4, vm0, $0xb8;
	[tilespmem:$0x1B200] =	vst v63  }
0x2de: {  	s5 =	simm.s32 $0xA00;
	v3 =	vadd.s32 v1, v3  }
0x2df: {  	[tilespmem:s5], [sflag:$0x2] =	stream.indirect_vreg.gather [hbm4b:s13+s3], $0x80, v4, vm0, $0xb8;
	[tilespmem:$0x1B200] =	vst v63  }
0x2e0: {  	s5 =	simm.s32 $0x1200  }
0x2e1: {  	[tilespmem:s5], [sflag:$0x2] =	stream.indirect_vreg.gather [hbm4b:s14+s3], $0x80, v4, vm0, $0xb8;
	[tilespmem:$0x1B200] =	vst v63  }
0x2e2: {  	s5 =	simm.s32 $0x1A00  }
0x2e3: {  	[tilespmem:s5], [sflag:$0x2] =	stream.indirect_vreg.gather [hbm4b:s1+s3], $0x80, v3, vm0, $0xb8;
	[tilespmem:$0x1B200] =	vst v63  }
0x2e4: {  	s5 =	simm.s32 $0x2200  }
0x2e5: {  	[tilespmem:s5], [sflag:$0x2] =	stream.indirect_vreg.gather [hbm4b:s13+s3], $0x80, v3, vm0, $0xb8;
	[tilespmem:$0x1B200] =	vst v63  }
0x2e6: {  	s5 =	simm.s32 $0x2A00  }
0x2e7: {  	[tilespmem:s5], [sflag:$0x2] =	stream.indirect_vreg.gather [hbm4b:s14+s3], $0x80, v3, vm0, $0xb8;
	[tilespmem:$0x1B200] =	vst v63  }
0x2e8: {  	v3 =	vld [tilespmem:$0xE0];
	_ =	sdelay $0x4  }
0x2e9: {  	v57 =	vshrl.u32 v3, $0x3  }
0x2ea: {  	v4 =	vmul.u32 $0x30, v57  }
0x2eb: {  	v3 =	vand.u32 $0x7, v3  }
0x2ec: {  	v3 =	vor.u32 v3, v4  }
0x2ed: {  	v4 =	vperm.xlane v3, v0;
	_ =	sdelay $0x1  }
0x2ee: {  	v4 =	vadd.s32 v1, v4;
	_ =	sdelay $0x3  }
0x2ef: {  	v3 =	vperm.xlane v3, v2  }
0x2f0: {  	[tilespmem:s30], [sflag:$0x2] =	stream.indirect_vreg.gather [hbm4b:s1+s3], $0x80, v4, vm0, $0xb8;
	[tilespmem:$0x1B200] =	vst v63  }
0x2f1: {  	s5 =	simm.s32 $0x3A00;
	v3 =	vadd.s32 v1, v3  }
0x2f2: {  	[tilespmem:s5], [sflag:$0x2] =	stream.indirect_vreg.gather [hbm4b:s13+s3], $0x80, v4, vm0, $0xb8;
	[tilespmem:$0x1B200] =	vst v63  }
0x2f3: {  	s5 =	simm.s32 $0x4200  }
0x2f4: {  	[tilespmem:s5], [sflag:$0x2] =	stream.indirect_vreg.gather [hbm4b:s14+s3], $0x80, v4, vm0, $0xb8;
	[tilespmem:$0x1B200] =	vst v63  }
0x2f5: {  	s5 =	simm.s32 $0x4A00  }
0x2f6: {  	[tilespmem:s5], [sflag:$0x2] =	stream.indirect_vreg.gather [hbm4b:s1+s3], $0x80, v3, vm0, $0xb8;
	[tilespmem:$0x1B200] =	vst v63  }
0x2f7: {  	s5 =	simm.s32 $0x5200  }
0x2f8: {  	[tilespmem:s5], [sflag:$0x2] =	stream.indirect_vreg.gather [hbm4b:s13+s3], $0x80, v3, vm0, $0xb8;
	[tilespmem:$0x1B200] =	vst v63  }
0x2f9: {  	s5 =	simm.s32 $0x5A00  }
0x2fa: {  	[tilespmem:s5], [sflag:$0x2] =	stream.indirect_vreg.gather [hbm4b:s14+s3], $0x80, v3, vm0, $0xb8;
	[tilespmem:$0x1B200] =	vst v63  }
0x2fb: {  	v3 =	vld [tilespmem:$0x160];
	_ =	sdelay $0x4  }
0x2fc: {  	v58 =	vshrl.u32 v3, $0x3  }
0x2fd: {  	v4 =	vmul.u32 $0x30, v58  }
0x2fe: {  	v3 =	vand.u32 $0x7, v3  }
0x2ff: {  	v3 =	vor.u32 v3, v4  }
0x300: {  	v4 =	vperm.xlane v3, v0;
	_ =	sdelay $0x1  }
0x301: {  	v4 =	vadd.s32 v1, v4;
	_ =	sdelay $0x3  }
0x302: {  	v3 =	vperm.xlane v3, v2  }
0x303: {  	[tilespmem:s7], [sflag:$0x2] =	stream.indirect_vreg.gather [hbm4b:s1+s3], $0x80, v4, vm0, $0xb8;
	[tilespmem:$0x1B200] =	vst v63  }
0x304: {  	s5 =	simm.s32 $0x6A00;
	v3 =	vadd.s32 v1, v3  }
0x305: {  	[tilespmem:s5], [sflag:$0x2] =	stream.indirect_vreg.gather [hbm4b:s13+s3], $0x80, v4, vm0, $0xb8;
	[tilespmem:$0x1B200] =	vst v63  }
0x306: {  	s5 =	simm.s32 $0x7200  }
0x307: {  	[tilespmem:s5], [sflag:$0x2] =	stream.indirect_vreg.gather [hbm4b:s14+s3], $0x80, v4, vm0, $0xb8;
	[tilespmem:$0x1B200] =	vst v63  }
0x308: {  	s5 =	simm.s32 $0x7A00  }
0x309: {  	[tilespmem:s5], [sflag:$0x2] =	stream.indirect_vreg.gather [hbm4b:s1+s3], $0x80, v3, vm0, $0xb8;
	[tilespmem:$0x1B200] =	vst v63  }
0x30a: {  	s5 =	simm.s32 $0x8200  }
0x30b: {  	[tilespmem:s5], [sflag:$0x2] =	stream.indirect_vreg.gather [hbm4b:s13+s3], $0x80, v3, vm0, $0xb8;
	[tilespmem:$0x1B200] =	vst v63  }
0x30c: {  	s5 =	simm.s32 $0x8A00  }
0x30d: {  	[tilespmem:s5], [sflag:$0x2] =	stream.indirect_vreg.gather [hbm4b:s14+s3], $0x80, v3, vm0, $0xb8;
	[tilespmem:$0x1B200] =	vst v63  }
0x30e: {  	v3 =	vld [tilespmem:$0x1E0];
	_ =	sdelay $0x4  }
0x30f: {  	v59 =	vshrl.u32 v3, $0x3  }
0x310: {  	v4 =	vmul.u32 $0x30, v59  }
0x311: {  	v3 =	vand.u32 $0x7, v3  }
0x312: {  	v3 =	vor.u32 v3, v4  }
0x313: {  	v4 =	vperm.xlane v3, v0;
	_ =	sdelay $0x1  }
0x314: {  	v4 =	vadd.s32 v1, v4;
	_ =	sdelay $0x3  }
0x315: {  	v3 =	vperm.xlane v3, v2  }
0x316: {  	[tilespmem:s18], [sflag:$0x2] =	stream.indirect_vreg.gather [hbm4b:s1+s3], $0x80, v4, vm0, $0xb8;
	[tilespmem:$0x1B200] =	vst v63  }
0x317: {  	s5 =	simm.s32 $0x9A00;
	v3 =	vadd.s32 v1, v3  }
0x318: {  	[tilespmem:s5], [sflag:$0x2] =	stream.indirect_vreg.gather [hbm4b:s13+s3], $0x80, v4, vm0, $0xb8;
	[tilespmem:$0x1B200] =	vst v63  }
0x319: {  	s5 =	simm.s32 $0xA200  }
0x31a: {  	[tilespmem:s5], [sflag:$0x2] =	stream.indirect_vreg.gather [hbm4b:s14+s3], $0x80, v4, vm0, $0xb8;
	[tilespmem:$0x1B200] =	vst v63  }
0x31b: {  	s5 =	simm.s32 $0xAA00  }
0x31c: {  	[tilespmem:s5], [sflag:$0x2] =	stream.indirect_vreg.gather [hbm4b:s1+s3], $0x80, v3, vm0, $0xb8;
	[tilespmem:$0x1B200] =	vst v63  }
0x31d: {  	s5 =	simm.s32 $0xB200  }
0x31e: {  	[tilespmem:s5], [sflag:$0x2] =	stream.indirect_vreg.gather [hbm4b:s13+s3], $0x80, v3, vm0, $0xb8;
	[tilespmem:$0x1B200] =	vst v63  }
0x31f: {  	s5 =	simm.s32 $0xBA00  }
0x320: {  	[tilespmem:s5], [sflag:$0x2] =	stream.indirect_vreg.gather [hbm4b:s14+s3], $0x80, v3, vm0, $0xb8;
	[tilespmem:$0x1B200] =	vst v63  }
0x321: {  	s4 =	rddreg [dreg:$0x1d];
	s5 =	simm.s32 $0x18200  }
0x322: {  	[tilespmem:s5], [sflag:$0x4] =	stream.linear.gather [hbm4b:s4+s3], $0x1800, $0x38;
	[tilespmem:$0x1B200] =	vst v63  }
0x323: {  	_ =	swait.ge [sflag:s29], $0x3000  }
0x324: {  	[sflag:s29] =	ssyncset.done $0x0  }
0x325: {  	[sflag:s29] =	ssyncadd.s32 $0xFFFFD000  }
0x326: {  	_ =	swait.ge [sflag:s29], $0x3000  }
0x327: {  	[sflag:s29] =	ssyncset.done $0x0  }
0x328: {  	[sflag:s29] =	ssyncadd.s32 $0xFFFFD000  }
0x329: {  	_ =	swait.ge [sflag:s29], $0x3000  }
0x32a: {  	[sflag:s29] =	ssyncset.done $0x0  }
0x32b: {  	[sflag:s29] =	ssyncadd.s32 $0xFFFFD000  }
0x32c: {  	_ =	swait.ge [sflag:s29], $0x3000  }
0x32d: {  	[sflag:s29] =	ssyncset.done $0x0  }
0x32e: {  	[sflag:s29] =	ssyncadd.s32 $0xFFFFD000  }
0x32f: {  	_ =	swait.ge [sflag:s31], $0x1800  }
0x330: {  	s5 =	sld [smem:$0x7F0]  }
0x331: {  	[sflag:s31] =	ssyncset.done $0x0  }
0x332: {  	s4 =	rddreg [dreg:$0x1e];
	[sflag:s31] =	ssyncadd.s32 $0xFFFFE800  }
0x333: {  	[hbm4b:s5+s3] =	stream.linear.scatter [tilespmem:s25], [sflag:$0x7], $0x3000, $0x38;
	[tilespmem:$0x1B200] =	vst v63  }
0x334: {  	s5 =	rddreg [dreg:$0x1f]  }
0x335: {  	[hbm4b:s4+s3] =	stream.linear.scatter [tilespmem:s6], [sflag:$0x7], $0x3000, $0x38;
	[tilespmem:$0x1B200] =	vst v63  }
0x336: {  	s4 =	sld [smem:$0x7F1]  }
0x337: {  	[hbm4b:s5+s3] =	stream.linear.scatter [tilespmem:s10], [sflag:$0x7], $0x3000, $0x38;
	[tilespmem:$0x1B200] =	vst v63  }
0x338: {  	_ = 	snop  }
0x339: {  	[hbm4b:s4+s3] =	stream.linear.scatter [tilespmem:s2], [sflag:$0x7], $0x3000, $0x38;
	[tilespmem:$0x1B200] =	vst v63  }
0x33a: {  	_ =	swait.ge [sflag:s0], $0x3000  }
0x33b: {  	[sflag:s0] =	ssyncset.done $0x0  }
0x33c: {  	[sflag:s0] =	ssyncadd.s32 $0xFFFFD000  }
0x33d: {  	_ =	swait.ge [sflag:s0], $0x3000  }
0x33e: {  	[sflag:s0] =	ssyncset.done $0x0  }
0x33f: {  	[sflag:s0] =	ssyncadd.s32 $0xFFFFD000  }
0x340: {  	_ =	swait.ge [sflag:s0], $0x3000  }
0x341: {  	[sflag:s0] =	ssyncset.done $0x0  }
0x342: {  	[sflag:s0] =	ssyncadd.s32 $0xFFFFD000  }
0x343: {  	_ =	swait.ge [sflag:s0], $0x3000  }
0x344: {  	[sflag:s0] =	ssyncset.done $0x0  }
0x345: {  	[sflag:s0] =	ssyncadd.s32 $0xFFFFD000  }
0x346: {  	v3 =	vld [tilespmem:$0x70];
	_ =	sdelay $0x4  }
0x347: {  	v60 =	vshrl.u32 v3, $0x3  }
0x348: {  	v4 =	vmul.u32 $0x30, v60  }
0x349: {  	v3 =	vand.u32 $0x7, v3  }
0x34a: {  	v3 =	vor.u32 v3, v4  }
0x34b: {  	v4 =	vperm.xlane v3, v0;
	_ =	sdelay $0x1  }
0x34c: {  	v4 =	vadd.s32 v1, v4;
	_ =	sdelay $0x3  }
0x34d: {  	v3 =	vperm.xlane v3, v2  }
0x34e: {  	[tilespmem:s25], [sflag:$0x3] =	stream.indirect_vreg.gather [hbm4b:s1+s3], $0x80, v4, vm0, $0xb8;
	[tilespmem:$0x1B200] =	vst v63  }
0x34f: {  	s8 =	simm.s32 $0xCA00;
	v3 =	vadd.s32 v1, v3  }
0x350: {  	[tilespmem:s8], [sflag:$0x3] =	stream.indirect_vreg.gather [hbm4b:s13+s3], $0x80, v4, vm0, $0xb8;
	[tilespmem:$0x1B200] =	vst v63  }
0x351: {  	s9 =	simm.s32 $0xD200  }
0x352: {  	[tilespmem:s9], [sflag:$0x3] =	stream.indirect_vreg.gather [hbm4b:s14+s3], $0x80, v4, vm0, $0xb8;
	[tilespmem:$0x1B200] =	vst v63  }
0x353: {  	s11 =	simm.s32 $0xDA00  }
0x354: {  	[tilespmem:s11], [sflag:$0x3] =	stream.indirect_vreg.gather [hbm4b:s1+s3], $0x80, v3, vm0, $0xb8;
	[tilespmem:$0x1B200] =	vst v63  }
0x355: {  	s12 =	simm.s32 $0xE200  }
0x356: {  	[tilespmem:s12], [sflag:$0x3] =	stream.indirect_vreg.gather [hbm4b:s13+s3], $0x80, v3, vm0, $0xb8;
	[tilespmem:$0x1B200] =	vst v63  }
0x357: {  	s12 =	simm.s32 $0xEA00  }
0x358: {  	[tilespmem:s12], [sflag:$0x3] =	stream.indirect_vreg.gather [hbm4b:s14+s3], $0x80, v3, vm0, $0xb8;
	[tilespmem:$0x1B200] =	vst v63  }
0x359: {  	v3 =	vld [tilespmem:$0xF0];
	_ =	sdelay $0x4  }
0x35a: {  	v61 =	vshrl.u32 v3, $0x3  }
0x35b: {  	v4 =	vmul.u32 $0x30, v61  }
0x35c: {  	v3 =	vand.u32 $0x7, v3  }
0x35d: {  	v3 =	vor.u32 v3, v4  }
0x35e: {  	v4 =	vperm.xlane v3, v0;
	_ =	sdelay $0x1  }
0x35f: {  	v4 =	vadd.s32 v1, v4;
	_ =	sdelay $0x3  }
0x360: {  	v3 =	vperm.xlane v3, v2  }
0x361: {  	[tilespmem:s6], [sflag:$0x3] =	stream.indirect_vreg.gather [hbm4b:s1+s3], $0x80, v4, vm0, $0xb8;
	[tilespmem:$0x1B200] =	vst v63  }
0x362: {  	s17 =	simm.s32 $0xFA00;
	v3 =	vadd.s32 v1, v3  }
0x363: {  	[tilespmem:s17], [sflag:$0x3] =	stream.indirect_vreg.gather [hbm4b:s13+s3], $0x80, v4, vm0, $0xb8;
	[tilespmem:$0x1B200] =	vst v63  }
0x364: {  	s19 =	simm.s32 $0x10200  }
0x365: {  	[tilespmem:s19], [sflag:$0x3] =	stream.indirect_vreg.gather [hbm4b:s14+s3], $0x80, v4, vm0, $0xb8;
	[tilespmem:$0x1B200] =	vst v63  }
0x366: {  	s20 =	simm.s32 $0x10A00  }
0x367: {  	[tilespmem:s20], [sflag:$0x3] =	stream.indirect_vreg.gather [hbm4b:s1+s3], $0x80, v3, vm0, $0xb8;
	[tilespmem:$0x1B200] =	vst v63  }
0x368: {  	s21 =	simm.s32 $0x11200  }
0x369: {  	[tilespmem:s21], [sflag:$0x3] =	stream.indirect_vreg.gather [hbm4b:s13+s3], $0x80, v3, vm0, $0xb8;
	[tilespmem:$0x1B200] =	vst v63  }
0x36a: {  	s21 =	simm.s32 $0x11A00  }
0x36b: {  	[tilespmem:s21], [sflag:$0x3] =	stream.indirect_vreg.gather [hbm4b:s14+s3], $0x80, v3, vm0, $0xb8;
	[tilespmem:$0x1B200] =	vst v63  }
0x36c: {  	v3 =	vld [tilespmem:$0x170];
	_ =	sdelay $0x4  }
0x36d: {  	v62 =	vshrl.u32 v3, $0x3  }
0x36e: {  	v4 =	vmul.u32 $0x30, v62  }
0x36f: {  	v3 =	vand.u32 $0x7, v3  }
0x370: {  	v3 =	vor.u32 v3, v4  }
0x371: {  	v4 =	vperm.xlane v3, v0;
	_ =	sdelay $0x1  }
0x372: {  	v4 =	vadd.s32 v1, v4;
	_ =	sdelay $0x3  }
0x373: {  	v3 =	vperm.xlane v3, v2  }
0x374: {  	[tilespmem:s10], [sflag:$0x3] =	stream.indirect_vreg.gather [hbm4b:s1+s3], $0x80, v4, vm0, $0xb8;
	[tilespmem:$0x1B200] =	vst v63  }
0x375: {  	s22 =	simm.s32 $0x12A00;
	v3 =	vadd.s32 v1, v3  }
0x376: {  	[tilespmem:s22], [sflag:$0x3] =	stream.indirect_vreg.gather [hbm4b:s13+s3], $0x80, v4, vm0, $0xb8;
	[tilespmem:$0x1B200] =	vst v63  }
0x377: {  	s5 =	simm.s32 $0x13200  }
0x378: {  	[tilespmem:s5], [sflag:$0x3] =	stream.indirect_vreg.gather [hbm4b:s14+s3], $0x80, v4, vm0, $0xb8;
	[tilespmem:$0x1B200] =	vst v63  }
0x379: {  	s8 =	simm.s32 $0x13A00  }
0x37a: {  	[tilespmem:s8], [sflag:$0x3] =	stream.indirect_vreg.gather [hbm4b:s1+s3], $0x80, v3, vm0, $0xb8;
	[tilespmem:$0x1B200] =	vst v63  }
0x37b: {  	s9 =	simm.s32 $0x14200  }
0x37c: {  	[tilespmem:s9], [sflag:$0x3] =	stream.indirect_vreg.gather [hbm4b:s13+s3], $0x80, v3, vm0, $0xb8;
	[tilespmem:$0x1B200] =	vst v63  }
0x37d: {  	s11 =	simm.s32 $0x14A00  }
0x37e: {  	[tilespmem:s11], [sflag:$0x3] =	stream.indirect_vreg.gather [hbm4b:s14+s3], $0x80, v3, vm0, $0xb8;
	[tilespmem:$0x1B200] =	vst v63  }
0x37f: {  	v3 =	vld [tilespmem:$0x1F0];
	_ =	sdelay $0x4  }
0x380: {  	v63 =	vshrl.u32 v3, $0x3  }
0x381: {  	v4 =	vmul.u32 $0x30, v63  }
0x382: {  	v3 =	vand.u32 $0x7, v3  }
0x383: {  	v3 =	vor.u32 v3, v4  }
0x384: {  	v4 =	vperm.xlane v3, v0;
	_ =	sdelay $0x1  }
0x385: {  	v4 =	vadd.s32 v1, v4;
	_ =	sdelay $0x3  }
0x386: {  	v3 =	vperm.xlane v3, v2  }
0x387: {  	[tilespmem:s2], [sflag:$0x3] =	stream.indirect_vreg.gather [hbm4b:s1+s3], $0x80, v4, vm0, $0xb8;
	[tilespmem:$0x1B200] =	vst v63  }
0x388: {  	s12 =	simm.s32 $0x15A00;
	v3 =	vadd.s32 v1, v3  }
0x389: {  	[tilespmem:s12], [sflag:$0x3] =	stream.indirect_vreg.gather [hbm4b:s13+s3], $0x80, v4, vm0, $0xb8;
	[tilespmem:$0x1B200] =	vst v63  }
0x38a: {  	s17 =	simm.s32 $0x16200  }
0x38b: {  	[tilespmem:s17], [sflag:$0x3] =	stream.indirect_vreg.gather [hbm4b:s14+s3], $0x80, v4, vm0, $0xb8;
	[tilespmem:$0x1B200] =	vst v63  }
0x38c: {  	s19 =	simm.s32 $0x16A00  }
0x38d: {  	[tilespmem:s19], [sflag:$0x3] =	stream.indirect_vreg.gather [hbm4b:s1+s3], $0x80, v3, vm0, $0xb8;
	[tilespmem:$0x1B200] =	vst v63  }
0x38e: {  	s20 =	simm.s32 $0x17200  }
0x38f: {  	[tilespmem:s20], [sflag:$0x3] =	stream.indirect_vreg.gather [hbm4b:s13+s3], $0x80, v3, vm0, $0xb8;
	[tilespmem:$0x1B200] =	vst v63  }
0x390: {  	s21 =	sld [smem:$0x7F2];
	s22 =	simm.s32 $0x17A00  }
0x391: {  	[tilespmem:s22], [sflag:$0x3] =	stream.indirect_vreg.gather [hbm4b:s14+s3], $0x80, v3, vm0, $0xb8;
	[tilespmem:$0x1B200] =	vst v63  }
0x392: {  	s8 =	simm.s32 $0x19A00  }
0x393: {  	[tilespmem:s8], [sflag:$0x5] =	stream.linear.gather [hbm4b:s21+s3], $0x1800, $0x38;
	[tilespmem:$0x1B200] =	vst v63  }
0x394: {  	_ =	swait.ge [sflag:s24], $0x3000  }
0x395: {  	[sflag:s24] =	ssyncset.done $0x0  }
0x396: {  	[sflag:s24] =	ssyncadd.s32 $0xFFFFD000  }
0x397: {  	_ =	swait.ge [sflag:s24], $0x3000  }
0x398: {  	[sflag:s24] =	ssyncset.done $0x0  }
0x399: {  	[sflag:s24] =	ssyncadd.s32 $0xFFFFD000  }
0x39a: {  	_ =	swait.ge [sflag:s24], $0x3000  }
0x39b: {  	[sflag:s24] =	ssyncset.done $0x0  }
0x39c: {  	[sflag:s24] =	ssyncadd.s32 $0xFFFFD000  }
0x39d: {  	_ =	swait.ge [sflag:s24], $0x3000  }
0x39e: {  	[sflag:s24] =	ssyncset.done $0x0  }
0x39f: {  	[sflag:s24] =	ssyncadd.s32 $0xFFFFD000  }
0x3a0: {  	_ =	swait.ge [sflag:s26], $0x1800  }
0x3a1: {  	s11 =	sld [smem:$0x7F5]  }
0x3a2: {  	[sflag:s26] =	ssyncset.done $0x0  }
0x3a3: {  	s9 =	sld [smem:$0x7F3];
	[sflag:s26] =	ssyncadd.s32 $0xFFFFE800  }
0x3a4: {  	[hbm4b:s11+s3] =	stream.linear.scatter [tilespmem:s23], [sflag:$0x6], $0x3000, $0x38;
	[tilespmem:$0x1B200] =	vst v63  }
0x3a5: {  	s12 =	sld [smem:$0x7F4]  }
0x3a6: {  	[hbm4b:s9+s3] =	stream.linear.scatter [tilespmem:s30], [sflag:$0x6], $0x3000, $0x38;
	[tilespmem:$0x1B200] =	vst v63  }
0x3a7: {  	s17 =	sld [smem:$0x7F6]  }
0x3a8: {  	[hbm4b:s12+s3] =	stream.linear.scatter [tilespmem:s7], [sflag:$0x6], $0x3000, $0x38;
	[tilespmem:$0x1B200] =	vst v63  }
0x3a9: {  	_ = 	snop  }
0x3aa: {  	[hbm4b:s17+s3] =	stream.linear.scatter [tilespmem:s18], [sflag:$0x6], $0x3000, $0x38;
	[tilespmem:$0x1B200] =	vst v63  }
0x3ab: {  	_ =	swait.ge [sflag:s29], $0x3000  }
0x3ac: {  	[sflag:s29] =	ssyncset.done $0x0  }
0x3ad: {  	[sflag:s29] =	ssyncadd.s32 $0xFFFFD000  }
0x3ae: {  	_ =	swait.ge [sflag:s29], $0x3000  }
0x3af: {  	[sflag:s29] =	ssyncset.done $0x0  }
0x3b0: {  	[sflag:s29] =	ssyncadd.s32 $0xFFFFD000  }
0x3b1: {  	_ =	swait.ge [sflag:s29], $0x3000  }
0x3b2: {  	[sflag:s29] =	ssyncset.done $0x0  }
0x3b3: {  	[sflag:s29] =	ssyncadd.s32 $0xFFFFD000  }
0x3b4: {  	_ =	swait.ge [sflag:s29], $0x3000  }
0x3b5: {  	[sflag:s29] =	ssyncset.done $0x0  }
0x3b6: {  	[sflag:s29] =	ssyncadd.s32 $0xFFFFD000  }
0x3b7: {  	_ =	swait.ge [sflag:s31], $0x1800  }
0x3b8: {  	s20 =	sld [smem:$0x7F9]  }
0x3b9: {  	[sflag:s31] =	ssyncset.done $0x0  }
0x3ba: {  	s19 =	sld [smem:$0x7F7];
	[sflag:s31] =	ssyncadd.s32 $0xFFFFE800  }
0x3bb: {  	[hbm4b:s20+s3] =	stream.linear.scatter [tilespmem:s25], [sflag:$0x7], $0x3000, $0x38;
	[tilespmem:$0x1B200] =	vst v63  }
0x3bc: {  	s21 =	sld [smem:$0x7F8]  }
0x3bd: {  	[hbm4b:s19+s3] =	stream.linear.scatter [tilespmem:s6], [sflag:$0x7], $0x3000, $0x38;
	[tilespmem:$0x1B200] =	vst v63  }
0x3be: {  	s22 =	sld [smem:$0x7FA]  }
0x3bf: {  	[hbm4b:s21+s3] =	stream.linear.scatter [tilespmem:s10], [sflag:$0x7], $0x3000, $0x38;
	[tilespmem:$0x1B200] =	vst v63  }
0x3c0: {  	_ = 	snop  }
0x3c1: {  	[hbm4b:s22+s3] =	stream.linear.scatter [tilespmem:s2], [sflag:$0x7], $0x3000, $0x38;
	[tilespmem:$0x1B200] =	vst v63  }
0x3c2: {  	_ =	swait.ge [sflag:s28], $0x3000  }
0x3c3: {  	[sflag:s28] =	ssyncset.done $0x0  }
0x3c4: {  	[sflag:s28] =	ssyncadd.s32 $0xFFFFD000  }
0x3c5: {  	_ =	swait.ge [sflag:s28], $0x3000  }
0x3c6: {  	[sflag:s28] =	ssyncset.done $0x0  }
0x3c7: {  	[sflag:s28] =	ssyncadd.s32 $0xFFFFD000  }
0x3c8: {  	_ =	swait.ge [sflag:s28], $0x3000  }
0x3c9: {  	[sflag:s28] =	ssyncset.done $0x0  }
0x3ca: {  	[sflag:s28] =	ssyncadd.s32 $0xFFFFD000  }
0x3cb: {  	_ =	swait.ge [sflag:s28], $0x3000  }
0x3cc: {  	[sflag:s28] =	ssyncset.done $0x0  }
0x3cd: {  	[sflag:s28] =	ssyncadd.s32 $0xFFFFD000  }
0x3ce: {  	_ =	swait.ge [sflag:s0], $0x3000  }
0x3cf: {  	[sflag:s0] =	ssyncset.done $0x0  }
0x3d0: {  	[sflag:s0] =	ssyncadd.s32 $0xFFFFD000  }
0x3d1: {  	_ =	swait.ge [sflag:s0], $0x3000  }
0x3d2: {  	[sflag:s0] =	ssyncset.done $0x0  }
0x3d3: {  	[sflag:s0] =	ssyncadd.s32 $0xFFFFD000  }
0x3d4: {  	p0 =	sne.s32 s15, $0x1;
	_ =	swait.ge [sflag:s0], $0x3000  }
.Ltmp0:
0x3d5: {  	[sflag:s0] =	ssyncset.done $0x0;
	(pc) =	sbr.rel @p0 .LBB2_1-.Ltmp0, $4  }
0x3d6: {  	[sflag:s0] =	ssyncadd.s32 $0xFFFFD000  }
0x3d7: {  	_ =	swait.ge [sflag:s0], $0x3000  }
0x3d8: {  	[sflag:s0] =	ssyncset.done $0x0  }
0x3d9: {  	s15 =	sadd.s32 $0xFFFFFFFF, s15;
	[sflag:s0] =	ssyncadd.s32 $0xFFFFD000  }
0x3da: {  	_ =	sfence.sel $0x180000  }
0x3db: {  	[bflag:$0x0] =	sbarrier.arrive $0xFFFF  }
0x3dc: {  	_ =	strace $0x90000047  }
0x3dd: {  	s0 =	stileid.u32;
	[bflag:$0x2] =	sbarrier.arrive $0xFFFF  }
0x3de: {  	p0 =	sne.s32 s0, $0x0;
	s0 =	rddreg [dreg:$0x4]  }
0x3df: {  	s0 =	sadd.s32 @!p0 $0x100000, s0  }
0x3e0: {  	[sflag:s0] =	ssyncadd.tile.s32 @!p0 $0x1;
	_ =	shalt  }
.Lfunc_end2:
_tile_overlayer_lowered:
.L_overlay_start_2:
0x3e1: {  	(tag) =	ssettag $0x2  }
0x3e2: {  	s0 =	rddreg [dreg:$0x0];
	s2 =	stileid.u32  }
0x3e3: {  	s1 =	rddreg [dreg:$0x1];
	p0 =	sne.s32 s2, $0x0  }
0x3e4: {  	s3 =	rddreg [dreg:$0x2];
	[bflag:$0x3] =	sbarrier.arrive $0xFFFF;
	s2 =	simm.s32 @!p0 $0x1C08  }
0x3e5: {  	[timem:s3], [sflag:s2] =	dma.local @!p0 [hbm:s0], s1  }
0x3e6: {  	s0 =	simm.s32 @!p0 $0x8  }
0x3e7: {  	_ =	swait.ge @!p0 [sflag:s0], s1  }
0x3e8: {  	s1 =	ssub.s32 @!p0 $0x0, s1;
	[sflag:s0] =	ssyncset.done @!p0 $0x0  }
0x3e9: {  	[sflag:s0] =	ssyncadd.s32 @!p0 s1  }
0x3ea: {  	[bflag:$0x3] =	sbarrier.arrive $0xFFFF  }
0x3eb: {  	_ =	shalt  }

</sc_bundles>
